<compile_context>
chip_gen: v7x
topology: tpu7x:2x2x1
jax: 0.10.2.dev20260603
libtpu: 0.0.44.dev20260713+nightly
codegen_flags: <defaults>
</compile_context>

<pallas_src>
import functools

import jax
import jax.numpy as jnp
from jax import lax
from jax.experimental import pallas as pl
from jax.experimental.pallas import tpu as pltpu
from jax.experimental.pallas import tpu_sc as plsc

N_NODES = 10000
E_EDGES = 160000
H_DIM = 128
OUT_DIM = 128
HALF = OUT_DIM // 2
N_REL = 8
N_BASES = 2

NC = 2
NS = 16
LANES = 16

f32 = jnp.float32
i32 = jnp.int32

EC = 128
NCHUNK = 80
E_PAD = NS * NCHUNK * EC

XC = 80
XCHUNKS = 4
XROWS_W = XC * XCHUNKS
N_PAD = NC * NS * XROWS_W

N_ACC = 10240
ROWS_PER_SUB = N_ACC // NS
NZROWS = 128

_mesh = plsc.VectorSubcoreMesh(
    core_axis_name="c", subcore_axis_name="s", num_cores=NC, num_subcores=NS)


@functools.partial(
    pl.kernel,
    out_type=jax.ShapeDtypeStruct((N_PAD, H_DIM), f32),
    mesh=_mesh,
    scratch_types=[
        pltpu.VMEM((XCHUNKS, XC), i32),
        pltpu.VMEM((XROWS_W, H_DIM), f32),
        pltpu.SemaphoreType.DMA,
    ],
)
def _gather_rows(ids_hbm, table_hbm, x_hbm, idx_v, rows_v, sem):
    c = lax.axis_index("c")
    s = lax.axis_index("s")
    wid = c * NS + s
    pltpu.sync_copy(ids_hbm.at[wid], idx_v)
    for i in range(XCHUNKS):
        pltpu.async_copy(table_hbm.at[idx_v.at[i]],
                         rows_v.at[pl.ds(i * XC, XC)], sem)
    for i in range(XCHUNKS):
        pltpu.make_async_copy(table_hbm.at[idx_v.at[i]],
                              rows_v.at[pl.ds(i * XC, XC)], sem).wait()
    pltpu.sync_copy(rows_v, x_hbm.at[pl.ds(wid * XROWS_W, XROWS_W)])


@functools.partial(
    pl.kernel,
    out_type=jax.ShapeDtypeStruct((NC, N_ACC, HALF), f32),
    mesh=_mesh,
    compiler_params=pltpu.CompilerParams(use_tc_tiling_on_sc=False),
    scratch_types=[
        pltpu.VMEM((NCHUNK, EC), i32),
        pltpu.VMEM((NCHUNK, EC), i32),
        pltpu.VMEM((EC, LANES), f32),
        pltpu.VMEM((EC, LANES), f32),
        pltpu.VMEM((EC, HALF), f32),
        pltpu.VMEM((EC, HALF), f32),
        pltpu.VMEM((NZROWS, HALF), f32),
        pltpu.VMEM_SHARED((N_ACC, HALF), f32),
        pltpu.SemaphoreType.DMA,
        pltpu.SemaphoreType.DMA,
        pltpu.SemaphoreType.DMA,
        pltpu.SemaphoreType.DMA,
    ],
)
def _edge_pass(y_hbm, gidx_hbm, dst_hbm, norm_hbm, zeros_hbm, out_hbm,
               idx_v, dst_v, nb0, nb1, rows0, rows1, zero_v, acc,
               sem0, sem1, nsem0, nsem1):
    c = lax.axis_index("c")
    s = lax.axis_index("s")

    pltpu.sync_copy(zeros_hbm, zero_v)
    for z in range(ROWS_PER_SUB // NZROWS):
        pltpu.sync_copy(zero_v,
                        acc.at[pl.ds(s * ROWS_PER_SUB + z * NZROWS, NZROWS)])

    pltpu.sync_copy(gidx_hbm.at[s], idx_v)
    pltpu.sync_copy(dst_hbm.at[s], dst_v)
    plsc.subcore_barrier()

    yc = y_hbm.at[c]

    pltpu.async_copy(yc.at[idx_v.at[0]], rows0, sem0)
    pltpu.async_copy(norm_hbm.at[s, 0], nb0, nsem0)
    pltpu.async_copy(yc.at[idx_v.at[1]], rows1, sem1)
    pltpu.async_copy(norm_hbm.at[s, 1], nb1, nsem1)

    def process(chunk, rows_ref, nb_ref, sem, nsem):
        pltpu.make_async_copy(yc.at[idx_v.at[chunk]], rows_ref, sem).wait()
        pltpu.make_async_copy(norm_hbm.at[s, chunk], nb_ref, nsem).wait()

        def scale_one(k, carry):
            nrm = nb_ref[k]
            for cb in range(HALF // LANES):
                sl = rows_ref[k, pl.ds(cb * LANES, LANES)]
                rows_ref[k, pl.ds(cb * LANES, LANES)] = sl * nrm
            return carry

        lax.fori_loop(0, EC, scale_one, 0)
        pltpu.sync_copy(rows_ref, acc.at[dst_v.at[chunk]], add=True)

        @pl.when(chunk + 2 < NCHUNK)
        def _():
            pltpu.async_copy(yc.at[idx_v.at[chunk + 2]], rows_ref, sem)
            pltpu.async_copy(norm_hbm.at[s, chunk + 2], nb_ref, nsem)

    def chunk_body(j):
        process(j, rows0, nb0, sem0, nsem0)
        process(j + 1, rows1, nb1, sem1, nsem1)

    pl.loop(0, NCHUNK, step=2)(chunk_body)
    plsc.subcore_barrier()

    for z in range(ROWS_PER_SUB // NZROWS):
        r0 = s * ROWS_PER_SUB + z * NZROWS
        pltpu.sync_copy(acc.at[pl.ds(r0, NZROWS)],
                        out_hbm.at[c, pl.ds(r0, NZROWS)])


BLK = 400
NBLK = N_NODES // BLK


def _split_write(y_ref, r, res):
    y_ref[0, r] = res[:, :HALF]
    y_ref[1, r] = res[:, HALF:]


def _project_body(x_ref, v_ref, comp_ref, y_ref):
    x = x_ref[...]
    xv0 = jnp.dot(x, v_ref[0], preferred_element_type=f32)
    xv1 = jnp.dot(x, v_ref[1], preferred_element_type=f32)
    for r in range(N_REL):
        _split_write(y_ref, r, comp_ref[r, 0] * xv0 + comp_ref[r, 1] * xv1)


_project = pl.pallas_call(
    _project_body,
    grid=(NBLK,),
    in_specs=[
        pl.BlockSpec((BLK, H_DIM), lambda i: (i, 0)),
        pl.BlockSpec((N_BASES, H_DIM, OUT_DIM), lambda i: (0, 0, 0)),
        pl.BlockSpec(memory_space=pltpu.SMEM),
    ],
    out_specs=pl.BlockSpec((NC, N_REL, BLK, HALF), lambda i: (0, 0, i, 0)),
    out_shape=jax.ShapeDtypeStruct((NC, N_REL, N_NODES, HALF), f32),
)


def _combine_project_body(p_ref, v_ref, comp_ref, y_ref):
    h = jnp.concatenate([p_ref[0, 0], p_ref[1, 0]], axis=-1)
    h = jnp.maximum(h, 0.0)
    xv0 = jnp.dot(h, v_ref[0], preferred_element_type=f32)
    xv1 = jnp.dot(h, v_ref[1], preferred_element_type=f32)
    for r in range(N_REL):
        _split_write(y_ref, r, comp_ref[r, 0] * xv0 + comp_ref[r, 1] * xv1)


_combine_project = pl.pallas_call(
    _combine_project_body,
    grid=(NBLK,),
    in_specs=[
        pl.BlockSpec((NC, 1, BLK, HALF), lambda i: (0, 0, i, 0)),
        pl.BlockSpec((N_BASES, H_DIM, OUT_DIM), lambda i: (0, 0, 0)),
        pl.BlockSpec(memory_space=pltpu.SMEM),
    ],
    out_specs=pl.BlockSpec((NC, N_REL, BLK, HALF), lambda i: (0, 0, i, 0)),
    out_shape=jax.ShapeDtypeStruct((NC, N_REL, N_NODES, HALF), f32),
)


def _final_body(p_ref, o_ref):
    o_ref[...] = jnp.concatenate([p_ref[0, 0], p_ref[1, 0]], axis=-1)


_final = pl.pallas_call(
    _final_body,
    grid=(NBLK,),
    in_specs=[pl.BlockSpec((NC, 1, BLK, HALF), lambda i: (0, 0, i, 0))],
    out_specs=pl.BlockSpec((BLK, OUT_DIM), lambda i: (i, 0)),
    out_shape=jax.ShapeDtypeStruct((N_NODES, OUT_DIM), f32),
)


def _prep_edges(edge_index, etype, norm):
    gidx = etype.astype(i32) * N_NODES + edge_index[0].astype(i32)
    pad = E_PAD - E_EDGES
    gidx = jnp.concatenate([gidx, jnp.zeros((pad,), i32)])
    dst = jnp.concatenate([edge_index[1].astype(i32), jnp.zeros((pad,), i32)])
    nrm = jnp.concatenate([norm[:, 0].astype(f32), jnp.zeros((pad,), f32)])
    nrm_b = jnp.broadcast_to(nrm[:, None], (E_PAD, LANES))
    return (gidx.reshape(NS, NCHUNK, EC),
            dst.reshape(NS, NCHUNK, EC),
            nrm_b.reshape(NS, NCHUNK, EC, LANES))


def kernel(src_ids, edge_index1, etype1, norm1, edge_index2, etype2, norm2,
           emb, V1, comp1, V2, comp2):
    ids = jnp.zeros((N_PAD,), i32).at[:N_NODES].set(src_ids.astype(i32))
    ids = ids.reshape(NC * NS, XCHUNKS, XC)
    g1, d1, n1 = _prep_edges(edge_index1, etype1, norm1)
    g2, d2, n2 = _prep_edges(edge_index2, etype2, norm2)
    zeros_blk = jnp.zeros((NZROWS, HALF), f32)

    x = _gather_rows(ids, emb.astype(f32))
    y1 = _project(x[:N_NODES], V1, comp1)
    p1 = _edge_pass(y1.reshape(NC, N_REL * N_NODES, HALF), g1, d1, n1, zeros_blk)
    y2 = _combine_project(p1.reshape(NC, 1, N_ACC, HALF), V2, comp2)
    p2 = _edge_pass(y2.reshape(NC, N_REL * N_NODES, HALF), g2, d2, n2, zeros_blk)
    return _final(p2.reshape(NC, 1, N_ACC, HALF))

# --- scband reference (transcript-rebuilt; emitter-appended) ---
"""Pipeline reference for scband-rgcn-75857712381962 (READ-ONLY COPY).

The authoritative reference and input builder live on the scoring server;
editing this copy changes nothing except your own understanding.
"""

import jax, jax.numpy as jnp
import numpy as np

N = 10000          # nodes in the sampled blocks
E = 160000         # edges per block (avg degree 16)
NUM_NODES = 100000 # global embedding table rows
H = 128            # h_dim
OUT = 128          # out_dim
R = 8              # num_rels
B = 2              # num_bases


def setup_inputs(seed: int = 0) -> dict:
    key = jax.random.key(seed)
    ks = jax.random.split(key, 12)
    src_ids = jax.random.randint(ks[0], (N,), 0, NUM_NODES)
    edge_index1 = jax.random.randint(ks[1], (2, E), 0, N)
    etype1 = jax.random.randint(ks[2], (E,), 0, R)
    norm1 = jax.random.uniform(ks[3], (E, 1), dtype=jnp.float32)
    edge_index2 = jax.random.randint(ks[4], (2, E), 0, N)
    etype2 = jax.random.randint(ks[5], (E,), 0, R)
    norm2 = jax.random.uniform(ks[6], (E, 1), dtype=jnp.float32)
    emb = jax.random.normal(ks[7], (NUM_NODES, H), dtype=jnp.float32) * 0.02
    V1 = jax.random.normal(ks[8], (B, H, H), dtype=jnp.float32) * 0.05
    comp1 = jax.random.normal(ks[9], (R, B), dtype=jnp.float32)
    V2 = jax.random.normal(ks[10], (B, H, OUT), dtype=jnp.float32) * 0.05
    comp2 = jax.random.normal(ks[11], (R, B), dtype=jnp.float32)
    return {
        'src_ids': src_ids,
        'edge_index1': edge_index1, 'etype1': etype1, 'norm1': norm1,
        'edge_index2': edge_index2, 'etype2': etype2, 'norm2': norm2,
        'emb': emb, 'V1': V1, 'comp1': comp1, 'V2': V2, 'comp2': comp2,
    }


def _rel_graph_conv(x, edge_index, etype, norm, V, comp, num_dst):
    # Basis-decomposition RGCN layer: W_r = sum_b comp[r,b] * V_b
    # Efficient form: project x through each basis first, then gather per edge.
    src = edge_index[0]
    dst = edge_index[1]
    xv = jnp.einsum('ni,bio->bno', x, V)  # [B, N, out]
    c = comp[etype]                       # [E, B] gather of relation coefficients
    m = jnp.zeros((src.shape[0], V.shape[2]), dtype=x.dtype)
    for b in range(V.shape[0]):
        m = m + c[:, b:b + 1] * xv[b][src]  # per-edge gather + scale
    m = m * norm
    return jax.ops.segment_sum(m, dst, num_segments=num_dst)


def reference(src_ids, edge_index1, etype1, norm1, edge_index2, etype2, norm2,
              emb, V1, comp1, V2, comp2):
    x = emb[src_ids]  # embedding lookup on global node ids
    h = jax.nn.relu(_rel_graph_conv(x, edge_index1, etype1, norm1, V1, comp1, N))
    h = _rel_graph_conv(h, edge_index2, etype2, norm2, V2, comp2, N)
    return h

if __name__ == "__main__":
    import jax
    _d = setup_inputs()
    print(jax.jit(kernel)(*tuple(_d.values())))

</pallas_src>

<mosaic_0001>
#map = affine_map<(d0, d1) -> (0, 0, 0)>
#map1 = affine_map<(d0, d1) -> (0, 0, 0, 0)>
#map2 = affine_map<(d0, d1) -> (0, 0)>
module attributes {stable_mosaic.version = 14 : i64} {
  func.func @_edge_pass(%arg0: i32, %arg1: i32, %arg2: memref<2x80000x64xf32, #tpu.memory_space<hbm>>, %arg3: memref<16x80x128xi32, #tpu.memory_space<hbm>>, %arg4: memref<16x80x128xi32, #tpu.memory_space<hbm>>, %arg5: memref<16x80x128x16xf32, #tpu.memory_space<hbm>>, %arg6: memref<128x64xf32, #tpu.memory_space<hbm>>, %arg7: memref<2x10240x64xf32, #tpu.memory_space<hbm>>, %arg8: memref<80x128xi32, #tpu.memory_space<vmem>>, %arg9: memref<80x128xi32, #tpu.memory_space<vmem>>, %arg10: memref<128x16xf32, #tpu.memory_space<vmem>>, %arg11: memref<128x16xf32, #tpu.memory_space<vmem>>, %arg12: memref<128x64xf32, #tpu.memory_space<vmem>>, %arg13: memref<128x64xf32, #tpu.memory_space<vmem>>, %arg14: memref<128x64xf32, #tpu.memory_space<vmem>>, %arg15: memref<10240x64xf32, #tpu.memory_space<vmem_shared>>, %arg16: memref<!tpu.dma_semaphore, #tpu.memory_space<semaphore_mem>>, %arg17: memref<!tpu.dma_semaphore, #tpu.memory_space<semaphore_mem>>, %arg18: memref<!tpu.dma_semaphore, #tpu.memory_space<semaphore_mem>>, %arg19: memref<!tpu.dma_semaphore, #tpu.memory_space<semaphore_mem>>) attributes {dimension_semantics = [#tpu.dimension_semantics<core_parallel>, #tpu.dimension_semantics<subcore_parallel>], iteration_bounds = array<i64: 2, 16>, scalar_prefetch = 0 : i64, scratch_operands = 12 : i64, tpu.core_type = #tpu.core_type<sc_vector_subcore>, window_params = [{transform_indices = #map}, {transform_indices = #map}, {transform_indices = #map}, {transform_indices = #map1}, {transform_indices = #map2}, {transform_indices = #map}]} {
    "tpu.region"() ({
      %run_scoped3A = tpu.sem_alloc : memref<!tpu.dma_semaphore, #tpu.memory_space<semaphore_mem>>
      tpu.enqueue_dma source(%arg6 : memref<128x64xf32, #tpu.memory_space<hbm>>) target(%arg14 : memref<128x64xf32, #tpu.memory_space<vmem>>) target_semaphore(%run_scoped3A : memref<!tpu.dma_semaphore, #tpu.memory_space<semaphore_mem>>)
      tpu.wait_dma2 semaphore(%run_scoped3A : memref<!tpu.dma_semaphore, #tpu.memory_space<semaphore_mem>>) src(%arg6 : memref<128x64xf32, #tpu.memory_space<hbm>>) dst(%arg14 : memref<128x64xf32, #tpu.memory_space<vmem>>)
      tpu.yield
    }) : () -> ()
    %mul3A = arith.constant 640 : i32
    %mul3A_0 = arith.muli %arg1, %mul3A : i32
    %add3A = arith.constant 0 : i32
    %add3A_1 = arith.addi %mul3A_0, %add3A : i32
    "tpu.region"() ({
      %run_scoped3A = tpu.sem_alloc : memref<!tpu.dma_semaphore, #tpu.memory_space<semaphore_mem>>
      %dma_start3A_82 = arith.constant 0 : i32
      %dma_start3A_83 = tpu.memref_slice %arg15[%add3A_1, %dma_start3A_82] : memref<10240x64xf32, #tpu.memory_space<vmem_shared>> -> memref<128x64xf32, #tpu.memory_space<vmem_shared>>
      %dma_start3A_84 = arith.constant 0 : i32
      %dma_start3A_85 = tpu.memref_slice %arg15[%add3A_1, %dma_start3A_84] : memref<10240x64xf32, #tpu.memory_space<vmem_shared>> -> memref<128x64xf32, #tpu.memory_space<vmem_shared>>
      tpu.enqueue_dma source(%arg14 : memref<128x64xf32, #tpu.memory_space<vmem>>) target(%dma_start3A_85 : memref<128x64xf32, #tpu.memory_space<vmem_shared>>) target_semaphore(%run_scoped3A : memref<!tpu.dma_semaphore, #tpu.memory_space<semaphore_mem>>)
      %dma_wait3A = arith.constant 0 : i32
      %dma_wait3A_86 = tpu.memref_slice %arg15[%add3A_1, %dma_wait3A] : memref<10240x64xf32, #tpu.memory_space<vmem_shared>> -> memref<128x64xf32, #tpu.memory_space<vmem_shared>>
      %dma_wait3A_87 = arith.constant 0 : i32
      %dma_wait3A_88 = tpu.memref_slice %arg15[%add3A_1, %dma_wait3A_87] : memref<10240x64xf32, #tpu.memory_space<vmem_shared>> -> memref<128x64xf32, #tpu.memory_space<vmem_shared>>
      tpu.wait_dma2 semaphore(%run_scoped3A : memref<!tpu.dma_semaphore, #tpu.memory_space<semaphore_mem>>) src(%arg14 : memref<128x64xf32, #tpu.memory_space<vmem>>) dst(%dma_wait3A_88 : memref<128x64xf32, #tpu.memory_space<vmem_shared>>)
      tpu.yield
    }) : () -> ()
    %mul3A_2 = arith.constant 640 : i32
    %mul3A_3 = arith.muli %arg1, %mul3A_2 : i32
    %add3A_4 = arith.constant 128 : i32
    %add3A_5 = arith.addi %mul3A_3, %add3A_4 : i32
    "tpu.region"() ({
      %run_scoped3A = tpu.sem_alloc : memref<!tpu.dma_semaphore, #tpu.memory_space<semaphore_mem>>
      %dma_start3A_82 = arith.constant 0 : i32
      %dma_start3A_83 = tpu.memref_slice %arg15[%add3A_5, %dma_start3A_82] : memref<10240x64xf32, #tpu.memory_space<vmem_shared>> -> memref<128x64xf32, #tpu.memory_space<vmem_shared>>
      %dma_start3A_84 = arith.constant 0 : i32
      %dma_start3A_85 = tpu.memref_slice %arg15[%add3A_5, %dma_start3A_84] : memref<10240x64xf32, #tpu.memory_space<vmem_shared>> -> memref<128x64xf32, #tpu.memory_space<vmem_shared>>
      tpu.enqueue_dma source(%arg14 : memref<128x64xf32, #tpu.memory_space<vmem>>) target(%dma_start3A_85 : memref<128x64xf32, #tpu.memory_space<vmem_shared>>) target_semaphore(%run_scoped3A : memref<!tpu.dma_semaphore, #tpu.memory_space<semaphore_mem>>)
      %dma_wait3A = arith.constant 0 : i32
      %dma_wait3A_86 = tpu.memref_slice %arg15[%add3A_5, %dma_wait3A] : memref<10240x64xf32, #tpu.memory_space<vmem_shared>> -> memref<128x64xf32, #tpu.memory_space<vmem_shared>>
      %dma_wait3A_87 = arith.constant 0 : i32
      %dma_wait3A_88 = tpu.memref_slice %arg15[%add3A_5, %dma_wait3A_87] : memref<10240x64xf32, #tpu.memory_space<vmem_shared>> -> memref<128x64xf32, #tpu.memory_space<vmem_shared>>
      tpu.wait_dma2 semaphore(%run_scoped3A : memref<!tpu.dma_semaphore, #tpu.memory_space<semaphore_mem>>) src(%arg14 : memref<128x64xf32, #tpu.memory_space<vmem>>) dst(%dma_wait3A_88 : memref<128x64xf32, #tpu.memory_space<vmem_shared>>)
      tpu.yield
    }) : () -> ()
    %mul3A_6 = arith.constant 640 : i32
    %mul3A_7 = arith.muli %arg1, %mul3A_6 : i32
    %add3A_8 = arith.constant 256 : i32
    %add3A_9 = arith.addi %mul3A_7, %add3A_8 : i32
    "tpu.region"() ({
      %run_scoped3A = tpu.sem_alloc : memref<!tpu.dma_semaphore, #tpu.memory_space<semaphore_mem>>
      %dma_start3A_82 = arith.constant 0 : i32
      %dma_start3A_83 = tpu.memref_slice %arg15[%add3A_9, %dma_start3A_82] : memref<10240x64xf32, #tpu.memory_space<vmem_shared>> -> memref<128x64xf32, #tpu.memory_space<vmem_shared>>
      %dma_start3A_84 = arith.constant 0 : i32
      %dma_start3A_85 = tpu.memref_slice %arg15[%add3A_9, %dma_start3A_84] : memref<10240x64xf32, #tpu.memory_space<vmem_shared>> -> memref<128x64xf32, #tpu.memory_space<vmem_shared>>
      tpu.enqueue_dma source(%arg14 : memref<128x64xf32, #tpu.memory_space<vmem>>) target(%dma_start3A_85 : memref<128x64xf32, #tpu.memory_space<vmem_shared>>) target_semaphore(%run_scoped3A : memref<!tpu.dma_semaphore, #tpu.memory_space<semaphore_mem>>)
      %dma_wait3A = arith.constant 0 : i32
      %dma_wait3A_86 = tpu.memref_slice %arg15[%add3A_9, %dma_wait3A] : memref<10240x64xf32, #tpu.memory_space<vmem_shared>> -> memref<128x64xf32, #tpu.memory_space<vmem_shared>>
      %dma_wait3A_87 = arith.constant 0 : i32
      %dma_wait3A_88 = tpu.memref_slice %arg15[%add3A_9, %dma_wait3A_87] : memref<10240x64xf32, #tpu.memory_space<vmem_shared>> -> memref<128x64xf32, #tpu.memory_space<vmem_shared>>
      tpu.wait_dma2 semaphore(%run_scoped3A : memref<!tpu.dma_semaphore, #tpu.memory_space<semaphore_mem>>) src(%arg14 : memref<128x64xf32, #tpu.memory_space<vmem>>) dst(%dma_wait3A_88 : memref<128x64xf32, #tpu.memory_space<vmem_shared>>)
      tpu.yield
    }) : () -> ()
    %mul3A_10 = arith.constant 640 : i32
    %mul3A_11 = arith.muli %arg1, %mul3A_10 : i32
    %add3A_12 = arith.constant 384 : i32
    %add3A_13 = arith.addi %mul3A_11, %add3A_12 : i32
    "tpu.region"() ({
      %run_scoped3A = tpu.sem_alloc : memref<!tpu.dma_semaphore, #tpu.memory_space<semaphore_mem>>
      %dma_start3A_82 = arith.constant 0 : i32
      %dma_start3A_83 = tpu.memref_slice %arg15[%add3A_13, %dma_start3A_82] : memref<10240x64xf32, #tpu.memory_space<vmem_shared>> -> memref<128x64xf32, #tpu.memory_space<vmem_shared>>
      %dma_start3A_84 = arith.constant 0 : i32
      %dma_start3A_85 = tpu.memref_slice %arg15[%add3A_13, %dma_start3A_84] : memref<10240x64xf32, #tpu.memory_space<vmem_shared>> -> memref<128x64xf32, #tpu.memory_space<vmem_shared>>
      tpu.enqueue_dma source(%arg14 : memref<128x64xf32, #tpu.memory_space<vmem>>) target(%dma_start3A_85 : memref<128x64xf32, #tpu.memory_space<vmem_shared>>) target_semaphore(%run_scoped3A : memref<!tpu.dma_semaphore, #tpu.memory_space<semaphore_mem>>)
      %dma_wait3A = arith.constant 0 : i32
      %dma_wait3A_86 = tpu.memref_slice %arg15[%add3A_13, %dma_wait3A] : memref<10240x64xf32, #tpu.memory_space<vmem_shared>> -> memref<128x64xf32, #tpu.memory_space<vmem_shared>>
      %dma_wait3A_87 = arith.constant 0 : i32
      %dma_wait3A_88 = tpu.memref_slice %arg15[%add3A_13, %dma_wait3A_87] : memref<10240x64xf32, #tpu.memory_space<vmem_shared>> -> memref<128x64xf32, #tpu.memory_space<vmem_shared>>
      tpu.wait_dma2 semaphore(%run_scoped3A : memref<!tpu.dma_semaphore, #tpu.memory_space<semaphore_mem>>) src(%arg14 : memref<128x64xf32, #tpu.memory_space<vmem>>) dst(%dma_wait3A_88 : memref<128x64xf32, #tpu.memory_space<vmem_shared>>)
      tpu.yield
    }) : () -> ()
    %mul3A_14 = arith.constant 640 : i32
    %mul3A_15 = arith.muli %arg1, %mul3A_14 : i32
    %add3A_16 = arith.constant 512 : i32
    %add3A_17 = arith.addi %mul3A_15, %add3A_16 : i32
    "tpu.region"() ({
      %run_scoped3A = tpu.sem_alloc : memref<!tpu.dma_semaphore, #tpu.memory_space<semaphore_mem>>
      %dma_start3A_82 = arith.constant 0 : i32
      %dma_start3A_83 = tpu.memref_slice %arg15[%add3A_17, %dma_start3A_82] : memref<10240x64xf32, #tpu.memory_space<vmem_shared>> -> memref<128x64xf32, #tpu.memory_space<vmem_shared>>
      %dma_start3A_84 = arith.constant 0 : i32
      %dma_start3A_85 = tpu.memref_slice %arg15[%add3A_17, %dma_start3A_84] : memref<10240x64xf32, #tpu.memory_space<vmem_shared>> -> memref<128x64xf32, #tpu.memory_space<vmem_shared>>
      tpu.enqueue_dma source(%arg14 : memref<128x64xf32, #tpu.memory_space<vmem>>) target(%dma_start3A_85 : memref<128x64xf32, #tpu.memory_space<vmem_shared>>) target_semaphore(%run_scoped3A : memref<!tpu.dma_semaphore, #tpu.memory_space<semaphore_mem>>)
      %dma_wait3A = arith.constant 0 : i32
      %dma_wait3A_86 = tpu.memref_slice %arg15[%add3A_17, %dma_wait3A] : memref<10240x64xf32, #tpu.memory_space<vmem_shared>> -> memref<128x64xf32, #tpu.memory_space<vmem_shared>>
      %dma_wait3A_87 = arith.constant 0 : i32
      %dma_wait3A_88 = tpu.memref_slice %arg15[%add3A_17, %dma_wait3A_87] : memref<10240x64xf32, #tpu.memory_space<vmem_shared>> -> memref<128x64xf32, #tpu.memory_space<vmem_shared>>
      tpu.wait_dma2 semaphore(%run_scoped3A : memref<!tpu.dma_semaphore, #tpu.memory_space<semaphore_mem>>) src(%arg14 : memref<128x64xf32, #tpu.memory_space<vmem>>) dst(%dma_wait3A_88 : memref<128x64xf32, #tpu.memory_space<vmem_shared>>)
      tpu.yield
    }) : () -> ()
    "tpu.region"() ({
      %run_scoped3A = tpu.sem_alloc : memref<!tpu.dma_semaphore, #tpu.memory_space<semaphore_mem>>
      %dma_start3A_82 = arith.constant 0 : i32
      %dma_start3A_83 = arith.constant 0 : i32
      %dma_start3A_84 = tpu.memref_slice %arg3[%arg1, %dma_start3A_82, %dma_start3A_83] : memref<16x80x128xi32, #tpu.memory_space<hbm>> -> memref<1x80x128xi32, #tpu.memory_space<hbm>>
      %dma_start3A_85 = tpu.memref_squeeze %dma_start3A_84 : memref<1x80x128xi32, #tpu.memory_space<hbm>> -> memref<80x128xi32, #tpu.memory_space<hbm>>
      %dma_start3A_86 = arith.constant 0 : i32
      %dma_start3A_87 = arith.constant 0 : i32
      %dma_start3A_88 = tpu.memref_slice %arg3[%arg1, %dma_start3A_86, %dma_start3A_87] : memref<16x80x128xi32, #tpu.memory_space<hbm>> -> memref<1x80x128xi32, #tpu.memory_space<hbm>>
      %dma_start3A_89 = tpu.memref_squeeze %dma_start3A_88 : memref<1x80x128xi32, #tpu.memory_space<hbm>> -> memref<80x128xi32, #tpu.memory_space<hbm>>
      tpu.enqueue_dma source(%dma_start3A_89 : memref<80x128xi32, #tpu.memory_space<hbm>>) target(%arg8 : memref<80x128xi32, #tpu.memory_space<vmem>>) target_semaphore(%run_scoped3A : memref<!tpu.dma_semaphore, #tpu.memory_space<semaphore_mem>>)
      %dma_wait3A = arith.constant 0 : i32
      %dma_wait3A_90 = arith.constant 0 : i32
      %dma_wait3A_91 = tpu.memref_slice %arg3[%arg1, %dma_wait3A, %dma_wait3A_90] : memref<16x80x128xi32, #tpu.memory_space<hbm>> -> memref<1x80x128xi32, #tpu.memory_space<hbm>>
      %dma_wait3A_92 = tpu.memref_squeeze %dma_wait3A_91 : memref<1x80x128xi32, #tpu.memory_space<hbm>> -> memref<80x128xi32, #tpu.memory_space<hbm>>
      %dma_wait3A_93 = arith.constant 0 : i32
      %dma_wait3A_94 = arith.constant 0 : i32
      %dma_wait3A_95 = tpu.memref_slice %arg3[%arg1, %dma_wait3A_93, %dma_wait3A_94] : memref<16x80x128xi32, #tpu.memory_space<hbm>> -> memref<1x80x128xi32, #tpu.memory_space<hbm>>
      %dma_wait3A_96 = tpu.memref_squeeze %dma_wait3A_95 : memref<1x80x128xi32, #tpu.memory_space<hbm>> -> memref<80x128xi32, #tpu.memory_space<hbm>>
      tpu.wait_dma2 semaphore(%run_scoped3A : memref<!tpu.dma_semaphore, #tpu.memory_space<semaphore_mem>>) src(%dma_wait3A_96 : memref<80x128xi32, #tpu.memory_space<hbm>>) dst(%arg8 : memref<80x128xi32, #tpu.memory_space<vmem>>)
      tpu.yield
    }) : () -> ()
    "tpu.region"() ({
      %run_scoped3A = tpu.sem_alloc : memref<!tpu.dma_semaphore, #tpu.memory_space<semaphore_mem>>
      %dma_start3A_82 = arith.constant 0 : i32
      %dma_start3A_83 = arith.constant 0 : i32
      %dma_start3A_84 = tpu.memref_slice %arg4[%arg1, %dma_start3A_82, %dma_start3A_83] : memref<16x80x128xi32, #tpu.memory_space<hbm>> -> memref<1x80x128xi32, #tpu.memory_space<hbm>>
      %dma_start3A_85 = tpu.memref_squeeze %dma_start3A_84 : memref<1x80x128xi32, #tpu.memory_space<hbm>> -> memref<80x128xi32, #tpu.memory_space<hbm>>
      %dma_start3A_86 = arith.constant 0 : i32
      %dma_start3A_87 = arith.constant 0 : i32
      %dma_start3A_88 = tpu.memref_slice %arg4[%arg1, %dma_start3A_86, %dma_start3A_87] : memref<16x80x128xi32, #tpu.memory_space<hbm>> -> memref<1x80x128xi32, #tpu.memory_space<hbm>>
      %dma_start3A_89 = tpu.memref_squeeze %dma_start3A_88 : memref<1x80x128xi32, #tpu.memory_space<hbm>> -> memref<80x128xi32, #tpu.memory_space<hbm>>
      tpu.enqueue_dma source(%dma_start3A_89 : memref<80x128xi32, #tpu.memory_space<hbm>>) target(%arg9 : memref<80x128xi32, #tpu.memory_space<vmem>>) target_semaphore(%run_scoped3A : memref<!tpu.dma_semaphore, #tpu.memory_space<semaphore_mem>>)
      %dma_wait3A = arith.constant 0 : i32
      %dma_wait3A_90 = arith.constant 0 : i32
      %dma_wait3A_91 = tpu.memref_slice %arg4[%arg1, %dma_wait3A, %dma_wait3A_90] : memref<16x80x128xi32, #tpu.memory_space<hbm>> -> memref<1x80x128xi32, #tpu.memory_space<hbm>>
      %dma_wait3A_92 = tpu.memref_squeeze %dma_wait3A_91 : memref<1x80x128xi32, #tpu.memory_space<hbm>> -> memref<80x128xi32, #tpu.memory_space<hbm>>
      %dma_wait3A_93 = arith.constant 0 : i32
      %dma_wait3A_94 = arith.constant 0 : i32
      %dma_wait3A_95 = tpu.memref_slice %arg4[%arg1, %dma_wait3A_93, %dma_wait3A_94] : memref<16x80x128xi32, #tpu.memory_space<hbm>> -> memref<1x80x128xi32, #tpu.memory_space<hbm>>
      %dma_wait3A_96 = tpu.memref_squeeze %dma_wait3A_95 : memref<1x80x128xi32, #tpu.memory_space<hbm>> -> memref<80x128xi32, #tpu.memory_space<hbm>>
      tpu.wait_dma2 semaphore(%run_scoped3A : memref<!tpu.dma_semaphore, #tpu.memory_space<semaphore_mem>>) src(%dma_wait3A_96 : memref<80x128xi32, #tpu.memory_space<hbm>>) dst(%arg9 : memref<80x128xi32, #tpu.memory_space<vmem>>)
      tpu.yield
    }) : () -> ()
    %barrier3A = arith.constant 0 : index
    tpu.barrier barrier_id(%barrier3A)
    %dma_start3A = arith.constant 0 : i32
    %dma_start3A_18 = arith.constant 0 : i32
    %dma_start3A_19 = tpu.memref_slice %arg8[%dma_start3A, %dma_start3A_18] : memref<80x128xi32, #tpu.memory_space<vmem>> -> memref<1x128xi32, #tpu.memory_space<vmem>>
    %dma_start3A_20 = tpu.memref_squeeze %dma_start3A_19 : memref<1x128xi32, #tpu.memory_space<vmem>> -> memref<128xi32, #tpu.memory_space<vmem>>
    %dma_start3A_21 = arith.constant 0 : i32
    %dma_start3A_22 = arith.constant 0 : i32
    %dma_start3A_23 = tpu.memref_slice %arg2[%arg0, %dma_start3A_21, %dma_start3A_22] : memref<2x80000x64xf32, #tpu.memory_space<hbm>> -> memref<1x80000x64xf32, #tpu.memory_space<hbm>>
    %dma_start3A_24 = tpu.memref_squeeze %dma_start3A_23 : memref<1x80000x64xf32, #tpu.memory_space<hbm>> -> memref<80000x64xf32, #tpu.memory_space<hbm>>
    %dma_start3A_25 = arith.constant 0 : i32
    %dma_start3A_26 = arith.constant 0 : i32
    %dma_start3A_27 = tpu.memref_slice %dma_start3A_24[%dma_start3A_25, %dma_start3A_26] : memref<80000x64xf32, #tpu.memory_space<hbm>> -> memref<80000x64xf32, #tpu.memory_space<hbm>>
    tpu.enqueue_indirect_dma source(%dma_start3A_27 : memref<80000x64xf32, #tpu.memory_space<hbm>>) target(%arg12 : memref<128x64xf32, #tpu.memory_space<vmem>>) offsets(%dma_start3A_20 : memref<128xi32, #tpu.memory_space<vmem>>) semaphore(%arg16 : memref<!tpu.dma_semaphore, #tpu.memory_space<semaphore_mem>>)
    %dma_start3A_28 = arith.constant 0 : i32
    %dma_start3A_29 = arith.constant 0 : i32
    %dma_start3A_30 = arith.constant 0 : i32
    %dma_start3A_31 = tpu.memref_slice %arg5[%arg1, %dma_start3A_28, %dma_start3A_29, %dma_start3A_30] : memref<16x80x128x16xf32, #tpu.memory_space<hbm>> -> memref<1x1x128x16xf32, #tpu.memory_space<hbm>>
    %dma_start3A_32 = tpu.memref_squeeze %dma_start3A_31 : memref<1x1x128x16xf32, #tpu.memory_space<hbm>> -> memref<128x16xf32, #tpu.memory_space<hbm>>
    %dma_start3A_33 = arith.constant 0 : i32
    %dma_start3A_34 = arith.constant 0 : i32
    %dma_start3A_35 = tpu.memref_slice %arg5[%arg1, %dma_start3A_28, %dma_start3A_33, %dma_start3A_34] : memref<16x80x128x16xf32, #tpu.memory_space<hbm>> -> memref<1x1x128x16xf32, #tpu.memory_space<hbm>>
    %dma_start3A_36 = tpu.memref_squeeze %dma_start3A_35 : memref<1x1x128x16xf32, #tpu.memory_space<hbm>> -> memref<128x16xf32, #tpu.memory_space<hbm>>
    tpu.enqueue_dma source(%dma_start3A_36 : memref<128x16xf32, #tpu.memory_space<hbm>>) target(%arg10 : memref<128x16xf32, #tpu.memory_space<vmem>>) target_semaphore(%arg18 : memref<!tpu.dma_semaphore, #tpu.memory_space<semaphore_mem>>)
    %dma_start3A_37 = arith.constant 1 : i32
    %dma_start3A_38 = arith.constant 0 : i32
    %dma_start3A_39 = tpu.memref_slice %arg8[%dma_start3A_37, %dma_start3A_38] : memref<80x128xi32, #tpu.memory_space<vmem>> -> memref<1x128xi32, #tpu.memory_space<vmem>>
    %dma_start3A_40 = tpu.memref_squeeze %dma_start3A_39 : memref<1x128xi32, #tpu.memory_space<vmem>> -> memref<128xi32, #tpu.memory_space<vmem>>
    %dma_start3A_41 = arith.constant 0 : i32
    %dma_start3A_42 = arith.constant 0 : i32
    %dma_start3A_43 = tpu.memref_slice %arg2[%arg0, %dma_start3A_41, %dma_start3A_42] : memref<2x80000x64xf32, #tpu.memory_space<hbm>> -> memref<1x80000x64xf32, #tpu.memory_space<hbm>>
    %dma_start3A_44 = tpu.memref_squeeze %dma_start3A_43 : memref<1x80000x64xf32, #tpu.memory_space<hbm>> -> memref<80000x64xf32, #tpu.memory_space<hbm>>
    %dma_start3A_45 = arith.constant 0 : i32
    %dma_start3A_46 = arith.constant 0 : i32
    %dma_start3A_47 = tpu.memref_slice %dma_start3A_44[%dma_start3A_45, %dma_start3A_46] : memref<80000x64xf32, #tpu.memory_space<hbm>> -> memref<80000x64xf32, #tpu.memory_space<hbm>>
    tpu.enqueue_indirect_dma source(%dma_start3A_47 : memref<80000x64xf32, #tpu.memory_space<hbm>>) target(%arg13 : memref<128x64xf32, #tpu.memory_space<vmem>>) offsets(%dma_start3A_40 : memref<128xi32, #tpu.memory_space<vmem>>) semaphore(%arg17 : memref<!tpu.dma_semaphore, #tpu.memory_space<semaphore_mem>>)
    %dma_start3A_48 = arith.constant 1 : i32
    %dma_start3A_49 = arith.constant 0 : i32
    %dma_start3A_50 = arith.constant 0 : i32
    %dma_start3A_51 = tpu.memref_slice %arg5[%arg1, %dma_start3A_48, %dma_start3A_49, %dma_start3A_50] : memref<16x80x128x16xf32, #tpu.memory_space<hbm>> -> memref<1x1x128x16xf32, #tpu.memory_space<hbm>>
    %dma_start3A_52 = tpu.memref_squeeze %dma_start3A_51 : memref<1x1x128x16xf32, #tpu.memory_space<hbm>> -> memref<128x16xf32, #tpu.memory_space<hbm>>
    %dma_start3A_53 = arith.constant 0 : i32
    %dma_start3A_54 = arith.constant 0 : i32
    %dma_start3A_55 = tpu.memref_slice %arg5[%arg1, %dma_start3A_48, %dma_start3A_53, %dma_start3A_54] : memref<16x80x128x16xf32, #tpu.memory_space<hbm>> -> memref<1x1x128x16xf32, #tpu.memory_space<hbm>>
    %dma_start3A_56 = tpu.memref_squeeze %dma_start3A_55 : memref<1x1x128x16xf32, #tpu.memory_space<hbm>> -> memref<128x16xf32, #tpu.memory_space<hbm>>
    tpu.enqueue_dma source(%dma_start3A_56 : memref<128x16xf32, #tpu.memory_space<hbm>>) target(%arg11 : memref<128x16xf32, #tpu.memory_space<vmem>>) target_semaphore(%arg19 : memref<!tpu.dma_semaphore, #tpu.memory_space<semaphore_mem>>)
    %scan3A = arith.constant 0 : i32
    %scan3A_57 = arith.constant 40 : i32
    %scan3A_58 = arith.addi %scan3A, %scan3A_57 : i32
    %scan3A_59 = arith.constant 1 : i32
    scf.for %scan3A_82 = %scan3A to %scan3A_58 step %scan3A_59  : i32 {
      %mul3A_83 = arith.constant 2 : i32
      %mul3A_84 = arith.muli %scan3A_82, %mul3A_83 : i32
      %add3A_85 = arith.constant 0 : i32
      %add3A_86 = arith.addi %add3A_85, %mul3A_84 : i32
      %dma_wait3A = arith.constant 0 : i32
      %dma_wait3A_87 = tpu.memref_slice %arg8[%add3A_86, %dma_wait3A] : memref<80x128xi32, #tpu.memory_space<vmem>> -> memref<1x128xi32, #tpu.memory_space<vmem>>
      %dma_wait3A_88 = tpu.memref_squeeze %dma_wait3A_87 : memref<1x128xi32, #tpu.memory_space<vmem>> -> memref<128xi32, #tpu.memory_space<vmem>>
      %dma_wait3A_89 = arith.constant 0 : i32
      %dma_wait3A_90 = arith.constant 0 : i32
      %dma_wait3A_91 = tpu.memref_slice %arg2[%arg0, %dma_wait3A_89, %dma_wait3A_90] : memref<2x80000x64xf32, #tpu.memory_space<hbm>> -> memref<1x80000x64xf32, #tpu.memory_space<hbm>>
      %dma_wait3A_92 = tpu.memref_squeeze %dma_wait3A_91 : memref<1x80000x64xf32, #tpu.memory_space<hbm>> -> memref<80000x64xf32, #tpu.memory_space<hbm>>
      %dma_wait3A_93 = arith.constant 0 : i32
      %dma_wait3A_94 = arith.constant 0 : i32
      %dma_wait3A_95 = tpu.memref_slice %dma_wait3A_92[%dma_wait3A_93, %dma_wait3A_94] : memref<80000x64xf32, #tpu.memory_space<hbm>> -> memref<80000x64xf32, #tpu.memory_space<hbm>>
      tpu.wait_indirect_dma semaphore(%arg16 : memref<!tpu.dma_semaphore, #tpu.memory_space<semaphore_mem>>) src(%dma_wait3A_95 : memref<80000x64xf32, #tpu.memory_space<hbm>>) dst(%arg12 : memref<128x64xf32, #tpu.memory_space<vmem>>)
      %dma_wait3A_96 = arith.constant 0 : i32
      %dma_wait3A_97 = arith.constant 0 : i32
      %dma_wait3A_98 = tpu.memref_slice %arg5[%arg1, %add3A_86, %dma_wait3A_96, %dma_wait3A_97] : memref<16x80x128x16xf32, #tpu.memory_space<hbm>> -> memref<1x1x128x16xf32, #tpu.memory_space<hbm>>
      %dma_wait3A_99 = tpu.memref_squeeze %dma_wait3A_98 : memref<1x1x128x16xf32, #tpu.memory_space<hbm>> -> memref<128x16xf32, #tpu.memory_space<hbm>>
      %dma_wait3A_100 = arith.constant 0 : i32
      %dma_wait3A_101 = arith.constant 0 : i32
      %dma_wait3A_102 = tpu.memref_slice %arg5[%arg1, %add3A_86, %dma_wait3A_100, %dma_wait3A_101] : memref<16x80x128x16xf32, #tpu.memory_space<hbm>> -> memref<1x1x128x16xf32, #tpu.memory_space<hbm>>
      %dma_wait3A_103 = tpu.memref_squeeze %dma_wait3A_102 : memref<1x1x128x16xf32, #tpu.memory_space<hbm>> -> memref<128x16xf32, #tpu.memory_space<hbm>>
      tpu.wait_dma2 semaphore(%arg18 : memref<!tpu.dma_semaphore, #tpu.memory_space<semaphore_mem>>) src(%dma_wait3A_103 : memref<128x16xf32, #tpu.memory_space<hbm>>) dst(%arg10 : memref<128x16xf32, #tpu.memory_space<vmem>>)
      %scan3A_104 = arith.constant 0 : i32
      %scan3A_105 = arith.constant 0 : i32
      %scan3A_106 = arith.constant 128 : i32
      %scan3A_107 = arith.addi %scan3A_105, %scan3A_106 : i32
      %scan3A_108 = arith.constant 1 : i32
      scf.for %scan3A_147 = %scan3A_105 to %scan3A_107 step %scan3A_108  : i32 {
        %get3A = arith.index_cast %scan3A_147 : i32 to index
        %get3A_148 = arith.constant 0 : index
        %get3A_149 = tpu.vector_load %arg10[%get3A, %get3A_148] {strides = array<i32>} : memref<128x16xf32, #tpu.memory_space<vmem>>, vector<1x16xf32>,
        %get3A_150 = vector.shape_cast %get3A_149 : vector<1x16xf32> to vector<16xf32>
        %get3A_151 = arith.index_cast %scan3A_147 : i32 to index
        %get3A_152 = arith.constant 0 : index
        %get3A_153 = tpu.vector_load %arg12[%get3A_151, %get3A_152] {strides = array<i32>} : memref<128x64xf32, #tpu.memory_space<vmem>>, vector<1x16xf32>,
        %get3A_154 = vector.shape_cast %get3A_153 : vector<1x16xf32> to vector<16xf32>
        %mul3A_155 = arith.mulf %get3A_154, %get3A_150 : vector<16xf32>
        %swap3A = arith.index_cast %scan3A_147 : i32 to index
        %swap3A_156 = arith.constant 0 : index
        %swap3A_157 = tpu.vector_load %arg12[%swap3A, %swap3A_156] {strides = array<i32>} : memref<128x64xf32, #tpu.memory_space<vmem>>, vector<1x16xf32>,
        %swap3A_158 = vector.shape_cast %swap3A_157 : vector<1x16xf32> to vector<16xf32>
        %swap3A_159 = vector.shape_cast %mul3A_155 : vector<16xf32> to vector<1x16xf32>
        tpu.vector_store %arg12[%swap3A, %swap3A_156], %swap3A_159 {strides = array<i32>} : memref<128x64xf32, #tpu.memory_space<vmem>>, vector<1x16xf32>,
        %get3A_160 = arith.index_cast %scan3A_147 : i32 to index
        %get3A_161 = arith.constant 16 : index
        %get3A_162 = tpu.vector_load %arg12[%get3A_160, %get3A_161] {strides = array<i32>} : memref<128x64xf32, #tpu.memory_space<vmem>>, vector<1x16xf32>,
        %get3A_163 = vector.shape_cast %get3A_162 : vector<1x16xf32> to vector<16xf32>
        %mul3A_164 = arith.mulf %get3A_163, %get3A_150 : vector<16xf32>
        %swap3A_165 = arith.index_cast %scan3A_147 : i32 to index
        %swap3A_166 = arith.constant 16 : index
        %swap3A_167 = tpu.vector_load %arg12[%swap3A_165, %swap3A_166] {strides = array<i32>} : memref<128x64xf32, #tpu.memory_space<vmem>>, vector<1x16xf32>,
        %swap3A_168 = vector.shape_cast %swap3A_167 : vector<1x16xf32> to vector<16xf32>
        %swap3A_169 = vector.shape_cast %mul3A_164 : vector<16xf32> to vector<1x16xf32>
        tpu.vector_store %arg12[%swap3A_165, %swap3A_166], %swap3A_169 {strides = array<i32>} : memref<128x64xf32, #tpu.memory_space<vmem>>, vector<1x16xf32>,
        %get3A_170 = arith.index_cast %scan3A_147 : i32 to index
        %get3A_171 = arith.constant 32 : index
        %get3A_172 = tpu.vector_load %arg12[%get3A_170, %get3A_171] {strides = array<i32>} : memref<128x64xf32, #tpu.memory_space<vmem>>, vector<1x16xf32>,
        %get3A_173 = vector.shape_cast %get3A_172 : vector<1x16xf32> to vector<16xf32>
        %mul3A_174 = arith.mulf %get3A_173, %get3A_150 : vector<16xf32>
        %swap3A_175 = arith.index_cast %scan3A_147 : i32 to index
        %swap3A_176 = arith.constant 32 : index
        %swap3A_177 = tpu.vector_load %arg12[%swap3A_175, %swap3A_176] {strides = array<i32>} : memref<128x64xf32, #tpu.memory_space<vmem>>, vector<1x16xf32>,
        %swap3A_178 = vector.shape_cast %swap3A_177 : vector<1x16xf32> to vector<16xf32>
        %swap3A_179 = vector.shape_cast %mul3A_174 : vector<16xf32> to vector<1x16xf32>
        tpu.vector_store %arg12[%swap3A_175, %swap3A_176], %swap3A_179 {strides = array<i32>} : memref<128x64xf32, #tpu.memory_space<vmem>>, vector<1x16xf32>,
        %get3A_180 = arith.index_cast %scan3A_147 : i32 to index
        %get3A_181 = arith.constant 48 : index
        %get3A_182 = tpu.vector_load %arg12[%get3A_180, %get3A_181] {strides = array<i32>} : memref<128x64xf32, #tpu.memory_space<vmem>>, vector<1x16xf32>,
        %get3A_183 = vector.shape_cast %get3A_182 : vector<1x16xf32> to vector<16xf32>
        %mul3A_184 = arith.mulf %get3A_183, %get3A_150 : vector<16xf32>
        %swap3A_185 = arith.index_cast %scan3A_147 : i32 to index
        %swap3A_186 = arith.constant 48 : index
        %swap3A_187 = tpu.vector_load %arg12[%swap3A_185, %swap3A_186] {strides = array<i32>} : memref<128x64xf32, #tpu.memory_space<vmem>>, vector<1x16xf32>,
        %swap3A_188 = vector.shape_cast %swap3A_187 : vector<1x16xf32> to vector<16xf32>
        %swap3A_189 = vector.shape_cast %mul3A_184 : vector<16xf32> to vector<1x16xf32>
        tpu.vector_store %arg12[%swap3A_185, %swap3A_186], %swap3A_189 {strides = array<i32>} : memref<128x64xf32, #tpu.memory_space<vmem>>, vector<1x16xf32>,
      }
      %scan3A_109 = arith.constant 128 : i32
      "tpu.region"() ({
        %run_scoped3A = tpu.sem_alloc : memref<!tpu.dma_semaphore, #tpu.memory_space<semaphore_mem>>
        %dma_start3A_147 = arith.constant 0 : i32
        %dma_start3A_148 = tpu.memref_slice %arg9[%add3A_86, %dma_start3A_147] : memref<80x128xi32, #tpu.memory_space<vmem>> -> memref<1x128xi32, #tpu.memory_space<vmem>>
        %dma_start3A_149 = tpu.memref_squeeze %dma_start3A_148 : memref<1x128xi32, #tpu.memory_space<vmem>> -> memref<128xi32, #tpu.memory_space<vmem>>
        %dma_start3A_150 = arith.constant 0 : i32
        %dma_start3A_151 = arith.constant 0 : i32
        %dma_start3A_152 = tpu.memref_slice %arg15[%dma_start3A_150, %dma_start3A_151] : memref<10240x64xf32, #tpu.memory_space<vmem_shared>> -> memref<10240x64xf32, #tpu.memory_space<vmem_shared>>
        tpu.enqueue_indirect_dma source(%arg12 : memref<128x64xf32, #tpu.memory_space<vmem>>) target(%dma_start3A_152 : memref<10240x64xf32, #tpu.memory_space<vmem_shared>>) offsets(%dma_start3A_149 : memref<128xi32, #tpu.memory_space<vmem>>) semaphore(%run_scoped3A : memref<!tpu.dma_semaphore, #tpu.memory_space<semaphore_mem>>) {add = true}
        %dma_wait3A_153 = arith.constant 0 : i32
        %dma_wait3A_154 = tpu.memref_slice %arg9[%add3A_86, %dma_wait3A_153] : memref<80x128xi32, #tpu.memory_space<vmem>> -> memref<1x128xi32, #tpu.memory_space<vmem>>
        %dma_wait3A_155 = tpu.memref_squeeze %dma_wait3A_154 : memref<1x128xi32, #tpu.memory_space<vmem>> -> memref<128xi32, #tpu.memory_space<vmem>>
        %dma_wait3A_156 = arith.constant 0 : i32
        %dma_wait3A_157 = arith.constant 0 : i32
        %dma_wait3A_158 = tpu.memref_slice %arg15[%dma_wait3A_156, %dma_wait3A_157] : memref<10240x64xf32, #tpu.memory_space<vmem_shared>> -> memref<10240x64xf32, #tpu.memory_space<vmem_shared>>
        tpu.wait_indirect_dma semaphore(%run_scoped3A : memref<!tpu.dma_semaphore, #tpu.memory_space<semaphore_mem>>) src(%arg12 : memref<128x64xf32, #tpu.memory_space<vmem>>) dst(%dma_wait3A_158 : memref<10240x64xf32, #tpu.memory_space<vmem_shared>>)
        tpu.yield
      }) : () -> ()
      %add3A_110 = arith.constant 2 : i32
      %add3A_111 = arith.addi %add3A_86, %add3A_110 : i32
      %lt3A = arith.constant 80 : i32
      %lt3A_112 = arith.cmpi slt, %add3A_111, %lt3A : i32
      %convert_element_type3A = arith.extui %lt3A_112 : i1 to i32
      %cond3A = arith.constant 0 : i32
      %cond3A_113 = arith.cmpi ne, %convert_element_type3A, %cond3A : i32
      scf.if %cond3A_113 {
        %add3A_147 = arith.constant 2 : i32
        %add3A_148 = arith.addi %add3A_86, %add3A_147 : i32
        %dma_start3A_149 = arith.constant 0 : i32
        %dma_start3A_150 = tpu.memref_slice %arg8[%add3A_148, %dma_start3A_149] : memref<80x128xi32, #tpu.memory_space<vmem>> -> memref<1x128xi32, #tpu.memory_space<vmem>>
        %dma_start3A_151 = tpu.memref_squeeze %dma_start3A_150 : memref<1x128xi32, #tpu.memory_space<vmem>> -> memref<128xi32, #tpu.memory_space<vmem>>
        %dma_start3A_152 = arith.constant 0 : i32
        %dma_start3A_153 = arith.constant 0 : i32
        %dma_start3A_154 = tpu.memref_slice %arg2[%arg0, %dma_start3A_152, %dma_start3A_153] : memref<2x80000x64xf32, #tpu.memory_space<hbm>> -> memref<1x80000x64xf32, #tpu.memory_space<hbm>>
        %dma_start3A_155 = tpu.memref_squeeze %dma_start3A_154 : memref<1x80000x64xf32, #tpu.memory_space<hbm>> -> memref<80000x64xf32, #tpu.memory_space<hbm>>
        %dma_start3A_156 = arith.constant 0 : i32
        %dma_start3A_157 = arith.constant 0 : i32
        %dma_start3A_158 = tpu.memref_slice %dma_start3A_155[%dma_start3A_156, %dma_start3A_157] : memref<80000x64xf32, #tpu.memory_space<hbm>> -> memref<80000x64xf32, #tpu.memory_space<hbm>>
        tpu.enqueue_indirect_dma source(%dma_start3A_158 : memref<80000x64xf32, #tpu.memory_space<hbm>>) target(%arg12 : memref<128x64xf32, #tpu.memory_space<vmem>>) offsets(%dma_start3A_151 : memref<128xi32, #tpu.memory_space<vmem>>) semaphore(%arg16 : memref<!tpu.dma_semaphore, #tpu.memory_space<semaphore_mem>>)
        %add3A_159 = arith.constant 2 : i32
        %add3A_160 = arith.addi %add3A_86, %add3A_159 : i32
        %dma_start3A_161 = arith.constant 0 : i32
        %dma_start3A_162 = arith.constant 0 : i32
        %dma_start3A_163 = tpu.memref_slice %arg5[%arg1, %add3A_160, %dma_start3A_161, %dma_start3A_162] : memref<16x80x128x16xf32, #tpu.memory_space<hbm>> -> memref<1x1x128x16xf32, #tpu.memory_space<hbm>>
        %dma_start3A_164 = tpu.memref_squeeze %dma_start3A_163 : memref<1x1x128x16xf32, #tpu.memory_space<hbm>> -> memref<128x16xf32, #tpu.memory_space<hbm>>
        %dma_start3A_165 = arith.constant 0 : i32
        %dma_start3A_166 = arith.constant 0 : i32
        %dma_start3A_167 = tpu.memref_slice %arg5[%arg1, %add3A_160, %dma_start3A_165, %dma_start3A_166] : memref<16x80x128x16xf32, #tpu.memory_space<hbm>> -> memref<1x1x128x16xf32, #tpu.memory_space<hbm>>
        %dma_start3A_168 = tpu.memref_squeeze %dma_start3A_167 : memref<1x1x128x16xf32, #tpu.memory_space<hbm>> -> memref<128x16xf32, #tpu.memory_space<hbm>>
        tpu.enqueue_dma source(%dma_start3A_168 : memref<128x16xf32, #tpu.memory_space<hbm>>) target(%arg10 : memref<128x16xf32, #tpu.memory_space<vmem>>) target_semaphore(%arg18 : memref<!tpu.dma_semaphore, #tpu.memory_space<semaphore_mem>>)
      } else {
      }
      %add3A_114 = arith.constant 1 : i32
      %add3A_115 = arith.addi %add3A_86, %add3A_114 : i32
      %dma_wait3A_116 = arith.constant 0 : i32
      %dma_wait3A_117 = tpu.memref_slice %arg8[%add3A_115, %dma_wait3A_116] : memref<80x128xi32, #tpu.memory_space<vmem>> -> memref<1x128xi32, #tpu.memory_space<vmem>>
      %dma_wait3A_118 = tpu.memref_squeeze %dma_wait3A_117 : memref<1x128xi32, #tpu.memory_space<vmem>> -> memref<128xi32, #tpu.memory_space<vmem>>
      %dma_wait3A_119 = arith.constant 0 : i32
      %dma_wait3A_120 = arith.constant 0 : i32
      %dma_wait3A_121 = tpu.memref_slice %arg2[%arg0, %dma_wait3A_119, %dma_wait3A_120] : memref<2x80000x64xf32, #tpu.memory_space<hbm>> -> memref<1x80000x64xf32, #tpu.memory_space<hbm>>
      %dma_wait3A_122 = tpu.memref_squeeze %dma_wait3A_121 : memref<1x80000x64xf32, #tpu.memory_space<hbm>> -> memref<80000x64xf32, #tpu.memory_space<hbm>>
      %dma_wait3A_123 = arith.constant 0 : i32
      %dma_wait3A_124 = arith.constant 0 : i32
      %dma_wait3A_125 = tpu.memref_slice %dma_wait3A_122[%dma_wait3A_123, %dma_wait3A_124] : memref<80000x64xf32, #tpu.memory_space<hbm>> -> memref<80000x64xf32, #tpu.memory_space<hbm>>
      tpu.wait_indirect_dma semaphore(%arg17 : memref<!tpu.dma_semaphore, #tpu.memory_space<semaphore_mem>>) src(%dma_wait3A_125 : memref<80000x64xf32, #tpu.memory_space<hbm>>) dst(%arg13 : memref<128x64xf32, #tpu.memory_space<vmem>>)
      %dma_wait3A_126 = arith.constant 0 : i32
      %dma_wait3A_127 = arith.constant 0 : i32
      %dma_wait3A_128 = tpu.memref_slice %arg5[%arg1, %add3A_115, %dma_wait3A_126, %dma_wait3A_127] : memref<16x80x128x16xf32, #tpu.memory_space<hbm>> -> memref<1x1x128x16xf32, #tpu.memory_space<hbm>>
      %dma_wait3A_129 = tpu.memref_squeeze %dma_wait3A_128 : memref<1x1x128x16xf32, #tpu.memory_space<hbm>> -> memref<128x16xf32, #tpu.memory_space<hbm>>
      %dma_wait3A_130 = arith.constant 0 : i32
      %dma_wait3A_131 = arith.constant 0 : i32
      %dma_wait3A_132 = tpu.memref_slice %arg5[%arg1, %add3A_115, %dma_wait3A_130, %dma_wait3A_131] : memref<16x80x128x16xf32, #tpu.memory_space<hbm>> -> memref<1x1x128x16xf32, #tpu.memory_space<hbm>>
      %dma_wait3A_133 = tpu.memref_squeeze %dma_wait3A_132 : memref<1x1x128x16xf32, #tpu.memory_space<hbm>> -> memref<128x16xf32, #tpu.memory_space<hbm>>
      tpu.wait_dma2 semaphore(%arg19 : memref<!tpu.dma_semaphore, #tpu.memory_space<semaphore_mem>>) src(%dma_wait3A_133 : memref<128x16xf32, #tpu.memory_space<hbm>>) dst(%arg11 : memref<128x16xf32, #tpu.memory_space<vmem>>)
      %scan3A_134 = arith.constant 0 : i32
      %scan3A_135 = arith.constant 0 : i32
      %scan3A_136 = arith.constant 128 : i32
      %scan3A_137 = arith.addi %scan3A_135, %scan3A_136 : i32
      %scan3A_138 = arith.constant 1 : i32
      scf.for %scan3A_147 = %scan3A_135 to %scan3A_137 step %scan3A_138  : i32 {
        %get3A = arith.index_cast %scan3A_147 : i32 to index
        %get3A_148 = arith.constant 0 : index
        %get3A_149 = tpu.vector_load %arg11[%get3A, %get3A_148] {strides = array<i32>} : memref<128x16xf32, #tpu.memory_space<vmem>>, vector<1x16xf32>,
        %get3A_150 = vector.shape_cast %get3A_149 : vector<1x16xf32> to vector<16xf32>
        %get3A_151 = arith.index_cast %scan3A_147 : i32 to index
        %get3A_152 = arith.constant 0 : index
        %get3A_153 = tpu.vector_load %arg13[%get3A_151, %get3A_152] {strides = array<i32>} : memref<128x64xf32, #tpu.memory_space<vmem>>, vector<1x16xf32>,
        %get3A_154 = vector.shape_cast %get3A_153 : vector<1x16xf32> to vector<16xf32>
        %mul3A_155 = arith.mulf %get3A_154, %get3A_150 : vector<16xf32>
        %swap3A = arith.index_cast %scan3A_147 : i32 to index
        %swap3A_156 = arith.constant 0 : index
        %swap3A_157 = tpu.vector_load %arg13[%swap3A, %swap3A_156] {strides = array<i32>} : memref<128x64xf32, #tpu.memory_space<vmem>>, vector<1x16xf32>,
        %swap3A_158 = vector.shape_cast %swap3A_157 : vector<1x16xf32> to vector<16xf32>
        %swap3A_159 = vector.shape_cast %mul3A_155 : vector<16xf32> to vector<1x16xf32>
        tpu.vector_store %arg13[%swap3A, %swap3A_156], %swap3A_159 {strides = array<i32>} : memref<128x64xf32, #tpu.memory_space<vmem>>, vector<1x16xf32>,
        %get3A_160 = arith.index_cast %scan3A_147 : i32 to index
        %get3A_161 = arith.constant 16 : index
        %get3A_162 = tpu.vector_load %arg13[%get3A_160, %get3A_161] {strides = array<i32>} : memref<128x64xf32, #tpu.memory_space<vmem>>, vector<1x16xf32>,
        %get3A_163 = vector.shape_cast %get3A_162 : vector<1x16xf32> to vector<16xf32>
        %mul3A_164 = arith.mulf %get3A_163, %get3A_150 : vector<16xf32>
        %swap3A_165 = arith.index_cast %scan3A_147 : i32 to index
        %swap3A_166 = arith.constant 16 : index
        %swap3A_167 = tpu.vector_load %arg13[%swap3A_165, %swap3A_166] {strides = array<i32>} : memref<128x64xf32, #tpu.memory_space<vmem>>, vector<1x16xf32>,
        %swap3A_168 = vector.shape_cast %swap3A_167 : vector<1x16xf32> to vector<16xf32>
        %swap3A_169 = vector.shape_cast %mul3A_164 : vector<16xf32> to vector<1x16xf32>
        tpu.vector_store %arg13[%swap3A_165, %swap3A_166], %swap3A_169 {strides = array<i32>} : memref<128x64xf32, #tpu.memory_space<vmem>>, vector<1x16xf32>,
        %get3A_170 = arith.index_cast %scan3A_147 : i32 to index
        %get3A_171 = arith.constant 32 : index
        %get3A_172 = tpu.vector_load %arg13[%get3A_170, %get3A_171] {strides = array<i32>} : memref<128x64xf32, #tpu.memory_space<vmem>>, vector<1x16xf32>,
        %get3A_173 = vector.shape_cast %get3A_172 : vector<1x16xf32> to vector<16xf32>
        %mul3A_174 = arith.mulf %get3A_173, %get3A_150 : vector<16xf32>
        %swap3A_175 = arith.index_cast %scan3A_147 : i32 to index
        %swap3A_176 = arith.constant 32 : index
        %swap3A_177 = tpu.vector_load %arg13[%swap3A_175, %swap3A_176] {strides = array<i32>} : memref<128x64xf32, #tpu.memory_space<vmem>>, vector<1x16xf32>,
        %swap3A_178 = vector.shape_cast %swap3A_177 : vector<1x16xf32> to vector<16xf32>
        %swap3A_179 = vector.shape_cast %mul3A_174 : vector<16xf32> to vector<1x16xf32>
        tpu.vector_store %arg13[%swap3A_175, %swap3A_176], %swap3A_179 {strides = array<i32>} : memref<128x64xf32, #tpu.memory_space<vmem>>, vector<1x16xf32>,
        %get3A_180 = arith.index_cast %scan3A_147 : i32 to index
        %get3A_181 = arith.constant 48 : index
        %get3A_182 = tpu.vector_load %arg13[%get3A_180, %get3A_181] {strides = array<i32>} : memref<128x64xf32, #tpu.memory_space<vmem>>, vector<1x16xf32>,
        %get3A_183 = vector.shape_cast %get3A_182 : vector<1x16xf32> to vector<16xf32>
        %mul3A_184 = arith.mulf %get3A_183, %get3A_150 : vector<16xf32>
        %swap3A_185 = arith.index_cast %scan3A_147 : i32 to index
        %swap3A_186 = arith.constant 48 : index
        %swap3A_187 = tpu.vector_load %arg13[%swap3A_185, %swap3A_186] {strides = array<i32>} : memref<128x64xf32, #tpu.memory_space<vmem>>, vector<1x16xf32>,
        %swap3A_188 = vector.shape_cast %swap3A_187 : vector<1x16xf32> to vector<16xf32>
        %swap3A_189 = vector.shape_cast %mul3A_184 : vector<16xf32> to vector<1x16xf32>
        tpu.vector_store %arg13[%swap3A_185, %swap3A_186], %swap3A_189 {strides = array<i32>} : memref<128x64xf32, #tpu.memory_space<vmem>>, vector<1x16xf32>,
      }
      %scan3A_139 = arith.constant 128 : i32
      "tpu.region"() ({
        %run_scoped3A = tpu.sem_alloc : memref<!tpu.dma_semaphore, #tpu.memory_space<semaphore_mem>>
        %dma_start3A_147 = arith.constant 0 : i32
        %dma_start3A_148 = tpu.memref_slice %arg9[%add3A_115, %dma_start3A_147] : memref<80x128xi32, #tpu.memory_space<vmem>> -> memref<1x128xi32, #tpu.memory_space<vmem>>
        %dma_start3A_149 = tpu.memref_squeeze %dma_start3A_148 : memref<1x128xi32, #tpu.memory_space<vmem>> -> memref<128xi32, #tpu.memory_space<vmem>>
        %dma_start3A_150 = arith.constant 0 : i32
        %dma_start3A_151 = arith.constant 0 : i32
        %dma_start3A_152 = tpu.memref_slice %arg15[%dma_start3A_150, %dma_start3A_151] : memref<10240x64xf32, #tpu.memory_space<vmem_shared>> -> memref<10240x64xf32, #tpu.memory_space<vmem_shared>>
        tpu.enqueue_indirect_dma source(%arg13 : memref<128x64xf32, #tpu.memory_space<vmem>>) target(%dma_start3A_152 : memref<10240x64xf32, #tpu.memory_space<vmem_shared>>) offsets(%dma_start3A_149 : memref<128xi32, #tpu.memory_space<vmem>>) semaphore(%run_scoped3A : memref<!tpu.dma_semaphore, #tpu.memory_space<semaphore_mem>>) {add = true}
        %dma_wait3A_153 = arith.constant 0 : i32
        %dma_wait3A_154 = tpu.memref_slice %arg9[%add3A_115, %dma_wait3A_153] : memref<80x128xi32, #tpu.memory_space<vmem>> -> memref<1x128xi32, #tpu.memory_space<vmem>>
        %dma_wait3A_155 = tpu.memref_squeeze %dma_wait3A_154 : memref<1x128xi32, #tpu.memory_space<vmem>> -> memref<128xi32, #tpu.memory_space<vmem>>
        %dma_wait3A_156 = arith.constant 0 : i32
        %dma_wait3A_157 = arith.constant 0 : i32
        %dma_wait3A_158 = tpu.memref_slice %arg15[%dma_wait3A_156, %dma_wait3A_157] : memref<10240x64xf32, #tpu.memory_space<vmem_shared>> -> memref<10240x64xf32, #tpu.memory_space<vmem_shared>>
        tpu.wait_indirect_dma semaphore(%run_scoped3A : memref<!tpu.dma_semaphore, #tpu.memory_space<semaphore_mem>>) src(%arg13 : memref<128x64xf32, #tpu.memory_space<vmem>>) dst(%dma_wait3A_158 : memref<10240x64xf32, #tpu.memory_space<vmem_shared>>)
        tpu.yield
      }) : () -> ()
      %add3A_140 = arith.constant 2 : i32
      %add3A_141 = arith.addi %add3A_115, %add3A_140 : i32
      %lt3A_142 = arith.constant 80 : i32
      %lt3A_143 = arith.cmpi slt, %add3A_141, %lt3A_142 : i32
      %convert_element_type3A_144 = arith.extui %lt3A_143 : i1 to i32
      %cond3A_145 = arith.constant 0 : i32
      %cond3A_146 = arith.cmpi ne, %convert_element_type3A_144, %cond3A_145 : i32
      scf.if %cond3A_146 {
        %add3A_147 = arith.constant 2 : i32
        %add3A_148 = arith.addi %add3A_115, %add3A_147 : i32
        %dma_start3A_149 = arith.constant 0 : i32
        %dma_start3A_150 = tpu.memref_slice %arg8[%add3A_148, %dma_start3A_149] : memref<80x128xi32, #tpu.memory_space<vmem>> -> memref<1x128xi32, #tpu.memory_space<vmem>>
        %dma_start3A_151 = tpu.memref_squeeze %dma_start3A_150 : memref<1x128xi32, #tpu.memory_space<vmem>> -> memref<128xi32, #tpu.memory_space<vmem>>
        %dma_start3A_152 = arith.constant 0 : i32
        %dma_start3A_153 = arith.constant 0 : i32
        %dma_start3A_154 = tpu.memref_slice %arg2[%arg0, %dma_start3A_152, %dma_start3A_153] : memref<2x80000x64xf32, #tpu.memory_space<hbm>> -> memref<1x80000x64xf32, #tpu.memory_space<hbm>>
        %dma_start3A_155 = tpu.memref_squeeze %dma_start3A_154 : memref<1x80000x64xf32, #tpu.memory_space<hbm>> -> memref<80000x64xf32, #tpu.memory_space<hbm>>
        %dma_start3A_156 = arith.constant 0 : i32
        %dma_start3A_157 = arith.constant 0 : i32
        %dma_start3A_158 = tpu.memref_slice %dma_start3A_155[%dma_start3A_156, %dma_start3A_157] : memref<80000x64xf32, #tpu.memory_space<hbm>> -> memref<80000x64xf32, #tpu.memory_space<hbm>>
        tpu.enqueue_indirect_dma source(%dma_start3A_158 : memref<80000x64xf32, #tpu.memory_space<hbm>>) target(%arg13 : memref<128x64xf32, #tpu.memory_space<vmem>>) offsets(%dma_start3A_151 : memref<128xi32, #tpu.memory_space<vmem>>) semaphore(%arg17 : memref<!tpu.dma_semaphore, #tpu.memory_space<semaphore_mem>>)
        %add3A_159 = arith.constant 2 : i32
        %add3A_160 = arith.addi %add3A_115, %add3A_159 : i32
        %dma_start3A_161 = arith.constant 0 : i32
        %dma_start3A_162 = arith.constant 0 : i32
        %dma_start3A_163 = tpu.memref_slice %arg5[%arg1, %add3A_160, %dma_start3A_161, %dma_start3A_162] : memref<16x80x128x16xf32, #tpu.memory_space<hbm>> -> memref<1x1x128x16xf32, #tpu.memory_space<hbm>>
        %dma_start3A_164 = tpu.memref_squeeze %dma_start3A_163 : memref<1x1x128x16xf32, #tpu.memory_space<hbm>> -> memref<128x16xf32, #tpu.memory_space<hbm>>
        %dma_start3A_165 = arith.constant 0 : i32
        %dma_start3A_166 = arith.constant 0 : i32
        %dma_start3A_167 = tpu.memref_slice %arg5[%arg1, %add3A_160, %dma_start3A_165, %dma_start3A_166] : memref<16x80x128x16xf32, #tpu.memory_space<hbm>> -> memref<1x1x128x16xf32, #tpu.memory_space<hbm>>
        %dma_start3A_168 = tpu.memref_squeeze %dma_start3A_167 : memref<1x1x128x16xf32, #tpu.memory_space<hbm>> -> memref<128x16xf32, #tpu.memory_space<hbm>>
        tpu.enqueue_dma source(%dma_start3A_168 : memref<128x16xf32, #tpu.memory_space<hbm>>) target(%arg11 : memref<128x16xf32, #tpu.memory_space<vmem>>) target_semaphore(%arg19 : memref<!tpu.dma_semaphore, #tpu.memory_space<semaphore_mem>>)
      } else {
      }
    }
    %scan3A_60 = arith.constant 40 : i32
    %barrier3A_61 = arith.constant 0 : index
    tpu.barrier barrier_id(%barrier3A_61)
    %mul3A_62 = arith.constant 640 : i32
    %mul3A_63 = arith.muli %arg1, %mul3A_62 : i32
    %add3A_64 = arith.constant 0 : i32
    %add3A_65 = arith.addi %mul3A_63, %add3A_64 : i32
    "tpu.region"() ({
      %run_scoped3A = tpu.sem_alloc : memref<!tpu.dma_semaphore, #tpu.memory_space<semaphore_mem>>
      %dma_start3A_82 = arith.constant 0 : i32
      %dma_start3A_83 = tpu.memref_slice %arg7[%arg0, %add3A_65, %dma_start3A_82] : memref<2x10240x64xf32, #tpu.memory_space<hbm>> -> memref<1x128x64xf32, #tpu.memory_space<hbm>>
      %dma_start3A_84 = tpu.memref_squeeze %dma_start3A_83 : memref<1x128x64xf32, #tpu.memory_space<hbm>> -> memref<128x64xf32, #tpu.memory_space<hbm>>
      %dma_start3A_85 = arith.constant 0 : i32
      %dma_start3A_86 = tpu.memref_slice %arg15[%add3A_65, %dma_start3A_85] : memref<10240x64xf32, #tpu.memory_space<vmem_shared>> -> memref<128x64xf32, #tpu.memory_space<vmem_shared>>
      tpu.enqueue_dma source(%dma_start3A_86 : memref<128x64xf32, #tpu.memory_space<vmem_shared>>) target(%dma_start3A_84 : memref<128x64xf32, #tpu.memory_space<hbm>>) target_semaphore(%run_scoped3A : memref<!tpu.dma_semaphore, #tpu.memory_space<semaphore_mem>>)
      %dma_wait3A = arith.constant 0 : i32
      %dma_wait3A_87 = tpu.memref_slice %arg7[%arg0, %add3A_65, %dma_wait3A] : memref<2x10240x64xf32, #tpu.memory_space<hbm>> -> memref<1x128x64xf32, #tpu.memory_space<hbm>>
      %dma_wait3A_88 = tpu.memref_squeeze %dma_wait3A_87 : memref<1x128x64xf32, #tpu.memory_space<hbm>> -> memref<128x64xf32, #tpu.memory_space<hbm>>
      %dma_wait3A_89 = arith.constant 0 : i32
      %dma_wait3A_90 = tpu.memref_slice %arg15[%add3A_65, %dma_wait3A_89] : memref<10240x64xf32, #tpu.memory_space<vmem_shared>> -> memref<128x64xf32, #tpu.memory_space<vmem_shared>>
      tpu.wait_dma2 semaphore(%run_scoped3A : memref<!tpu.dma_semaphore, #tpu.memory_space<semaphore_mem>>) src(%dma_wait3A_90 : memref<128x64xf32, #tpu.memory_space<vmem_shared>>) dst(%dma_wait3A_88 : memref<128x64xf32, #tpu.memory_space<hbm>>)
      tpu.yield
    }) : () -> ()
    %mul3A_66 = arith.constant 640 : i32
    %mul3A_67 = arith.muli %arg1, %mul3A_66 : i32
    %add3A_68 = arith.constant 128 : i32
    %add3A_69 = arith.addi %mul3A_67, %add3A_68 : i32
    "tpu.region"() ({
      %run_scoped3A = tpu.sem_alloc : memref<!tpu.dma_semaphore, #tpu.memory_space<semaphore_mem>>
      %dma_start3A_82 = arith.constant 0 : i32
      %dma_start3A_83 = tpu.memref_slice %arg7[%arg0, %add3A_69, %dma_start3A_82] : memref<2x10240x64xf32, #tpu.memory_space<hbm>> -> memref<1x128x64xf32, #tpu.memory_space<hbm>>
      %dma_start3A_84 = tpu.memref_squeeze %dma_start3A_83 : memref<1x128x64xf32, #tpu.memory_space<hbm>> -> memref<128x64xf32, #tpu.memory_space<hbm>>
      %dma_start3A_85 = arith.constant 0 : i32
      %dma_start3A_86 = tpu.memref_slice %arg15[%add3A_69, %dma_start3A_85] : memref<10240x64xf32, #tpu.memory_space<vmem_shared>> -> memref<128x64xf32, #tpu.memory_space<vmem_shared>>
      tpu.enqueue_dma source(%dma_start3A_86 : memref<128x64xf32, #tpu.memory_space<vmem_shared>>) target(%dma_start3A_84 : memref<128x64xf32, #tpu.memory_space<hbm>>) target_semaphore(%run_scoped3A : memref<!tpu.dma_semaphore, #tpu.memory_space<semaphore_mem>>)
      %dma_wait3A = arith.constant 0 : i32
      %dma_wait3A_87 = tpu.memref_slice %arg7[%arg0, %add3A_69, %dma_wait3A] : memref<2x10240x64xf32, #tpu.memory_space<hbm>> -> memref<1x128x64xf32, #tpu.memory_space<hbm>>
      %dma_wait3A_88 = tpu.memref_squeeze %dma_wait3A_87 : memref<1x128x64xf32, #tpu.memory_space<hbm>> -> memref<128x64xf32, #tpu.memory_space<hbm>>
      %dma_wait3A_89 = arith.constant 0 : i32
      %dma_wait3A_90 = tpu.memref_slice %arg15[%add3A_69, %dma_wait3A_89] : memref<10240x64xf32, #tpu.memory_space<vmem_shared>> -> memref<128x64xf32, #tpu.memory_space<vmem_shared>>
      tpu.wait_dma2 semaphore(%run_scoped3A : memref<!tpu.dma_semaphore, #tpu.memory_space<semaphore_mem>>) src(%dma_wait3A_90 : memref<128x64xf32, #tpu.memory_space<vmem_shared>>) dst(%dma_wait3A_88 : memref<128x64xf32, #tpu.memory_space<hbm>>)
      tpu.yield
    }) : () -> ()
    %mul3A_70 = arith.constant 640 : i32
    %mul3A_71 = arith.muli %arg1, %mul3A_70 : i32
    %add3A_72 = arith.constant 256 : i32
    %add3A_73 = arith.addi %mul3A_71, %add3A_72 : i32
    "tpu.region"() ({
      %run_scoped3A = tpu.sem_alloc : memref<!tpu.dma_semaphore, #tpu.memory_space<semaphore_mem>>
      %dma_start3A_82 = arith.constant 0 : i32
      %dma_start3A_83 = tpu.memref_slice %arg7[%arg0, %add3A_73, %dma_start3A_82] : memref<2x10240x64xf32, #tpu.memory_space<hbm>> -> memref<1x128x64xf32, #tpu.memory_space<hbm>>
      %dma_start3A_84 = tpu.memref_squeeze %dma_start3A_83 : memref<1x128x64xf32, #tpu.memory_space<hbm>> -> memref<128x64xf32, #tpu.memory_space<hbm>>
      %dma_start3A_85 = arith.constant 0 : i32
      %dma_start3A_86 = tpu.memref_slice %arg15[%add3A_73, %dma_start3A_85] : memref<10240x64xf32, #tpu.memory_space<vmem_shared>> -> memref<128x64xf32, #tpu.memory_space<vmem_shared>>
      tpu.enqueue_dma source(%dma_start3A_86 : memref<128x64xf32, #tpu.memory_space<vmem_shared>>) target(%dma_start3A_84 : memref<128x64xf32, #tpu.memory_space<hbm>>) target_semaphore(%run_scoped3A : memref<!tpu.dma_semaphore, #tpu.memory_space<semaphore_mem>>)
      %dma_wait3A = arith.constant 0 : i32
      %dma_wait3A_87 = tpu.memref_slice %arg7[%arg0, %add3A_73, %dma_wait3A] : memref<2x10240x64xf32, #tpu.memory_space<hbm>> -> memref<1x128x64xf32, #tpu.memory_space<hbm>>
      %dma_wait3A_88 = tpu.memref_squeeze %dma_wait3A_87 : memref<1x128x64xf32, #tpu.memory_space<hbm>> -> memref<128x64xf32, #tpu.memory_space<hbm>>
      %dma_wait3A_89 = arith.constant 0 : i32
      %dma_wait3A_90 = tpu.memref_slice %arg15[%add3A_73, %dma_wait3A_89] : memref<10240x64xf32, #tpu.memory_space<vmem_shared>> -> memref<128x64xf32, #tpu.memory_space<vmem_shared>>
      tpu.wait_dma2 semaphore(%run_scoped3A : memref<!tpu.dma_semaphore, #tpu.memory_space<semaphore_mem>>) src(%dma_wait3A_90 : memref<128x64xf32, #tpu.memory_space<vmem_shared>>) dst(%dma_wait3A_88 : memref<128x64xf32, #tpu.memory_space<hbm>>)
      tpu.yield
    }) : () -> ()
    %mul3A_74 = arith.constant 640 : i32
    %mul3A_75 = arith.muli %arg1, %mul3A_74 : i32
    %add3A_76 = arith.constant 384 : i32
    %add3A_77 = arith.addi %mul3A_75, %add3A_76 : i32
    "tpu.region"() ({
      %run_scoped3A = tpu.sem_alloc : memref<!tpu.dma_semaphore, #tpu.memory_space<semaphore_mem>>
      %dma_start3A_82 = arith.constant 0 : i32
      %dma_start3A_83 = tpu.memref_slice %arg7[%arg0, %add3A_77, %dma_start3A_82] : memref<2x10240x64xf32, #tpu.memory_space<hbm>> -> memref<1x128x64xf32, #tpu.memory_space<hbm>>
      %dma_start3A_84 = tpu.memref_squeeze %dma_start3A_83 : memref<1x128x64xf32, #tpu.memory_space<hbm>> -> memref<128x64xf32, #tpu.memory_space<hbm>>
      %dma_start3A_85 = arith.constant 0 : i32
      %dma_start3A_86 = tpu.memref_slice %arg15[%add3A_77, %dma_start3A_85] : memref<10240x64xf32, #tpu.memory_space<vmem_shared>> -> memref<128x64xf32, #tpu.memory_space<vmem_shared>>
      tpu.enqueue_dma source(%dma_start3A_86 : memref<128x64xf32, #tpu.memory_space<vmem_shared>>) target(%dma_start3A_84 : memref<128x64xf32, #tpu.memory_space<hbm>>) target_semaphore(%run_scoped3A : memref<!tpu.dma_semaphore, #tpu.memory_space<semaphore_mem>>)
      %dma_wait3A = arith.constant 0 : i32
      %dma_wait3A_87 = tpu.memref_slice %arg7[%arg0, %add3A_77, %dma_wait3A] : memref<2x10240x64xf32, #tpu.memory_space<hbm>> -> memref<1x128x64xf32, #tpu.memory_space<hbm>>
      %dma_wait3A_88 = tpu.memref_squeeze %dma_wait3A_87 : memref<1x128x64xf32, #tpu.memory_space<hbm>> -> memref<128x64xf32, #tpu.memory_space<hbm>>
      %dma_wait3A_89 = arith.constant 0 : i32
      %dma_wait3A_90 = tpu.memref_slice %arg15[%add3A_77, %dma_wait3A_89] : memref<10240x64xf32, #tpu.memory_space<vmem_shared>> -> memref<128x64xf32, #tpu.memory_space<vmem_shared>>
      tpu.wait_dma2 semaphore(%run_scoped3A : memref<!tpu.dma_semaphore, #tpu.memory_space<semaphore_mem>>) src(%dma_wait3A_90 : memref<128x64xf32, #tpu.memory_space<vmem_shared>>) dst(%dma_wait3A_88 : memref<128x64xf32, #tpu.memory_space<hbm>>)
      tpu.yield
    }) : () -> ()
    %mul3A_78 = arith.constant 640 : i32
    %mul3A_79 = arith.muli %arg1, %mul3A_78 : i32
    %add3A_80 = arith.constant 512 : i32
    %add3A_81 = arith.addi %mul3A_79, %add3A_80 : i32
    "tpu.region"() ({
      %run_scoped3A = tpu.sem_alloc : memref<!tpu.dma_semaphore, #tpu.memory_space<semaphore_mem>>
      %dma_start3A_82 = arith.constant 0 : i32
      %dma_start3A_83 = tpu.memref_slice %arg7[%arg0, %add3A_81, %dma_start3A_82] : memref<2x10240x64xf32, #tpu.memory_space<hbm>> -> memref<1x128x64xf32, #tpu.memory_space<hbm>>
      %dma_start3A_84 = tpu.memref_squeeze %dma_start3A_83 : memref<1x128x64xf32, #tpu.memory_space<hbm>> -> memref<128x64xf32, #tpu.memory_space<hbm>>
      %dma_start3A_85 = arith.constant 0 : i32
      %dma_start3A_86 = tpu.memref_slice %arg15[%add3A_81, %dma_start3A_85] : memref<10240x64xf32, #tpu.memory_space<vmem_shared>> -> memref<128x64xf32, #tpu.memory_space<vmem_shared>>
      tpu.enqueue_dma source(%dma_start3A_86 : memref<128x64xf32, #tpu.memory_space<vmem_shared>>) target(%dma_start3A_84 : memref<128x64xf32, #tpu.memory_space<hbm>>) target_semaphore(%run_scoped3A : memref<!tpu.dma_semaphore, #tpu.memory_space<semaphore_mem>>)
      %dma_wait3A = arith.constant 0 : i32
      %dma_wait3A_87 = tpu.memref_slice %arg7[%arg0, %add3A_81, %dma_wait3A] : memref<2x10240x64xf32, #tpu.memory_space<hbm>> -> memref<1x128x64xf32, #tpu.memory_space<hbm>>
      %dma_wait3A_88 = tpu.memref_squeeze %dma_wait3A_87 : memref<1x128x64xf32, #tpu.memory_space<hbm>> -> memref<128x64xf32, #tpu.memory_space<hbm>>
      %dma_wait3A_89 = arith.constant 0 : i32
      %dma_wait3A_90 = tpu.memref_slice %arg15[%add3A_81, %dma_wait3A_89] : memref<10240x64xf32, #tpu.memory_space<vmem_shared>> -> memref<128x64xf32, #tpu.memory_space<vmem_shared>>
      tpu.wait_dma2 semaphore(%run_scoped3A : memref<!tpu.dma_semaphore, #tpu.memory_space<semaphore_mem>>) src(%dma_wait3A_90 : memref<128x64xf32, #tpu.memory_space<vmem_shared>>) dst(%dma_wait3A_88 : memref<128x64xf32, #tpu.memory_space<hbm>>)
      tpu.yield
    }) : () -> ()
    return
  }
}

#map = affine_map<(d0, d1) -> (0, 0, 0)>
#map1 = affine_map<(d0, d1) -> (0, 0)>
module attributes {stable_mosaic.version = 14 : i64} {
  func.func @_gather_rows(%arg0: i32, %arg1: i32, %arg2: memref<32x4x80xi32, #tpu.memory_space<hbm>>, %arg3: memref<100000x128xf32, #tpu.memory_space<hbm>>, %arg4: memref<10240x128xf32, #tpu.memory_space<hbm>>, %arg5: memref<4x80xi32, #tpu.memory_space<vmem>>, %arg6: memref<320x128xf32, #tpu.memory_space<vmem>>, %arg7: memref<!tpu.dma_semaphore, #tpu.memory_space<semaphore_mem>>) attributes {dimension_semantics = [#tpu.dimension_semantics<core_parallel>, #tpu.dimension_semantics<subcore_parallel>], iteration_bounds = array<i64: 2, 16>, scalar_prefetch = 0 : i64, scratch_operands = 3 : i64, tpu.core_type = #tpu.core_type<sc_vector_subcore>, window_params = [{transform_indices = #map}, {transform_indices = #map1}, {transform_indices = #map1}]} {
    %mul3A = arith.constant 16 : i32
    %mul3A_0 = arith.muli %arg0, %mul3A : i32
    %add3A = arith.addi %mul3A_0, %arg1 : i32
    "tpu.region"() ({
      %run_scoped3A = tpu.sem_alloc : memref<!tpu.dma_semaphore, #tpu.memory_space<semaphore_mem>>
      %dma_start3A_81 = arith.constant 0 : i32
      %dma_start3A_82 = arith.constant 0 : i32
      %dma_start3A_83 = tpu.memref_slice %arg2[%add3A, %dma_start3A_81, %dma_start3A_82] : memref<32x4x80xi32, #tpu.memory_space<hbm>> -> memref<1x4x80xi32, #tpu.memory_space<hbm>>
      %dma_start3A_84 = tpu.memref_squeeze %dma_start3A_83 : memref<1x4x80xi32, #tpu.memory_space<hbm>> -> memref<4x80xi32, #tpu.memory_space<hbm>>
      %dma_start3A_85 = arith.constant 0 : i32
      %dma_start3A_86 = arith.constant 0 : i32
      %dma_start3A_87 = tpu.memref_slice %arg2[%add3A, %dma_start3A_85, %dma_start3A_86] : memref<32x4x80xi32, #tpu.memory_space<hbm>> -> memref<1x4x80xi32, #tpu.memory_space<hbm>>
      %dma_start3A_88 = tpu.memref_squeeze %dma_start3A_87 : memref<1x4x80xi32, #tpu.memory_space<hbm>> -> memref<4x80xi32, #tpu.memory_space<hbm>>
      tpu.enqueue_dma source(%dma_start3A_88 : memref<4x80xi32, #tpu.memory_space<hbm>>) target(%arg5 : memref<4x80xi32, #tpu.memory_space<vmem>>) target_semaphore(%run_scoped3A : memref<!tpu.dma_semaphore, #tpu.memory_space<semaphore_mem>>)
      %dma_wait3A_89 = arith.constant 0 : i32
      %dma_wait3A_90 = arith.constant 0 : i32
      %dma_wait3A_91 = tpu.memref_slice %arg2[%add3A, %dma_wait3A_89, %dma_wait3A_90] : memref<32x4x80xi32, #tpu.memory_space<hbm>> -> memref<1x4x80xi32, #tpu.memory_space<hbm>>
      %dma_wait3A_92 = tpu.memref_squeeze %dma_wait3A_91 : memref<1x4x80xi32, #tpu.memory_space<hbm>> -> memref<4x80xi32, #tpu.memory_space<hbm>>
      %dma_wait3A_93 = arith.constant 0 : i32
      %dma_wait3A_94 = arith.constant 0 : i32
      %dma_wait3A_95 = tpu.memref_slice %arg2[%add3A, %dma_wait3A_93, %dma_wait3A_94] : memref<32x4x80xi32, #tpu.memory_space<hbm>> -> memref<1x4x80xi32, #tpu.memory_space<hbm>>
      %dma_wait3A_96 = tpu.memref_squeeze %dma_wait3A_95 : memref<1x4x80xi32, #tpu.memory_space<hbm>> -> memref<4x80xi32, #tpu.memory_space<hbm>>
      tpu.wait_dma2 semaphore(%run_scoped3A : memref<!tpu.dma_semaphore, #tpu.memory_space<semaphore_mem>>) src(%dma_wait3A_96 : memref<4x80xi32, #tpu.memory_space<hbm>>) dst(%arg5 : memref<4x80xi32, #tpu.memory_space<vmem>>)
      tpu.yield
    }) : () -> ()
    %dma_start3A = arith.constant 0 : i32
    %dma_start3A_1 = arith.constant 0 : i32
    %dma_start3A_2 = arith.constant 0 : i32
    %dma_start3A_3 = tpu.memref_slice %arg6[%dma_start3A_1, %dma_start3A_2] : memref<320x128xf32, #tpu.memory_space<vmem>> -> memref<80x128xf32, #tpu.memory_space<vmem>>
    %dma_start3A_4 = arith.constant 0 : i32
    %dma_start3A_5 = tpu.memref_slice %arg5[%dma_start3A, %dma_start3A_4] : memref<4x80xi32, #tpu.memory_space<vmem>> -> memref<1x80xi32, #tpu.memory_space<vmem>>
    %dma_start3A_6 = tpu.memref_squeeze %dma_start3A_5 : memref<1x80xi32, #tpu.memory_space<vmem>> -> memref<80xi32, #tpu.memory_space<vmem>>
    %dma_start3A_7 = arith.constant 0 : i32
    %dma_start3A_8 = arith.constant 0 : i32
    %dma_start3A_9 = tpu.memref_slice %arg3[%dma_start3A_7, %dma_start3A_8] : memref<100000x128xf32, #tpu.memory_space<hbm>> -> memref<100000x128xf32, #tpu.memory_space<hbm>>
    tpu.enqueue_indirect_dma source(%dma_start3A_9 : memref<100000x128xf32, #tpu.memory_space<hbm>>) target(%dma_start3A_3 : memref<80x128xf32, #tpu.memory_space<vmem>>) offsets(%dma_start3A_6 : memref<80xi32, #tpu.memory_space<vmem>>) semaphore(%arg7 : memref<!tpu.dma_semaphore, #tpu.memory_space<semaphore_mem>>)
    %dma_start3A_10 = arith.constant 1 : i32
    %dma_start3A_11 = arith.constant 80 : i32
    %dma_start3A_12 = arith.constant 0 : i32
    %dma_start3A_13 = tpu.memref_slice %arg6[%dma_start3A_11, %dma_start3A_12] : memref<320x128xf32, #tpu.memory_space<vmem>> -> memref<80x128xf32, #tpu.memory_space<vmem>>
    %dma_start3A_14 = arith.constant 0 : i32
    %dma_start3A_15 = tpu.memref_slice %arg5[%dma_start3A_10, %dma_start3A_14] : memref<4x80xi32, #tpu.memory_space<vmem>> -> memref<1x80xi32, #tpu.memory_space<vmem>>
    %dma_start3A_16 = tpu.memref_squeeze %dma_start3A_15 : memref<1x80xi32, #tpu.memory_space<vmem>> -> memref<80xi32, #tpu.memory_space<vmem>>
    %dma_start3A_17 = arith.constant 0 : i32
    %dma_start3A_18 = arith.constant 0 : i32
    %dma_start3A_19 = tpu.memref_slice %arg3[%dma_start3A_17, %dma_start3A_18] : memref<100000x128xf32, #tpu.memory_space<hbm>> -> memref<100000x128xf32, #tpu.memory_space<hbm>>
    tpu.enqueue_indirect_dma source(%dma_start3A_19 : memref<100000x128xf32, #tpu.memory_space<hbm>>) target(%dma_start3A_13 : memref<80x128xf32, #tpu.memory_space<vmem>>) offsets(%dma_start3A_16 : memref<80xi32, #tpu.memory_space<vmem>>) semaphore(%arg7 : memref<!tpu.dma_semaphore, #tpu.memory_space<semaphore_mem>>)
    %dma_start3A_20 = arith.constant 2 : i32
    %dma_start3A_21 = arith.constant 160 : i32
    %dma_start3A_22 = arith.constant 0 : i32
    %dma_start3A_23 = tpu.memref_slice %arg6[%dma_start3A_21, %dma_start3A_22] : memref<320x128xf32, #tpu.memory_space<vmem>> -> memref<80x128xf32, #tpu.memory_space<vmem>>
    %dma_start3A_24 = arith.constant 0 : i32
    %dma_start3A_25 = tpu.memref_slice %arg5[%dma_start3A_20, %dma_start3A_24] : memref<4x80xi32, #tpu.memory_space<vmem>> -> memref<1x80xi32, #tpu.memory_space<vmem>>
    %dma_start3A_26 = tpu.memref_squeeze %dma_start3A_25 : memref<1x80xi32, #tpu.memory_space<vmem>> -> memref<80xi32, #tpu.memory_space<vmem>>
    %dma_start3A_27 = arith.constant 0 : i32
    %dma_start3A_28 = arith.constant 0 : i32
    %dma_start3A_29 = tpu.memref_slice %arg3[%dma_start3A_27, %dma_start3A_28] : memref<100000x128xf32, #tpu.memory_space<hbm>> -> memref<100000x128xf32, #tpu.memory_space<hbm>>
    tpu.enqueue_indirect_dma source(%dma_start3A_29 : memref<100000x128xf32, #tpu.memory_space<hbm>>) target(%dma_start3A_23 : memref<80x128xf32, #tpu.memory_space<vmem>>) offsets(%dma_start3A_26 : memref<80xi32, #tpu.memory_space<vmem>>) semaphore(%arg7 : memref<!tpu.dma_semaphore, #tpu.memory_space<semaphore_mem>>)
    %dma_start3A_30 = arith.constant 3 : i32
    %dma_start3A_31 = arith.constant 240 : i32
    %dma_start3A_32 = arith.constant 0 : i32
    %dma_start3A_33 = tpu.memref_slice %arg6[%dma_start3A_31, %dma_start3A_32] : memref<320x128xf32, #tpu.memory_space<vmem>> -> memref<80x128xf32, #tpu.memory_space<vmem>>
    %dma_start3A_34 = arith.constant 0 : i32
    %dma_start3A_35 = tpu.memref_slice %arg5[%dma_start3A_30, %dma_start3A_34] : memref<4x80xi32, #tpu.memory_space<vmem>> -> memref<1x80xi32, #tpu.memory_space<vmem>>
    %dma_start3A_36 = tpu.memref_squeeze %dma_start3A_35 : memref<1x80xi32, #tpu.memory_space<vmem>> -> memref<80xi32, #tpu.memory_space<vmem>>
    %dma_start3A_37 = arith.constant 0 : i32
    %dma_start3A_38 = arith.constant 0 : i32
    %dma_start3A_39 = tpu.memref_slice %arg3[%dma_start3A_37, %dma_start3A_38] : memref<100000x128xf32, #tpu.memory_space<hbm>> -> memref<100000x128xf32, #tpu.memory_space<hbm>>
    tpu.enqueue_indirect_dma source(%dma_start3A_39 : memref<100000x128xf32, #tpu.memory_space<hbm>>) target(%dma_start3A_33 : memref<80x128xf32, #tpu.memory_space<vmem>>) offsets(%dma_start3A_36 : memref<80xi32, #tpu.memory_space<vmem>>) semaphore(%arg7 : memref<!tpu.dma_semaphore, #tpu.memory_space<semaphore_mem>>)
    %dma_wait3A = arith.constant 0 : i32
    %dma_wait3A_40 = arith.constant 0 : i32
    %dma_wait3A_41 = arith.constant 0 : i32
    %dma_wait3A_42 = tpu.memref_slice %arg6[%dma_wait3A_40, %dma_wait3A_41] : memref<320x128xf32, #tpu.memory_space<vmem>> -> memref<80x128xf32, #tpu.memory_space<vmem>>
    %dma_wait3A_43 = arith.constant 0 : i32
    %dma_wait3A_44 = tpu.memref_slice %arg5[%dma_wait3A, %dma_wait3A_43] : memref<4x80xi32, #tpu.memory_space<vmem>> -> memref<1x80xi32, #tpu.memory_space<vmem>>
    %dma_wait3A_45 = tpu.memref_squeeze %dma_wait3A_44 : memref<1x80xi32, #tpu.memory_space<vmem>> -> memref<80xi32, #tpu.memory_space<vmem>>
    %dma_wait3A_46 = arith.constant 0 : i32
    %dma_wait3A_47 = arith.constant 0 : i32
    %dma_wait3A_48 = tpu.memref_slice %arg3[%dma_wait3A_46, %dma_wait3A_47] : memref<100000x128xf32, #tpu.memory_space<hbm>> -> memref<100000x128xf32, #tpu.memory_space<hbm>>
    tpu.wait_indirect_dma semaphore(%arg7 : memref<!tpu.dma_semaphore, #tpu.memory_space<semaphore_mem>>) src(%dma_wait3A_48 : memref<100000x128xf32, #tpu.memory_space<hbm>>) dst(%dma_wait3A_42 : memref<80x128xf32, #tpu.memory_space<vmem>>)
    %dma_wait3A_49 = arith.constant 1 : i32
    %dma_wait3A_50 = arith.constant 80 : i32
    %dma_wait3A_51 = arith.constant 0 : i32
    %dma_wait3A_52 = tpu.memref_slice %arg6[%dma_wait3A_50, %dma_wait3A_51] : memref<320x128xf32, #tpu.memory_space<vmem>> -> memref<80x128xf32, #tpu.memory_space<vmem>>
    %dma_wait3A_53 = arith.constant 0 : i32
    %dma_wait3A_54 = tpu.memref_slice %arg5[%dma_wait3A_49, %dma_wait3A_53] : memref<4x80xi32, #tpu.memory_space<vmem>> -> memref<1x80xi32, #tpu.memory_space<vmem>>
    %dma_wait3A_55 = tpu.memref_squeeze %dma_wait3A_54 : memref<1x80xi32, #tpu.memory_space<vmem>> -> memref<80xi32, #tpu.memory_space<vmem>>
    %dma_wait3A_56 = arith.constant 0 : i32
    %dma_wait3A_57 = arith.constant 0 : i32
    %dma_wait3A_58 = tpu.memref_slice %arg3[%dma_wait3A_56, %dma_wait3A_57] : memref<100000x128xf32, #tpu.memory_space<hbm>> -> memref<100000x128xf32, #tpu.memory_space<hbm>>
    tpu.wait_indirect_dma semaphore(%arg7 : memref<!tpu.dma_semaphore, #tpu.memory_space<semaphore_mem>>) src(%dma_wait3A_58 : memref<100000x128xf32, #tpu.memory_space<hbm>>) dst(%dma_wait3A_52 : memref<80x128xf32, #tpu.memory_space<vmem>>)
    %dma_wait3A_59 = arith.constant 2 : i32
    %dma_wait3A_60 = arith.constant 160 : i32
    %dma_wait3A_61 = arith.constant 0 : i32
    %dma_wait3A_62 = tpu.memref_slice %arg6[%dma_wait3A_60, %dma_wait3A_61] : memref<320x128xf32, #tpu.memory_space<vmem>> -> memref<80x128xf32, #tpu.memory_space<vmem>>
    %dma_wait3A_63 = arith.constant 0 : i32
    %dma_wait3A_64 = tpu.memref_slice %arg5[%dma_wait3A_59, %dma_wait3A_63] : memref<4x80xi32, #tpu.memory_space<vmem>> -> memref<1x80xi32, #tpu.memory_space<vmem>>
    %dma_wait3A_65 = tpu.memref_squeeze %dma_wait3A_64 : memref<1x80xi32, #tpu.memory_space<vmem>> -> memref<80xi32, #tpu.memory_space<vmem>>
    %dma_wait3A_66 = arith.constant 0 : i32
    %dma_wait3A_67 = arith.constant 0 : i32
    %dma_wait3A_68 = tpu.memref_slice %arg3[%dma_wait3A_66, %dma_wait3A_67] : memref<100000x128xf32, #tpu.memory_space<hbm>> -> memref<100000x128xf32, #tpu.memory_space<hbm>>
    tpu.wait_indirect_dma semaphore(%arg7 : memref<!tpu.dma_semaphore, #tpu.memory_space<semaphore_mem>>) src(%dma_wait3A_68 : memref<100000x128xf32, #tpu.memory_space<hbm>>) dst(%dma_wait3A_62 : memref<80x128xf32, #tpu.memory_space<vmem>>)
    %dma_wait3A_69 = arith.constant 3 : i32
    %dma_wait3A_70 = arith.constant 240 : i32
    %dma_wait3A_71 = arith.constant 0 : i32
    %dma_wait3A_72 = tpu.memref_slice %arg6[%dma_wait3A_70, %dma_wait3A_71] : memref<320x128xf32, #tpu.memory_space<vmem>> -> memref<80x128xf32, #tpu.memory_space<vmem>>
    %dma_wait3A_73 = arith.constant 0 : i32
    %dma_wait3A_74 = tpu.memref_slice %arg5[%dma_wait3A_69, %dma_wait3A_73] : memref<4x80xi32, #tpu.memory_space<vmem>> -> memref<1x80xi32, #tpu.memory_space<vmem>>
    %dma_wait3A_75 = tpu.memref_squeeze %dma_wait3A_74 : memref<1x80xi32, #tpu.memory_space<vmem>> -> memref<80xi32, #tpu.memory_space<vmem>>
    %dma_wait3A_76 = arith.constant 0 : i32
    %dma_wait3A_77 = arith.constant 0 : i32
    %dma_wait3A_78 = tpu.memref_slice %arg3[%dma_wait3A_76, %dma_wait3A_77] : memref<100000x128xf32, #tpu.memory_space<hbm>> -> memref<100000x128xf32, #tpu.memory_space<hbm>>
    tpu.wait_indirect_dma semaphore(%arg7 : memref<!tpu.dma_semaphore, #tpu.memory_space<semaphore_mem>>) src(%dma_wait3A_78 : memref<100000x128xf32, #tpu.memory_space<hbm>>) dst(%dma_wait3A_72 : memref<80x128xf32, #tpu.memory_space<vmem>>)
    %mul3A_79 = arith.constant 320 : i32
    %mul3A_80 = arith.muli %add3A, %mul3A_79 : i32
    "tpu.region"() ({
      %run_scoped3A = tpu.sem_alloc : memref<!tpu.dma_semaphore, #tpu.memory_space<semaphore_mem>>
      %dma_start3A_81 = arith.constant 0 : i32
      %dma_start3A_82 = tpu.memref_slice %arg4[%mul3A_80, %dma_start3A_81] : memref<10240x128xf32, #tpu.memory_space<hbm>> -> memref<320x128xf32, #tpu.memory_space<hbm>>
      %dma_start3A_83 = arith.constant 0 : i32
      %dma_start3A_84 = tpu.memref_slice %arg4[%mul3A_80, %dma_start3A_83] : memref<10240x128xf32, #tpu.memory_space<hbm>> -> memref<320x128xf32, #tpu.memory_space<hbm>>
      tpu.enqueue_dma source(%arg6 : memref<320x128xf32, #tpu.memory_space<vmem>>) target(%dma_start3A_84 : memref<320x128xf32, #tpu.memory_space<hbm>>) target_semaphore(%run_scoped3A : memref<!tpu.dma_semaphore, #tpu.memory_space<semaphore_mem>>)
      %dma_wait3A_85 = arith.constant 0 : i32
      %dma_wait3A_86 = tpu.memref_slice %arg4[%mul3A_80, %dma_wait3A_85] : memref<10240x128xf32, #tpu.memory_space<hbm>> -> memref<320x128xf32, #tpu.memory_space<hbm>>
      %dma_wait3A_87 = arith.constant 0 : i32
      %dma_wait3A_88 = tpu.memref_slice %arg4[%mul3A_80, %dma_wait3A_87] : memref<10240x128xf32, #tpu.memory_space<hbm>> -> memref<320x128xf32, #tpu.memory_space<hbm>>
      tpu.wait_dma2 semaphore(%run_scoped3A : memref<!tpu.dma_semaphore, #tpu.memory_space<semaphore_mem>>) src(%arg6 : memref<320x128xf32, #tpu.memory_space<vmem>>) dst(%dma_wait3A_88 : memref<320x128xf32, #tpu.memory_space<hbm>>)
      tpu.yield
    }) : () -> ()
    return
  }
}

#map = affine_map<(d0, d1) -> (0, 0, 0)>
#map1 = affine_map<(d0, d1) -> (0, 0, 0, 0)>
#map2 = affine_map<(d0, d1) -> (0, 0)>
module attributes {stable_mosaic.version = 14 : i64} {
  func.func @_edge_pass(%arg0: i32, %arg1: i32, %arg2: memref<2x80000x64xf32, #tpu.memory_space<hbm>>, %arg3: memref<16x80x128xi32, #tpu.memory_space<hbm>>, %arg4: memref<16x80x128xi32, #tpu.memory_space<hbm>>, %arg5: memref<16x80x128x16xf32, #tpu.memory_space<hbm>>, %arg6: memref<128x64xf32, #tpu.memory_space<hbm>>, %arg7: memref<2x10240x64xf32, #tpu.memory_space<hbm>>, %arg8: memref<80x128xi32, #tpu.memory_space<vmem>>, %arg9: memref<80x128xi32, #tpu.memory_space<vmem>>, %arg10: memref<128x16xf32, #tpu.memory_space<vmem>>, %arg11: memref<128x16xf32, #tpu.memory_space<vmem>>, %arg12: memref<128x64xf32, #tpu.memory_space<vmem>>, %arg13: memref<128x64xf32, #tpu.memory_space<vmem>>, %arg14: memref<128x64xf32, #tpu.memory_space<vmem>>, %arg15: memref<10240x64xf32, #tpu.memory_space<vmem_shared>>, %arg16: memref<!tpu.dma_semaphore, #tpu.memory_space<semaphore_mem>>, %arg17: memref<!tpu.dma_semaphore, #tpu.memory_space<semaphore_mem>>, %arg18: memref<!tpu.dma_semaphore, #tpu.memory_space<semaphore_mem>>, %arg19: memref<!tpu.dma_semaphore, #tpu.memory_space<semaphore_mem>>) attributes {dimension_semantics = [#tpu.dimension_semantics<core_parallel>, #tpu.dimension_semantics<subcore_parallel>], iteration_bounds = array<i64: 2, 16>, scalar_prefetch = 0 : i64, scratch_operands = 12 : i64, tpu.core_type = #tpu.core_type<sc_vector_subcore>, window_params = [{transform_indices = #map}, {transform_indices = #map}, {transform_indices = #map}, {transform_indices = #map1}, {transform_indices = #map2}, {transform_indices = #map}]} {
    "tpu.region"() ({
      %run_scoped3A = tpu.sem_alloc : memref<!tpu.dma_semaphore, #tpu.memory_space<semaphore_mem>>
      tpu.enqueue_dma source(%arg6 : memref<128x64xf32, #tpu.memory_space<hbm>>) target(%arg14 : memref<128x64xf32, #tpu.memory_space<vmem>>) target_semaphore(%run_scoped3A : memref<!tpu.dma_semaphore, #tpu.memory_space<semaphore_mem>>)
      tpu.wait_dma2 semaphore(%run_scoped3A : memref<!tpu.dma_semaphore, #tpu.memory_space<semaphore_mem>>) src(%arg6 : memref<128x64xf32, #tpu.memory_space<hbm>>) dst(%arg14 : memref<128x64xf32, #tpu.memory_space<vmem>>)
      tpu.yield
    }) : () -> ()
    %mul3A = arith.constant 640 : i32
    %mul3A_0 = arith.muli %arg1, %mul3A : i32
    %add3A = arith.constant 0 : i32
    %add3A_1 = arith.addi %mul3A_0, %add3A : i32
    "tpu.region"() ({
      %run_scoped3A = tpu.sem_alloc : memref<!tpu.dma_semaphore, #tpu.memory_space<semaphore_mem>>
      %dma_start3A_82 = arith.constant 0 : i32
      %dma_start3A_83 = tpu.memref_slice %arg15[%add3A_1, %dma_start3A_82] : memref<10240x64xf32, #tpu.memory_space<vmem_shared>> -> memref<128x64xf32, #tpu.memory_space<vmem_shared>>
      %dma_start3A_84 = arith.constant 0 : i32
      %dma_start3A_85 = tpu.memref_slice %arg15[%add3A_1, %dma_start3A_84] : memref<10240x64xf32, #tpu.memory_space<vmem_shared>> -> memref<128x64xf32, #tpu.memory_space<vmem_shared>>
      tpu.enqueue_dma source(%arg14 : memref<128x64xf32, #tpu.memory_space<vmem>>) target(%dma_start3A_85 : memref<128x64xf32, #tpu.memory_space<vmem_shared>>) target_semaphore(%run_scoped3A : memref<!tpu.dma_semaphore, #tpu.memory_space<semaphore_mem>>)
      %dma_wait3A = arith.constant 0 : i32
      %dma_wait3A_86 = tpu.memref_slice %arg15[%add3A_1, %dma_wait3A] : memref<10240x64xf32, #tpu.memory_space<vmem_shared>> -> memref<128x64xf32, #tpu.memory_space<vmem_shared>>
      %dma_wait3A_87 = arith.constant 0 : i32
      %dma_wait3A_88 = tpu.memref_slice %arg15[%add3A_1, %dma_wait3A_87] : memref<10240x64xf32, #tpu.memory_space<vmem_shared>> -> memref<128x64xf32, #tpu.memory_space<vmem_shared>>
      tpu.wait_dma2 semaphore(%run_scoped3A : memref<!tpu.dma_semaphore, #tpu.memory_space<semaphore_mem>>) src(%arg14 : memref<128x64xf32, #tpu.memory_space<vmem>>) dst(%dma_wait3A_88 : memref<128x64xf32, #tpu.memory_space<vmem_shared>>)
      tpu.yield
    }) : () -> ()
    %mul3A_2 = arith.constant 640 : i32
    %mul3A_3 = arith.muli %arg1, %mul3A_2 : i32
    %add3A_4 = arith.constant 128 : i32
    %add3A_5 = arith.addi %mul3A_3, %add3A_4 : i32
    "tpu.region"() ({
      %run_scoped3A = tpu.sem_alloc : memref<!tpu.dma_semaphore, #tpu.memory_space<semaphore_mem>>
      %dma_start3A_82 = arith.constant 0 : i32
      %dma_start3A_83 = tpu.memref_slice %arg15[%add3A_5, %dma_start3A_82] : memref<10240x64xf32, #tpu.memory_space<vmem_shared>> -> memref<128x64xf32, #tpu.memory_space<vmem_shared>>
      %dma_start3A_84 = arith.constant 0 : i32
      %dma_start3A_85 = tpu.memref_slice %arg15[%add3A_5, %dma_start3A_84] : memref<10240x64xf32, #tpu.memory_space<vmem_shared>> -> memref<128x64xf32, #tpu.memory_space<vmem_shared>>
      tpu.enqueue_dma source(%arg14 : memref<128x64xf32, #tpu.memory_space<vmem>>) target(%dma_start3A_85 : memref<128x64xf32, #tpu.memory_space<vmem_shared>>) target_semaphore(%run_scoped3A : memref<!tpu.dma_semaphore, #tpu.memory_space<semaphore_mem>>)
      %dma_wait3A = arith.constant 0 : i32
      %dma_wait3A_86 = tpu.memref_slice %arg15[%add3A_5, %dma_wait3A] : memref<10240x64xf32, #tpu.memory_space<vmem_shared>> -> memref<128x64xf32, #tpu.memory_space<vmem_shared>>
      %dma_wait3A_87 = arith.constant 0 : i32
      %dma_wait3A_88 = tpu.memref_slice %arg15[%add3A_5, %dma_wait3A_87] : memref<10240x64xf32, #tpu.memory_space<vmem_shared>> -> memref<128x64xf32, #tpu.memory_space<vmem_shared>>
      tpu.wait_dma2 semaphore(%run_scoped3A : memref<!tpu.dma_semaphore, #tpu.memory_space<semaphore_mem>>) src(%arg14 : memref<128x64xf32, #tpu.memory_space<vmem>>) dst(%dma_wait3A_88 : memref<128x64xf32, #tpu.memory_space<vmem_shared>>)
      tpu.yield
    }) : () -> ()
    %mul3A_6 = arith.constant 640 : i32
    %mul3A_7 = arith.muli %arg1, %mul3A_6 : i32
    %add3A_8 = arith.constant 256 : i32
    %add3A_9 = arith.addi %mul3A_7, %add3A_8 : i32
    "tpu.region"() ({
      %run_scoped3A = tpu.sem_alloc : memref<!tpu.dma_semaphore, #tpu.memory_space<semaphore_mem>>
      %dma_start3A_82 = arith.constant 0 : i32
      %dma_start3A_83 = tpu.memref_slice %arg15[%add3A_9, %dma_start3A_82] : memref<10240x64xf32, #tpu.memory_space<vmem_shared>> -> memref<128x64xf32, #tpu.memory_space<vmem_shared>>
      %dma_start3A_84 = arith.constant 0 : i32
      %dma_start3A_85 = tpu.memref_slice %arg15[%add3A_9, %dma_start3A_84] : memref<10240x64xf32, #tpu.memory_space<vmem_shared>> -> memref<128x64xf32, #tpu.memory_space<vmem_shared>>
      tpu.enqueue_dma source(%arg14 : memref<128x64xf32, #tpu.memory_space<vmem>>) target(%dma_start3A_85 : memref<128x64xf32, #tpu.memory_space<vmem_shared>>) target_semaphore(%run_scoped3A : memref<!tpu.dma_semaphore, #tpu.memory_space<semaphore_mem>>)
      %dma_wait3A = arith.constant 0 : i32
      %dma_wait3A_86 = tpu.memref_slice %arg15[%add3A_9, %dma_wait3A] : memref<10240x64xf32, #tpu.memory_space<vmem_shared>> -> memref<128x64xf32, #tpu.memory_space<vmem_shared>>
      %dma_wait3A_87 = arith.constant 0 : i32
      %dma_wait3A_88 = tpu.memref_slice %arg15[%add3A_9, %dma_wait3A_87] : memref<10240x64xf32, #tpu.memory_space<vmem_shared>> -> memref<128x64xf32, #tpu.memory_space<vmem_shared>>
      tpu.wait_dma2 semaphore(%run_scoped3A : memref<!tpu.dma_semaphore, #tpu.memory_space<semaphore_mem>>) src(%arg14 : memref<128x64xf32, #tpu.memory_space<vmem>>) dst(%dma_wait3A_88 : memref<128x64xf32, #tpu.memory_space<vmem_shared>>)
      tpu.yield
    }) : () -> ()
    %mul3A_10 = arith.constant 640 : i32
    %mul3A_11 = arith.muli %arg1, %mul3A_10 : i32
    %add3A_12 = arith.constant 384 : i32
    %add3A_13 = arith.addi %mul3A_11, %add3A_12 : i32
    "tpu.region"() ({
      %run_scoped3A = tpu.sem_alloc : memref<!tpu.dma_semaphore, #tpu.memory_space<semaphore_mem>>
      %dma_start3A_82 = arith.constant 0 : i32
      %dma_start3A_83 = tpu.memref_slice %arg15[%add3A_13, %dma_start3A_82] : memref<10240x64xf32, #tpu.memory_space<vmem_shared>> -> memref<128x64xf32, #tpu.memory_space<vmem_shared>>
      %dma_start3A_84 = arith.constant 0 : i32
      %dma_start3A_85 = tpu.memref_slice %arg15[%add3A_13, %dma_start3A_84] : memref<10240x64xf32, #tpu.memory_space<vmem_shared>> -> memref<128x64xf32, #tpu.memory_space<vmem_shared>>
      tpu.enqueue_dma source(%arg14 : memref<128x64xf32, #tpu.memory_space<vmem>>) target(%dma_start3A_85 : memref<128x64xf32, #tpu.memory_space<vmem_shared>>) target_semaphore(%run_scoped3A : memref<!tpu.dma_semaphore, #tpu.memory_space<semaphore_mem>>)
      %dma_wait3A = arith.constant 0 : i32
      %dma_wait3A_86 = tpu.memref_slice %arg15[%add3A_13, %dma_wait3A] : memref<10240x64xf32, #tpu.memory_space<vmem_shared>> -> memref<128x64xf32, #tpu.memory_space<vmem_shared>>
      %dma_wait3A_87 = arith.constant 0 : i32
      %dma_wait3A_88 = tpu.memref_slice %arg15[%add3A_13, %dma_wait3A_87] : memref<10240x64xf32, #tpu.memory_space<vmem_shared>> -> memref<128x64xf32, #tpu.memory_space<vmem_shared>>
      tpu.wait_dma2 semaphore(%run_scoped3A : memref<!tpu.dma_semaphore, #tpu.memory_space<semaphore_mem>>) src(%arg14 : memref<128x64xf32, #tpu.memory_space<vmem>>) dst(%dma_wait3A_88 : memref<128x64xf32, #tpu.memory_space<vmem_shared>>)
      tpu.yield
    }) : () -> ()
    %mul3A_14 = arith.constant 640 : i32
    %mul3A_15 = arith.muli %arg1, %mul3A_14 : i32
    %add3A_16 = arith.constant 512 : i32
    %add3A_17 = arith.addi %mul3A_15, %add3A_16 : i32
    "tpu.region"() ({
      %run_scoped3A = tpu.sem_alloc : memref<!tpu.dma_semaphore, #tpu.memory_space<semaphore_mem>>
      %dma_start3A_82 = arith.constant 0 : i32
      %dma_start3A_83 = tpu.memref_slice %arg15[%add3A_17, %dma_start3A_82] : memref<10240x64xf32, #tpu.memory_space<vmem_shared>> -> memref<128x64xf32, #tpu.memory_space<vmem_shared>>
      %dma_start3A_84 = arith.constant 0 : i32
      %dma_start3A_85 = tpu.memref_slice %arg15[%add3A_17, %dma_start3A_84] : memref<10240x64xf32, #tpu.memory_space<vmem_shared>> -> memref<128x64xf32, #tpu.memory_space<vmem_shared>>
      tpu.enqueue_dma source(%arg14 : memref<128x64xf32, #tpu.memory_space<vmem>>) target(%dma_start3A_85 : memref<128x64xf32, #tpu.memory_space<vmem_shared>>) target_semaphore(%run_scoped3A : memref<!tpu.dma_semaphore, #tpu.memory_space<semaphore_mem>>)
      %dma_wait3A = arith.constant 0 : i32
      %dma_wait3A_86 = tpu.memref_slice %arg15[%add3A_17, %dma_wait3A] : memref<10240x64xf32, #tpu.memory_space<vmem_shared>> -> memref<128x64xf32, #tpu.memory_space<vmem_shared>>
      %dma_wait3A_87 = arith.constant 0 : i32
      %dma_wait3A_88 = tpu.memref_slice %arg15[%add3A_17, %dma_wait3A_87] : memref<10240x64xf32, #tpu.memory_space<vmem_shared>> -> memref<128x64xf32, #tpu.memory_space<vmem_shared>>
      tpu.wait_dma2 semaphore(%run_scoped3A : memref<!tpu.dma_semaphore, #tpu.memory_space<semaphore_mem>>) src(%arg14 : memref<128x64xf32, #tpu.memory_space<vmem>>) dst(%dma_wait3A_88 : memref<128x64xf32, #tpu.memory_space<vmem_shared>>)
      tpu.yield
    }) : () -> ()
    "tpu.region"() ({
      %run_scoped3A = tpu.sem_alloc : memref<!tpu.dma_semaphore, #tpu.memory_space<semaphore_mem>>
      %dma_start3A_82 = arith.constant 0 : i32
      %dma_start3A_83 = arith.constant 0 : i32
      %dma_start3A_84 = tpu.memref_slice %arg3[%arg1, %dma_start3A_82, %dma_start3A_83] : memref<16x80x128xi32, #tpu.memory_space<hbm>> -> memref<1x80x128xi32, #tpu.memory_space<hbm>>
      %dma_start3A_85 = tpu.memref_squeeze %dma_start3A_84 : memref<1x80x128xi32, #tpu.memory_space<hbm>> -> memref<80x128xi32, #tpu.memory_space<hbm>>
      %dma_start3A_86 = arith.constant 0 : i32
      %dma_start3A_87 = arith.constant 0 : i32
      %dma_start3A_88 = tpu.memref_slice %arg3[%arg1, %dma_start3A_86, %dma_start3A_87] : memref<16x80x128xi32, #tpu.memory_space<hbm>> -> memref<1x80x128xi32, #tpu.memory_space<hbm>>
      %dma_start3A_89 = tpu.memref_squeeze %dma_start3A_88 : memref<1x80x128xi32, #tpu.memory_space<hbm>> -> memref<80x128xi32, #tpu.memory_space<hbm>>
      tpu.enqueue_dma source(%dma_start3A_89 : memref<80x128xi32, #tpu.memory_space<hbm>>) target(%arg8 : memref<80x128xi32, #tpu.memory_space<vmem>>) target_semaphore(%run_scoped3A : memref<!tpu.dma_semaphore, #tpu.memory_space<semaphore_mem>>)
      %dma_wait3A = arith.constant 0 : i32
      %dma_wait3A_90 = arith.constant 0 : i32
      %dma_wait3A_91 = tpu.memref_slice %arg3[%arg1, %dma_wait3A, %dma_wait3A_90] : memref<16x80x128xi32, #tpu.memory_space<hbm>> -> memref<1x80x128xi32, #tpu.memory_space<hbm>>
      %dma_wait3A_92 = tpu.memref_squeeze %dma_wait3A_91 : memref<1x80x128xi32, #tpu.memory_space<hbm>> -> memref<80x128xi32, #tpu.memory_space<hbm>>
      %dma_wait3A_93 = arith.constant 0 : i32
      %dma_wait3A_94 = arith.constant 0 : i32
      %dma_wait3A_95 = tpu.memref_slice %arg3[%arg1, %dma_wait3A_93, %dma_wait3A_94] : memref<16x80x128xi32, #tpu.memory_space<hbm>> -> memref<1x80x128xi32, #tpu.memory_space<hbm>>
      %dma_wait3A_96 = tpu.memref_squeeze %dma_wait3A_95 : memref<1x80x128xi32, #tpu.memory_space<hbm>> -> memref<80x128xi32, #tpu.memory_space<hbm>>
      tpu.wait_dma2 semaphore(%run_scoped3A : memref<!tpu.dma_semaphore, #tpu.memory_space<semaphore_mem>>) src(%dma_wait3A_96 : memref<80x128xi32, #tpu.memory_space<hbm>>) dst(%arg8 : memref<80x128xi32, #tpu.memory_space<vmem>>)
      tpu.yield
    }) : () -> ()
    "tpu.region"() ({
      %run_scoped3A = tpu.sem_alloc : memref<!tpu.dma_semaphore, #tpu.memory_space<semaphore_mem>>
      %dma_start3A_82 = arith.constant 0 : i32
      %dma_start3A_83 = arith.constant 0 : i32
      %dma_start3A_84 = tpu.memref_slice %arg4[%arg1, %dma_start3A_82, %dma_start3A_83] : memref<16x80x128xi32, #tpu.memory_space<hbm>> -> memref<1x80x128xi32, #tpu.memory_space<hbm>>
      %dma_start3A_85 = tpu.memref_squeeze %dma_start3A_84 : memref<1x80x128xi32, #tpu.memory_space<hbm>> -> memref<80x128xi32, #tpu.memory_space<hbm>>
      %dma_start3A_86 = arith.constant 0 : i32
      %dma_start3A_87 = arith.constant 0 : i32
      %dma_start3A_88 = tpu.memref_slice %arg4[%arg1, %dma_start3A_86, %dma_start3A_87] : memref<16x80x128xi32, #tpu.memory_space<hbm>> -> memref<1x80x128xi32, #tpu.memory_space<hbm>>
      %dma_start3A_89 = tpu.memref_squeeze %dma_start3A_88 : memref<1x80x128xi32, #tpu.memory_space<hbm>> -> memref<80x128xi32, #tpu.memory_space<hbm>>
      tpu.enqueue_dma source(%dma_start3A_89 : memref<80x128xi32, #tpu.memory_space<hbm>>) target(%arg9 : memref<80x128xi32, #tpu.memory_space<vmem>>) target_semaphore(%run_scoped3A : memref<!tpu.dma_semaphore, #tpu.memory_space<semaphore_mem>>)
      %dma_wait3A = arith.constant 0 : i32
      %dma_wait3A_90 = arith.constant 0 : i32
      %dma_wait3A_91 = tpu.memref_slice %arg4[%arg1, %dma_wait3A, %dma_wait3A_90] : memref<16x80x128xi32, #tpu.memory_space<hbm>> -> memref<1x80x128xi32, #tpu.memory_space<hbm>>
      %dma_wait3A_92 = tpu.memref_squeeze %dma_wait3A_91 : memref<1x80x128xi32, #tpu.memory_space<hbm>> -> memref<80x128xi32, #tpu.memory_space<hbm>>
      %dma_wait3A_93 = arith.constant 0 : i32
      %dma_wait3A_94 = arith.constant 0 : i32
      %dma_wait3A_95 = tpu.memref_slice %arg4[%arg1, %dma_wait3A_93, %dma_wait3A_94] : memref<16x80x128xi32, #tpu.memory_space<hbm>> -> memref<1x80x128xi32, #tpu.memory_space<hbm>>
      %dma_wait3A_96 = tpu.memref_squeeze %dma_wait3A_95 : memref<1x80x128xi32, #tpu.memory_space<hbm>> -> memref<80x128xi32, #tpu.memory_space<hbm>>
      tpu.wait_dma2 semaphore(%run_scoped3A : memref<!tpu.dma_semaphore, #tpu.memory_space<semaphore_mem>>) src(%dma_wait3A_96 : memref<80x128xi32, #tpu.memory_space<hbm>>) dst(%arg9 : memref<80x128xi32, #tpu.memory_space<vmem>>)
      tpu.yield
    }) : () -> ()
    %barrier3A = arith.constant 0 : index
    tpu.barrier barrier_id(%barrier3A)
    %dma_start3A = arith.constant 0 : i32
    %dma_start3A_18 = arith.constant 0 : i32
    %dma_start3A_19 = tpu.memref_slice %arg8[%dma_start3A, %dma_start3A_18] : memref<80x128xi32, #tpu.memory_space<vmem>> -> memref<1x128xi32, #tpu.memory_space<vmem>>
    %dma_start3A_20 = tpu.memref_squeeze %dma_start3A_19 : memref<1x128xi32, #tpu.memory_space<vmem>> -> memref<128xi32, #tpu.memory_space<vmem>>
    %dma_start3A_21 = arith.constant 0 : i32
    %dma_start3A_22 = arith.constant 0 : i32
    %dma_start3A_23 = tpu.memref_slice %arg2[%arg0, %dma_start3A_21, %dma_start3A_22] : memref<2x80000x64xf32, #tpu.memory_space<hbm>> -> memref<1x80000x64xf32, #tpu.memory_space<hbm>>
    %dma_start3A_24 = tpu.memref_squeeze %dma_start3A_23 : memref<1x80000x64xf32, #tpu.memory_space<hbm>> -> memref<80000x64xf32, #tpu.memory_space<hbm>>
    %dma_start3A_25 = arith.constant 0 : i32
    %dma_start3A_26 = arith.constant 0 : i32
    %dma_start3A_27 = tpu.memref_slice %dma_start3A_24[%dma_start3A_25, %dma_start3A_26] : memref<80000x64xf32, #tpu.memory_space<hbm>> -> memref<80000x64xf32, #tpu.memory_space<hbm>>
    tpu.enqueue_indirect_dma source(%dma_start3A_27 : memref<80000x64xf32, #tpu.memory_space<hbm>>) target(%arg12 : memref<128x64xf32, #tpu.memory_space<vmem>>) offsets(%dma_start3A_20 : memref<128xi32, #tpu.memory_space<vmem>>) semaphore(%arg16 : memref<!tpu.dma_semaphore, #tpu.memory_space<semaphore_mem>>)
    %dma_start3A_28 = arith.constant 0 : i32
    %dma_start3A_29 = arith.constant 0 : i32
    %dma_start3A_30 = arith.constant 0 : i32
    %dma_start3A_31 = tpu.memref_slice %arg5[%arg1, %dma_start3A_28, %dma_start3A_29, %dma_start3A_30] : memref<16x80x128x16xf32, #tpu.memory_space<hbm>> -> memref<1x1x128x16xf32, #tpu.memory_space<hbm>>
    %dma_start3A_32 = tpu.memref_squeeze %dma_start3A_31 : memref<1x1x128x16xf32, #tpu.memory_space<hbm>> -> memref<128x16xf32, #tpu.memory_space<hbm>>
    %dma_start3A_33 = arith.constant 0 : i32
    %dma_start3A_34 = arith.constant 0 : i32
    %dma_start3A_35 = tpu.memref_slice %arg5[%arg1, %dma_start3A_28, %dma_start3A_33, %dma_start3A_34] : memref<16x80x128x16xf32, #tpu.memory_space<hbm>> -> memref<1x1x128x16xf32, #tpu.memory_space<hbm>>
    %dma_start3A_36 = tpu.memref_squeeze %dma_start3A_35 : memref<1x1x128x16xf32, #tpu.memory_space<hbm>> -> memref<128x16xf32, #tpu.memory_space<hbm>>
    tpu.enqueue_dma source(%dma_start3A_36 : memref<128x16xf32, #tpu.memory_space<hbm>>) target(%arg10 : memref<128x16xf32, #tpu.memory_space<vmem>>) target_semaphore(%arg18 : memref<!tpu.dma_semaphore, #tpu.memory_space<semaphore_mem>>)
    %dma_start3A_37 = arith.constant 1 : i32
    %dma_start3A_38 = arith.constant 0 : i32
    %dma_start3A_39 = tpu.memref_slice %arg8[%dma_start3A_37, %dma_start3A_38] : memref<80x128xi32, #tpu.memory_space<vmem>> -> memref<1x128xi32, #tpu.memory_space<vmem>>
    %dma_start3A_40 = tpu.memref_squeeze %dma_start3A_39 : memref<1x128xi32, #tpu.memory_space<vmem>> -> memref<128xi32, #tpu.memory_space<vmem>>
    %dma_start3A_41 = arith.constant 0 : i32
    %dma_start3A_42 = arith.constant 0 : i32
    %dma_start3A_43 = tpu.memref_slice %arg2[%arg0, %dma_start3A_41, %dma_start3A_42] : memref<2x80000x64xf32, #tpu.memory_space<hbm>> -> memref<1x80000x64xf32, #tpu.memory_space<hbm>>
    %dma_start3A_44 = tpu.memref_squeeze %dma_start3A_43 : memref<1x80000x64xf32, #tpu.memory_space<hbm>> -> memref<80000x64xf32, #tpu.memory_space<hbm>>
    %dma_start3A_45 = arith.constant 0 : i32
    %dma_start3A_46 = arith.constant 0 : i32
    %dma_start3A_47 = tpu.memref_slice %dma_start3A_44[%dma_start3A_45, %dma_start3A_46] : memref<80000x64xf32, #tpu.memory_space<hbm>> -> memref<80000x64xf32, #tpu.memory_space<hbm>>
    tpu.enqueue_indirect_dma source(%dma_start3A_47 : memref<80000x64xf32, #tpu.memory_space<hbm>>) target(%arg13 : memref<128x64xf32, #tpu.memory_space<vmem>>) offsets(%dma_start3A_40 : memref<128xi32, #tpu.memory_space<vmem>>) semaphore(%arg17 : memref<!tpu.dma_semaphore, #tpu.memory_space<semaphore_mem>>)
    %dma_start3A_48 = arith.constant 1 : i32
    %dma_start3A_49 = arith.constant 0 : i32
    %dma_start3A_50 = arith.constant 0 : i32
    %dma_start3A_51 = tpu.memref_slice %arg5[%arg1, %dma_start3A_48, %dma_start3A_49, %dma_start3A_50] : memref<16x80x128x16xf32, #tpu.memory_space<hbm>> -> memref<1x1x128x16xf32, #tpu.memory_space<hbm>>
    %dma_start3A_52 = tpu.memref_squeeze %dma_start3A_51 : memref<1x1x128x16xf32, #tpu.memory_space<hbm>> -> memref<128x16xf32, #tpu.memory_space<hbm>>
    %dma_start3A_53 = arith.constant 0 : i32
    %dma_start3A_54 = arith.constant 0 : i32
    %dma_start3A_55 = tpu.memref_slice %arg5[%arg1, %dma_start3A_48, %dma_start3A_53, %dma_start3A_54] : memref<16x80x128x16xf32, #tpu.memory_space<hbm>> -> memref<1x1x128x16xf32, #tpu.memory_space<hbm>>
    %dma_start3A_56 = tpu.memref_squeeze %dma_start3A_55 : memref<1x1x128x16xf32, #tpu.memory_space<hbm>> -> memref<128x16xf32, #tpu.memory_space<hbm>>
    tpu.enqueue_dma source(%dma_start3A_56 : memref<128x16xf32, #tpu.memory_space<hbm>>) target(%arg11 : memref<128x16xf32, #tpu.memory_space<vmem>>) target_semaphore(%arg19 : memref<!tpu.dma_semaphore, #tpu.memory_space<semaphore_mem>>)
    %scan3A = arith.constant 0 : i32
    %scan3A_57 = arith.constant 40 : i32
    %scan3A_58 = arith.addi %scan3A, %scan3A_57 : i32
    %scan3A_59 = arith.constant 1 : i32
    scf.for %scan3A_82 = %scan3A to %scan3A_58 step %scan3A_59  : i32 {
      %mul3A_83 = arith.constant 2 : i32
      %mul3A_84 = arith.muli %scan3A_82, %mul3A_83 : i32
      %add3A_85 = arith.constant 0 : i32
      %add3A_86 = arith.addi %add3A_85, %mul3A_84 : i32
      %dma_wait3A = arith.constant 0 : i32
      %dma_wait3A_87 = tpu.memref_slice %arg8[%add3A_86, %dma_wait3A] : memref<80x128xi32, #tpu.memory_space<vmem>> -> memref<1x128xi32, #tpu.memory_space<vmem>>
      %dma_wait3A_88 = tpu.memref_squeeze %dma_wait3A_87 : memref<1x128xi32, #tpu.memory_space<vmem>> -> memref<128xi32, #tpu.memory_space<vmem>>
      %dma_wait3A_89 = arith.constant 0 : i32
      %dma_wait3A_90 = arith.constant 0 : i32
      %dma_wait3A_91 = tpu.memref_slice %arg2[%arg0, %dma_wait3A_89, %dma_wait3A_90] : memref<2x80000x64xf32, #tpu.memory_space<hbm>> -> memref<1x80000x64xf32, #tpu.memory_space<hbm>>
      %dma_wait3A_92 = tpu.memref_squeeze %dma_wait3A_91 : memref<1x80000x64xf32, #tpu.memory_space<hbm>> -> memref<80000x64xf32, #tpu.memory_space<hbm>>
      %dma_wait3A_93 = arith.constant 0 : i32
      %dma_wait3A_94 = arith.constant 0 : i32
      %dma_wait3A_95 = tpu.memref_slice %dma_wait3A_92[%dma_wait3A_93, %dma_wait3A_94] : memref<80000x64xf32, #tpu.memory_space<hbm>> -> memref<80000x64xf32, #tpu.memory_space<hbm>>
      tpu.wait_indirect_dma semaphore(%arg16 : memref<!tpu.dma_semaphore, #tpu.memory_space<semaphore_mem>>) src(%dma_wait3A_95 : memref<80000x64xf32, #tpu.memory_space<hbm>>) dst(%arg12 : memref<128x64xf32, #tpu.memory_space<vmem>>)
      %dma_wait3A_96 = arith.constant 0 : i32
      %dma_wait3A_97 = arith.constant 0 : i32
      %dma_wait3A_98 = tpu.memref_slice %arg5[%arg1, %add3A_86, %dma_wait3A_96, %dma_wait3A_97] : memref<16x80x128x16xf32, #tpu.memory_space<hbm>> -> memref<1x1x128x16xf32, #tpu.memory_space<hbm>>
      %dma_wait3A_99 = tpu.memref_squeeze %dma_wait3A_98 : memref<1x1x128x16xf32, #tpu.memory_space<hbm>> -> memref<128x16xf32, #tpu.memory_space<hbm>>
      %dma_wait3A_100 = arith.constant 0 : i32
      %dma_wait3A_101 = arith.constant 0 : i32
      %dma_wait3A_102 = tpu.memref_slice %arg5[%arg1, %add3A_86, %dma_wait3A_100, %dma_wait3A_101] : memref<16x80x128x16xf32, #tpu.memory_space<hbm>> -> memref<1x1x128x16xf32, #tpu.memory_space<hbm>>
      %dma_wait3A_103 = tpu.memref_squeeze %dma_wait3A_102 : memref<1x1x128x16xf32, #tpu.memory_space<hbm>> -> memref<128x16xf32, #tpu.memory_space<hbm>>
      tpu.wait_dma2 semaphore(%arg18 : memref<!tpu.dma_semaphore, #tpu.memory_space<semaphore_mem>>) src(%dma_wait3A_103 : memref<128x16xf32, #tpu.memory_space<hbm>>) dst(%arg10 : memref<128x16xf32, #tpu.memory_space<vmem>>)
      %scan3A_104 = arith.constant 0 : i32
      %scan3A_105 = arith.constant 0 : i32
      %scan3A_106 = arith.constant 128 : i32
      %scan3A_107 = arith.addi %scan3A_105, %scan3A_106 : i32
      %scan3A_108 = arith.constant 1 : i32
      scf.for %scan3A_147 = %scan3A_105 to %scan3A_107 step %scan3A_108  : i32 {
        %get3A = arith.index_cast %scan3A_147 : i32 to index
        %get3A_148 = arith.constant 0 : index
        %get3A_149 = tpu.vector_load %arg10[%get3A, %get3A_148] {strides = array<i32>} : memref<128x16xf32, #tpu.memory_space<vmem>>, vector<1x16xf32>,
        %get3A_150 = vector.shape_cast %get3A_149 : vector<1x16xf32> to vector<16xf32>
        %get3A_151 = arith.index_cast %scan3A_147 : i32 to index
        %get3A_152 = arith.constant 0 : index
        %get3A_153 = tpu.vector_load %arg12[%get3A_151, %get3A_152] {strides = array<i32>} : memref<128x64xf32, #tpu.memory_space<vmem>>, vector<1x16xf32>,
        %get3A_154 = vector.shape_cast %get3A_153 : vector<1x16xf32> to vector<16xf32>
        %mul3A_155 = arith.mulf %get3A_154, %get3A_150 : vector<16xf32>
        %swap3A = arith.index_cast %scan3A_147 : i32 to index
        %swap3A_156 = arith.constant 0 : index
        %swap3A_157 = tpu.vector_load %arg12[%swap3A, %swap3A_156] {strides = array<i32>} : memref<128x64xf32, #tpu.memory_space<vmem>>, vector<1x16xf32>,
        %swap3A_158 = vector.shape_cast %swap3A_157 : vector<1x16xf32> to vector<16xf32>
        %swap3A_159 = vector.shape_cast %mul3A_155 : vector<16xf32> to vector<1x16xf32>
        tpu.vector_store %arg12[%swap3A, %swap3A_156], %swap3A_159 {strides = array<i32>} : memref<128x64xf32, #tpu.memory_space<vmem>>, vector<1x16xf32>,
        %get3A_160 = arith.index_cast %scan3A_147 : i32 to index
        %get3A_161 = arith.constant 16 : index
        %get3A_162 = tpu.vector_load %arg12[%get3A_160, %get3A_161] {strides = array<i32>} : memref<128x64xf32, #tpu.memory_space<vmem>>, vector<1x16xf32>,
        %get3A_163 = vector.shape_cast %get3A_162 : vector<1x16xf32> to vector<16xf32>
        %mul3A_164 = arith.mulf %get3A_163, %get3A_150 : vector<16xf32>
        %swap3A_165 = arith.index_cast %scan3A_147 : i32 to index
        %swap3A_166 = arith.constant 16 : index
        %swap3A_167 = tpu.vector_load %arg12[%swap3A_165, %swap3A_166] {strides = array<i32>} : memref<128x64xf32, #tpu.memory_space<vmem>>, vector<1x16xf32>,
        %swap3A_168 = vector.shape_cast %swap3A_167 : vector<1x16xf32> to vector<16xf32>
        %swap3A_169 = vector.shape_cast %mul3A_164 : vector<16xf32> to vector<1x16xf32>
        tpu.vector_store %arg12[%swap3A_165, %swap3A_166], %swap3A_169 {strides = array<i32>} : memref<128x64xf32, #tpu.memory_space<vmem>>, vector<1x16xf32>,
        %get3A_170 = arith.index_cast %scan3A_147 : i32 to index
        %get3A_171 = arith.constant 32 : index
        %get3A_172 = tpu.vector_load %arg12[%get3A_170, %get3A_171] {strides = array<i32>} : memref<128x64xf32, #tpu.memory_space<vmem>>, vector<1x16xf32>,
        %get3A_173 = vector.shape_cast %get3A_172 : vector<1x16xf32> to vector<16xf32>
        %mul3A_174 = arith.mulf %get3A_173, %get3A_150 : vector<16xf32>
        %swap3A_175 = arith.index_cast %scan3A_147 : i32 to index
        %swap3A_176 = arith.constant 32 : index
        %swap3A_177 = tpu.vector_load %arg12[%swap3A_175, %swap3A_176] {strides = array<i32>} : memref<128x64xf32, #tpu.memory_space<vmem>>, vector<1x16xf32>,
        %swap3A_178 = vector.shape_cast %swap3A_177 : vector<1x16xf32> to vector<16xf32>
        %swap3A_179 = vector.shape_cast %mul3A_174 : vector<16xf32> to vector<1x16xf32>
        tpu.vector_store %arg12[%swap3A_175, %swap3A_176], %swap3A_179 {strides = array<i32>} : memref<128x64xf32, #tpu.memory_space<vmem>>, vector<1x16xf32>,
        %get3A_180 = arith.index_cast %scan3A_147 : i32 to index
        %get3A_181 = arith.constant 48 : index
        %get3A_182 = tpu.vector_load %arg12[%get3A_180, %get3A_181] {strides = array<i32>} : memref<128x64xf32, #tpu.memory_space<vmem>>, vector<1x16xf32>,
        %get3A_183 = vector.shape_cast %get3A_182 : vector<1x16xf32> to vector<16xf32>
        %mul3A_184 = arith.mulf %get3A_183, %get3A_150 : vector<16xf32>
        %swap3A_185 = arith.index_cast %scan3A_147 : i32 to index
        %swap3A_186 = arith.constant 48 : index
        %swap3A_187 = tpu.vector_load %arg12[%swap3A_185, %swap3A_186] {strides = array<i32>} : memref<128x64xf32, #tpu.memory_space<vmem>>, vector<1x16xf32>,
        %swap3A_188 = vector.shape_cast %swap3A_187 : vector<1x16xf32> to vector<16xf32>
        %swap3A_189 = vector.shape_cast %mul3A_184 : vector<16xf32> to vector<1x16xf32>
        tpu.vector_store %arg12[%swap3A_185, %swap3A_186], %swap3A_189 {strides = array<i32>} : memref<128x64xf32, #tpu.memory_space<vmem>>, vector<1x16xf32>,
      }
      %scan3A_109 = arith.constant 128 : i32
      "tpu.region"() ({
        %run_scoped3A = tpu.sem_alloc : memref<!tpu.dma_semaphore, #tpu.memory_space<semaphore_mem>>
        %dma_start3A_147 = arith.constant 0 : i32
        %dma_start3A_148 = tpu.memref_slice %arg9[%add3A_86, %dma_start3A_147] : memref<80x128xi32, #tpu.memory_space<vmem>> -> memref<1x128xi32, #tpu.memory_space<vmem>>
        %dma_start3A_149 = tpu.memref_squeeze %dma_start3A_148 : memref<1x128xi32, #tpu.memory_space<vmem>> -> memref<128xi32, #tpu.memory_space<vmem>>
        %dma_start3A_150 = arith.constant 0 : i32
        %dma_start3A_151 = arith.constant 0 : i32
        %dma_start3A_152 = tpu.memref_slice %arg15[%dma_start3A_150, %dma_start3A_151] : memref<10240x64xf32, #tpu.memory_space<vmem_shared>> -> memref<10240x64xf32, #tpu.memory_space<vmem_shared>>
        tpu.enqueue_indirect_dma source(%arg12 : memref<128x64xf32, #tpu.memory_space<vmem>>) target(%dma_start3A_152 : memref<10240x64xf32, #tpu.memory_space<vmem_shared>>) offsets(%dma_start3A_149 : memref<128xi32, #tpu.memory_space<vmem>>) semaphore(%run_scoped3A : memref<!tpu.dma_semaphore, #tpu.memory_space<semaphore_mem>>) {add = true}
        %dma_wait3A_153 = arith.constant 0 : i32
        %dma_wait3A_154 = tpu.memref_slice %arg9[%add3A_86, %dma_wait3A_153] : memref<80x128xi32, #tpu.memory_space<vmem>> -> memref<1x128xi32, #tpu.memory_space<vmem>>
        %dma_wait3A_155 = tpu.memref_squeeze %dma_wait3A_154 : memref<1x128xi32, #tpu.memory_space<vmem>> -> memref<128xi32, #tpu.memory_space<vmem>>
        %dma_wait3A_156 = arith.constant 0 : i32
        %dma_wait3A_157 = arith.constant 0 : i32
        %dma_wait3A_158 = tpu.memref_slice %arg15[%dma_wait3A_156, %dma_wait3A_157] : memref<10240x64xf32, #tpu.memory_space<vmem_shared>> -> memref<10240x64xf32, #tpu.memory_space<vmem_shared>>
        tpu.wait_indirect_dma semaphore(%run_scoped3A : memref<!tpu.dma_semaphore, #tpu.memory_space<semaphore_mem>>) src(%arg12 : memref<128x64xf32, #tpu.memory_space<vmem>>) dst(%dma_wait3A_158 : memref<10240x64xf32, #tpu.memory_space<vmem_shared>>)
        tpu.yield
      }) : () -> ()
      %add3A_110 = arith.constant 2 : i32
      %add3A_111 = arith.addi %add3A_86, %add3A_110 : i32
      %lt3A = arith.constant 80 : i32
      %lt3A_112 = arith.cmpi slt, %add3A_111, %lt3A : i32
      %convert_element_type3A = arith.extui %lt3A_112 : i1 to i32
      %cond3A = arith.constant 0 : i32
      %cond3A_113 = arith.cmpi ne, %convert_element_type3A, %cond3A : i32
      scf.if %cond3A_113 {
        %add3A_147 = arith.constant 2 : i32
        %add3A_148 = arith.addi %add3A_86, %add3A_147 : i32
        %dma_start3A_149 = arith.constant 0 : i32
        %dma_start3A_150 = tpu.memref_slice %arg8[%add3A_148, %dma_start3A_149] : memref<80x128xi32, #tpu.memory_space<vmem>> -> memref<1x128xi32, #tpu.memory_space<vmem>>
        %dma_start3A_151 = tpu.memref_squeeze %dma_start3A_150 : memref<1x128xi32, #tpu.memory_space<vmem>> -> memref<128xi32, #tpu.memory_space<vmem>>
        %dma_start3A_152 = arith.constant 0 : i32
        %dma_start3A_153 = arith.constant 0 : i32
        %dma_start3A_154 = tpu.memref_slice %arg2[%arg0, %dma_start3A_152, %dma_start3A_153] : memref<2x80000x64xf32, #tpu.memory_space<hbm>> -> memref<1x80000x64xf32, #tpu.memory_space<hbm>>
        %dma_start3A_155 = tpu.memref_squeeze %dma_start3A_154 : memref<1x80000x64xf32, #tpu.memory_space<hbm>> -> memref<80000x64xf32, #tpu.memory_space<hbm>>
        %dma_start3A_156 = arith.constant 0 : i32
        %dma_start3A_157 = arith.constant 0 : i32
        %dma_start3A_158 = tpu.memref_slice %dma_start3A_155[%dma_start3A_156, %dma_start3A_157] : memref<80000x64xf32, #tpu.memory_space<hbm>> -> memref<80000x64xf32, #tpu.memory_space<hbm>>
        tpu.enqueue_indirect_dma source(%dma_start3A_158 : memref<80000x64xf32, #tpu.memory_space<hbm>>) target(%arg12 : memref<128x64xf32, #tpu.memory_space<vmem>>) offsets(%dma_start3A_151 : memref<128xi32, #tpu.memory_space<vmem>>) semaphore(%arg16 : memref<!tpu.dma_semaphore, #tpu.memory_space<semaphore_mem>>)
        %add3A_159 = arith.constant 2 : i32
        %add3A_160 = arith.addi %add3A_86, %add3A_159 : i32
        %dma_start3A_161 = arith.constant 0 : i32
        %dma_start3A_162 = arith.constant 0 : i32
        %dma_start3A_163 = tpu.memref_slice %arg5[%arg1, %add3A_160, %dma_start3A_161, %dma_start3A_162] : memref<16x80x128x16xf32, #tpu.memory_space<hbm>> -> memref<1x1x128x16xf32, #tpu.memory_space<hbm>>
        %dma_start3A_164 = tpu.memref_squeeze %dma_start3A_163 : memref<1x1x128x16xf32, #tpu.memory_space<hbm>> -> memref<128x16xf32, #tpu.memory_space<hbm>>
        %dma_start3A_165 = arith.constant 0 : i32
        %dma_start3A_166 = arith.constant 0 : i32
        %dma_start3A_167 = tpu.memref_slice %arg5[%arg1, %add3A_160, %dma_start3A_165, %dma_start3A_166] : memref<16x80x128x16xf32, #tpu.memory_space<hbm>> -> memref<1x1x128x16xf32, #tpu.memory_space<hbm>>
        %dma_start3A_168 = tpu.memref_squeeze %dma_start3A_167 : memref<1x1x128x16xf32, #tpu.memory_space<hbm>> -> memref<128x16xf32, #tpu.memory_space<hbm>>
        tpu.enqueue_dma source(%dma_start3A_168 : memref<128x16xf32, #tpu.memory_space<hbm>>) target(%arg10 : memref<128x16xf32, #tpu.memory_space<vmem>>) target_semaphore(%arg18 : memref<!tpu.dma_semaphore, #tpu.memory_space<semaphore_mem>>)
      } else {
      }
      %add3A_114 = arith.constant 1 : i32
      %add3A_115 = arith.addi %add3A_86, %add3A_114 : i32
      %dma_wait3A_116 = arith.constant 0 : i32
      %dma_wait3A_117 = tpu.memref_slice %arg8[%add3A_115, %dma_wait3A_116] : memref<80x128xi32, #tpu.memory_space<vmem>> -> memref<1x128xi32, #tpu.memory_space<vmem>>
      %dma_wait3A_118 = tpu.memref_squeeze %dma_wait3A_117 : memref<1x128xi32, #tpu.memory_space<vmem>> -> memref<128xi32, #tpu.memory_space<vmem>>
      %dma_wait3A_119 = arith.constant 0 : i32
      %dma_wait3A_120 = arith.constant 0 : i32
      %dma_wait3A_121 = tpu.memref_slice %arg2[%arg0, %dma_wait3A_119, %dma_wait3A_120] : memref<2x80000x64xf32, #tpu.memory_space<hbm>> -> memref<1x80000x64xf32, #tpu.memory_space<hbm>>
      %dma_wait3A_122 = tpu.memref_squeeze %dma_wait3A_121 : memref<1x80000x64xf32, #tpu.memory_space<hbm>> -> memref<80000x64xf32, #tpu.memory_space<hbm>>
      %dma_wait3A_123 = arith.constant 0 : i32
      %dma_wait3A_124 = arith.constant 0 : i32
      %dma_wait3A_125 = tpu.memref_slice %dma_wait3A_122[%dma_wait3A_123, %dma_wait3A_124] : memref<80000x64xf32, #tpu.memory_space<hbm>> -> memref<80000x64xf32, #tpu.memory_space<hbm>>
      tpu.wait_indirect_dma semaphore(%arg17 : memref<!tpu.dma_semaphore, #tpu.memory_space<semaphore_mem>>) src(%dma_wait3A_125 : memref<80000x64xf32, #tpu.memory_space<hbm>>) dst(%arg13 : memref<128x64xf32, #tpu.memory_space<vmem>>)
      %dma_wait3A_126 = arith.constant 0 : i32
      %dma_wait3A_127 = arith.constant 0 : i32
      %dma_wait3A_128 = tpu.memref_slice %arg5[%arg1, %add3A_115, %dma_wait3A_126, %dma_wait3A_127] : memref<16x80x128x16xf32, #tpu.memory_space<hbm>> -> memref<1x1x128x16xf32, #tpu.memory_space<hbm>>
      %dma_wait3A_129 = tpu.memref_squeeze %dma_wait3A_128 : memref<1x1x128x16xf32, #tpu.memory_space<hbm>> -> memref<128x16xf32, #tpu.memory_space<hbm>>
      %dma_wait3A_130 = arith.constant 0 : i32
      %dma_wait3A_131 = arith.constant 0 : i32
      %dma_wait3A_132 = tpu.memref_slice %arg5[%arg1, %add3A_115, %dma_wait3A_130, %dma_wait3A_131] : memref<16x80x128x16xf32, #tpu.memory_space<hbm>> -> memref<1x1x128x16xf32, #tpu.memory_space<hbm>>
      %dma_wait3A_133 = tpu.memref_squeeze %dma_wait3A_132 : memref<1x1x128x16xf32, #tpu.memory_space<hbm>> -> memref<128x16xf32, #tpu.memory_space<hbm>>
      tpu.wait_dma2 semaphore(%arg19 : memref<!tpu.dma_semaphore, #tpu.memory_space<semaphore_mem>>) src(%dma_wait3A_133 : memref<128x16xf32, #tpu.memory_space<hbm>>) dst(%arg11 : memref<128x16xf32, #tpu.memory_space<vmem>>)
      %scan3A_134 = arith.constant 0 : i32
      %scan3A_135 = arith.constant 0 : i32
      %scan3A_136 = arith.constant 128 : i32
      %scan3A_137 = arith.addi %scan3A_135, %scan3A_136 : i32
      %scan3A_138 = arith.constant 1 : i32
      scf.for %scan3A_147 = %scan3A_135 to %scan3A_137 step %scan3A_138  : i32 {
        %get3A = arith.index_cast %scan3A_147 : i32 to index
        %get3A_148 = arith.constant 0 : index
        %get3A_149 = tpu.vector_load %arg11[%get3A, %get3A_148] {strides = array<i32>} : memref<128x16xf32, #tpu.memory_space<vmem>>, vector<1x16xf32>,
        %get3A_150 = vector.shape_cast %get3A_149 : vector<1x16xf32> to vector<16xf32>
        %get3A_151 = arith.index_cast %scan3A_147 : i32 to index
        %get3A_152 = arith.constant 0 : index
        %get3A_153 = tpu.vector_load %arg13[%get3A_151, %get3A_152] {strides = array<i32>} : memref<128x64xf32, #tpu.memory_space<vmem>>, vector<1x16xf32>,
        %get3A_154 = vector.shape_cast %get3A_153 : vector<1x16xf32> to vector<16xf32>
        %mul3A_155 = arith.mulf %get3A_154, %get3A_150 : vector<16xf32>
        %swap3A = arith.index_cast %scan3A_147 : i32 to index
        %swap3A_156 = arith.constant 0 : index
        %swap3A_157 = tpu.vector_load %arg13[%swap3A, %swap3A_156] {strides = array<i32>} : memref<128x64xf32, #tpu.memory_space<vmem>>, vector<1x16xf32>,
        %swap3A_158 = vector.shape_cast %swap3A_157 : vector<1x16xf32> to vector<16xf32>
        %swap3A_159 = vector.shape_cast %mul3A_155 : vector<16xf32> to vector<1x16xf32>
        tpu.vector_store %arg13[%swap3A, %swap3A_156], %swap3A_159 {strides = array<i32>} : memref<128x64xf32, #tpu.memory_space<vmem>>, vector<1x16xf32>,
        %get3A_160 = arith.index_cast %scan3A_147 : i32 to index
        %get3A_161 = arith.constant 16 : index
        %get3A_162 = tpu.vector_load %arg13[%get3A_160, %get3A_161] {strides = array<i32>} : memref<128x64xf32, #tpu.memory_space<vmem>>, vector<1x16xf32>,
        %get3A_163 = vector.shape_cast %get3A_162 : vector<1x16xf32> to vector<16xf32>
        %mul3A_164 = arith.mulf %get3A_163, %get3A_150 : vector<16xf32>
        %swap3A_165 = arith.index_cast %scan3A_147 : i32 to index
        %swap3A_166 = arith.constant 16 : index
        %swap3A_167 = tpu.vector_load %arg13[%swap3A_165, %swap3A_166] {strides = array<i32>} : memref<128x64xf32, #tpu.memory_space<vmem>>, vector<1x16xf32>,
        %swap3A_168 = vector.shape_cast %swap3A_167 : vector<1x16xf32> to vector<16xf32>
        %swap3A_169 = vector.shape_cast %mul3A_164 : vector<16xf32> to vector<1x16xf32>
        tpu.vector_store %arg13[%swap3A_165, %swap3A_166], %swap3A_169 {strides = array<i32>} : memref<128x64xf32, #tpu.memory_space<vmem>>, vector<1x16xf32>,
        %get3A_170 = arith.index_cast %scan3A_147 : i32 to index
        %get3A_171 = arith.constant 32 : index
        %get3A_172 = tpu.vector_load %arg13[%get3A_170, %get3A_171] {strides = array<i32>} : memref<128x64xf32, #tpu.memory_space<vmem>>, vector<1x16xf32>,
        %get3A_173 = vector.shape_cast %get3A_172 : vector<1x16xf32> to vector<16xf32>
        %mul3A_174 = arith.mulf %get3A_173, %get3A_150 : vector<16xf32>
        %swap3A_175 = arith.index_cast %scan3A_147 : i32 to index
        %swap3A_176 = arith.constant 32 : index
        %swap3A_177 = tpu.vector_load %arg13[%swap3A_175, %swap3A_176] {strides = array<i32>} : memref<128x64xf32, #tpu.memory_space<vmem>>, vector<1x16xf32>,
        %swap3A_178 = vector.shape_cast %swap3A_177 : vector<1x16xf32> to vector<16xf32>
        %swap3A_179 = vector.shape_cast %mul3A_174 : vector<16xf32> to vector<1x16xf32>
        tpu.vector_store %arg13[%swap3A_175, %swap3A_176], %swap3A_179 {strides = array<i32>} : memref<128x64xf32, #tpu.memory_space<vmem>>, vector<1x16xf32>,
        %get3A_180 = arith.index_cast %scan3A_147 : i32 to index
        %get3A_181 = arith.constant 48 : index
        %get3A_182 = tpu.vector_load %arg13[%get3A_180, %get3A_181] {strides = array<i32>} : memref<128x64xf32, #tpu.memory_space<vmem>>, vector<1x16xf32>,
        %get3A_183 = vector.shape_cast %get3A_182 : vector<1x16xf32> to vector<16xf32>
        %mul3A_184 = arith.mulf %get3A_183, %get3A_150 : vector<16xf32>
        %swap3A_185 = arith.index_cast %scan3A_147 : i32 to index
        %swap3A_186 = arith.constant 48 : index
        %swap3A_187 = tpu.vector_load %arg13[%swap3A_185, %swap3A_186] {strides = array<i32>} : memref<128x64xf32, #tpu.memory_space<vmem>>, vector<1x16xf32>,
        %swap3A_188 = vector.shape_cast %swap3A_187 : vector<1x16xf32> to vector<16xf32>
        %swap3A_189 = vector.shape_cast %mul3A_184 : vector<16xf32> to vector<1x16xf32>
        tpu.vector_store %arg13[%swap3A_185, %swap3A_186], %swap3A_189 {strides = array<i32>} : memref<128x64xf32, #tpu.memory_space<vmem>>, vector<1x16xf32>,
      }
      %scan3A_139 = arith.constant 128 : i32
      "tpu.region"() ({
        %run_scoped3A = tpu.sem_alloc : memref<!tpu.dma_semaphore, #tpu.memory_space<semaphore_mem>>
        %dma_start3A_147 = arith.constant 0 : i32
        %dma_start3A_148 = tpu.memref_slice %arg9[%add3A_115, %dma_start3A_147] : memref<80x128xi32, #tpu.memory_space<vmem>> -> memref<1x128xi32, #tpu.memory_space<vmem>>
        %dma_start3A_149 = tpu.memref_squeeze %dma_start3A_148 : memref<1x128xi32, #tpu.memory_space<vmem>> -> memref<128xi32, #tpu.memory_space<vmem>>
        %dma_start3A_150 = arith.constant 0 : i32
        %dma_start3A_151 = arith.constant 0 : i32
        %dma_start3A_152 = tpu.memref_slice %arg15[%dma_start3A_150, %dma_start3A_151] : memref<10240x64xf32, #tpu.memory_space<vmem_shared>> -> memref<10240x64xf32, #tpu.memory_space<vmem_shared>>
        tpu.enqueue_indirect_dma source(%arg13 : memref<128x64xf32, #tpu.memory_space<vmem>>) target(%dma_start3A_152 : memref<10240x64xf32, #tpu.memory_space<vmem_shared>>) offsets(%dma_start3A_149 : memref<128xi32, #tpu.memory_space<vmem>>) semaphore(%run_scoped3A : memref<!tpu.dma_semaphore, #tpu.memory_space<semaphore_mem>>) {add = true}
        %dma_wait3A_153 = arith.constant 0 : i32
        %dma_wait3A_154 = tpu.memref_slice %arg9[%add3A_115, %dma_wait3A_153] : memref<80x128xi32, #tpu.memory_space<vmem>> -> memref<1x128xi32, #tpu.memory_space<vmem>>
        %dma_wait3A_155 = tpu.memref_squeeze %dma_wait3A_154 : memref<1x128xi32, #tpu.memory_space<vmem>> -> memref<128xi32, #tpu.memory_space<vmem>>
        %dma_wait3A_156 = arith.constant 0 : i32
        %dma_wait3A_157 = arith.constant 0 : i32
        %dma_wait3A_158 = tpu.memref_slice %arg15[%dma_wait3A_156, %dma_wait3A_157] : memref<10240x64xf32, #tpu.memory_space<vmem_shared>> -> memref<10240x64xf32, #tpu.memory_space<vmem_shared>>
        tpu.wait_indirect_dma semaphore(%run_scoped3A : memref<!tpu.dma_semaphore, #tpu.memory_space<semaphore_mem>>) src(%arg13 : memref<128x64xf32, #tpu.memory_space<vmem>>) dst(%dma_wait3A_158 : memref<10240x64xf32, #tpu.memory_space<vmem_shared>>)
        tpu.yield
      }) : () -> ()
      %add3A_140 = arith.constant 2 : i32
      %add3A_141 = arith.addi %add3A_115, %add3A_140 : i32
      %lt3A_142 = arith.constant 80 : i32
      %lt3A_143 = arith.cmpi slt, %add3A_141, %lt3A_142 : i32
      %convert_element_type3A_144 = arith.extui %lt3A_143 : i1 to i32
      %cond3A_145 = arith.constant 0 : i32
      %cond3A_146 = arith.cmpi ne, %convert_element_type3A_144, %cond3A_145 : i32
      scf.if %cond3A_146 {
        %add3A_147 = arith.constant 2 : i32
        %add3A_148 = arith.addi %add3A_115, %add3A_147 : i32
        %dma_start3A_149 = arith.constant 0 : i32
        %dma_start3A_150 = tpu.memref_slice %arg8[%add3A_148, %dma_start3A_149] : memref<80x128xi32, #tpu.memory_space<vmem>> -> memref<1x128xi32, #tpu.memory_space<vmem>>
        %dma_start3A_151 = tpu.memref_squeeze %dma_start3A_150 : memref<1x128xi32, #tpu.memory_space<vmem>> -> memref<128xi32, #tpu.memory_space<vmem>>
        %dma_start3A_152 = arith.constant 0 : i32
        %dma_start3A_153 = arith.constant 0 : i32
        %dma_start3A_154 = tpu.memref_slice %arg2[%arg0, %dma_start3A_152, %dma_start3A_153] : memref<2x80000x64xf32, #tpu.memory_space<hbm>> -> memref<1x80000x64xf32, #tpu.memory_space<hbm>>
        %dma_start3A_155 = tpu.memref_squeeze %dma_start3A_154 : memref<1x80000x64xf32, #tpu.memory_space<hbm>> -> memref<80000x64xf32, #tpu.memory_space<hbm>>
        %dma_start3A_156 = arith.constant 0 : i32
        %dma_start3A_157 = arith.constant 0 : i32
        %dma_start3A_158 = tpu.memref_slice %dma_start3A_155[%dma_start3A_156, %dma_start3A_157] : memref<80000x64xf32, #tpu.memory_space<hbm>> -> memref<80000x64xf32, #tpu.memory_space<hbm>>
        tpu.enqueue_indirect_dma source(%dma_start3A_158 : memref<80000x64xf32, #tpu.memory_space<hbm>>) target(%arg13 : memref<128x64xf32, #tpu.memory_space<vmem>>) offsets(%dma_start3A_151 : memref<128xi32, #tpu.memory_space<vmem>>) semaphore(%arg17 : memref<!tpu.dma_semaphore, #tpu.memory_space<semaphore_mem>>)
        %add3A_159 = arith.constant 2 : i32
        %add3A_160 = arith.addi %add3A_115, %add3A_159 : i32
        %dma_start3A_161 = arith.constant 0 : i32
        %dma_start3A_162 = arith.constant 0 : i32
        %dma_start3A_163 = tpu.memref_slice %arg5[%arg1, %add3A_160, %dma_start3A_161, %dma_start3A_162] : memref<16x80x128x16xf32, #tpu.memory_space<hbm>> -> memref<1x1x128x16xf32, #tpu.memory_space<hbm>>
        %dma_start3A_164 = tpu.memref_squeeze %dma_start3A_163 : memref<1x1x128x16xf32, #tpu.memory_space<hbm>> -> memref<128x16xf32, #tpu.memory_space<hbm>>
        %dma_start3A_165 = arith.constant 0 : i32
        %dma_start3A_166 = arith.constant 0 : i32
        %dma_start3A_167 = tpu.memref_slice %arg5[%arg1, %add3A_160, %dma_start3A_165, %dma_start3A_166] : memref<16x80x128x16xf32, #tpu.memory_space<hbm>> -> memref<1x1x128x16xf32, #tpu.memory_space<hbm>>
        %dma_start3A_168 = tpu.memref_squeeze %dma_start3A_167 : memref<1x1x128x16xf32, #tpu.memory_space<hbm>> -> memref<128x16xf32, #tpu.memory_space<hbm>>
        tpu.enqueue_dma source(%dma_start3A_168 : memref<128x16xf32, #tpu.memory_space<hbm>>) target(%arg11 : memref<128x16xf32, #tpu.memory_space<vmem>>) target_semaphore(%arg19 : memref<!tpu.dma_semaphore, #tpu.memory_space<semaphore_mem>>)
      } else {
      }
    }
    %scan3A_60 = arith.constant 40 : i32
    %barrier3A_61 = arith.constant 0 : index
    tpu.barrier barrier_id(%barrier3A_61)
    %mul3A_62 = arith.constant 640 : i32
    %mul3A_63 = arith.muli %arg1, %mul3A_62 : i32
    %add3A_64 = arith.constant 0 : i32
    %add3A_65 = arith.addi %mul3A_63, %add3A_64 : i32
    "tpu.region"() ({
      %run_scoped3A = tpu.sem_alloc : memref<!tpu.dma_semaphore, #tpu.memory_space<semaphore_mem>>
      %dma_start3A_82 = arith.constant 0 : i32
      %dma_start3A_83 = tpu.memref_slice %arg7[%arg0, %add3A_65, %dma_start3A_82] : memref<2x10240x64xf32, #tpu.memory_space<hbm>> -> memref<1x128x64xf32, #tpu.memory_space<hbm>>
      %dma_start3A_84 = tpu.memref_squeeze %dma_start3A_83 : memref<1x128x64xf32, #tpu.memory_space<hbm>> -> memref<128x64xf32, #tpu.memory_space<hbm>>
      %dma_start3A_85 = arith.constant 0 : i32
      %dma_start3A_86 = tpu.memref_slice %arg15[%add3A_65, %dma_start3A_85] : memref<10240x64xf32, #tpu.memory_space<vmem_shared>> -> memref<128x64xf32, #tpu.memory_space<vmem_shared>>
      tpu.enqueue_dma source(%dma_start3A_86 : memref<128x64xf32, #tpu.memory_space<vmem_shared>>) target(%dma_start3A_84 : memref<128x64xf32, #tpu.memory_space<hbm>>) target_semaphore(%run_scoped3A : memref<!tpu.dma_semaphore, #tpu.memory_space<semaphore_mem>>)
      %dma_wait3A = arith.constant 0 : i32
      %dma_wait3A_87 = tpu.memref_slice %arg7[%arg0, %add3A_65, %dma_wait3A] : memref<2x10240x64xf32, #tpu.memory_space<hbm>> -> memref<1x128x64xf32, #tpu.memory_space<hbm>>
      %dma_wait3A_88 = tpu.memref_squeeze %dma_wait3A_87 : memref<1x128x64xf32, #tpu.memory_space<hbm>> -> memref<128x64xf32, #tpu.memory_space<hbm>>
      %dma_wait3A_89 = arith.constant 0 : i32
      %dma_wait3A_90 = tpu.memref_slice %arg15[%add3A_65, %dma_wait3A_89] : memref<10240x64xf32, #tpu.memory_space<vmem_shared>> -> memref<128x64xf32, #tpu.memory_space<vmem_shared>>
      tpu.wait_dma2 semaphore(%run_scoped3A : memref<!tpu.dma_semaphore, #tpu.memory_space<semaphore_mem>>) src(%dma_wait3A_90 : memref<128x64xf32, #tpu.memory_space<vmem_shared>>) dst(%dma_wait3A_88 : memref<128x64xf32, #tpu.memory_space<hbm>>)
      tpu.yield
    }) : () -> ()
    %mul3A_66 = arith.constant 640 : i32
    %mul3A_67 = arith.muli %arg1, %mul3A_66 : i32
    %add3A_68 = arith.constant 128 : i32
    %add3A_69 = arith.addi %mul3A_67, %add3A_68 : i32
    "tpu.region"() ({
      %run_scoped3A = tpu.sem_alloc : memref<!tpu.dma_semaphore, #tpu.memory_space<semaphore_mem>>
      %dma_start3A_82 = arith.constant 0 : i32
      %dma_start3A_83 = tpu.memref_slice %arg7[%arg0, %add3A_69, %dma_start3A_82] : memref<2x10240x64xf32, #tpu.memory_space<hbm>> -> memref<1x128x64xf32, #tpu.memory_space<hbm>>
      %dma_start3A_84 = tpu.memref_squeeze %dma_start3A_83 : memref<1x128x64xf32, #tpu.memory_space<hbm>> -> memref<128x64xf32, #tpu.memory_space<hbm>>
      %dma_start3A_85 = arith.constant 0 : i32
      %dma_start3A_86 = tpu.memref_slice %arg15[%add3A_69, %dma_start3A_85] : memref<10240x64xf32, #tpu.memory_space<vmem_shared>> -> memref<128x64xf32, #tpu.memory_space<vmem_shared>>
      tpu.enqueue_dma source(%dma_start3A_86 : memref<128x64xf32, #tpu.memory_space<vmem_shared>>) target(%dma_start3A_84 : memref<128x64xf32, #tpu.memory_space<hbm>>) target_semaphore(%run_scoped3A : memref<!tpu.dma_semaphore, #tpu.memory_space<semaphore_mem>>)
      %dma_wait3A = arith.constant 0 : i32
      %dma_wait3A_87 = tpu.memref_slice %arg7[%arg0, %add3A_69, %dma_wait3A] : memref<2x10240x64xf32, #tpu.memory_space<hbm>> -> memref<1x128x64xf32, #tpu.memory_space<hbm>>
      %dma_wait3A_88 = tpu.memref_squeeze %dma_wait3A_87 : memref<1x128x64xf32, #tpu.memory_space<hbm>> -> memref<128x64xf32, #tpu.memory_space<hbm>>
      %dma_wait3A_89 = arith.constant 0 : i32
      %dma_wait3A_90 = tpu.memref_slice %arg15[%add3A_69, %dma_wait3A_89] : memref<10240x64xf32, #tpu.memory_space<vmem_shared>> -> memref<128x64xf32, #tpu.memory_space<vmem_shared>>
      tpu.wait_dma2 semaphore(%run_scoped3A : memref<!tpu.dma_semaphore, #tpu.memory_space<semaphore_mem>>) src(%dma_wait3A_90 : memref<128x64xf32, #tpu.memory_space<vmem_shared>>) dst(%dma_wait3A_88 : memref<128x64xf32, #tpu.memory_space<hbm>>)
      tpu.yield
    }) : () -> ()
    %mul3A_70 = arith.constant 640 : i32
    %mul3A_71 = arith.muli %arg1, %mul3A_70 : i32
    %add3A_72 = arith.constant 256 : i32
    %add3A_73 = arith.addi %mul3A_71, %add3A_72 : i32
    "tpu.region"() ({
      %run_scoped3A = tpu.sem_alloc : memref<!tpu.dma_semaphore, #tpu.memory_space<semaphore_mem>>
      %dma_start3A_82 = arith.constant 0 : i32
      %dma_start3A_83 = tpu.memref_slice %arg7[%arg0, %add3A_73, %dma_start3A_82] : memref<2x10240x64xf32, #tpu.memory_space<hbm>> -> memref<1x128x64xf32, #tpu.memory_space<hbm>>
      %dma_start3A_84 = tpu.memref_squeeze %dma_start3A_83 : memref<1x128x64xf32, #tpu.memory_space<hbm>> -> memref<128x64xf32, #tpu.memory_space<hbm>>
      %dma_start3A_85 = arith.constant 0 : i32
      %dma_start3A_86 = tpu.memref_slice %arg15[%add3A_73, %dma_start3A_85] : memref<10240x64xf32, #tpu.memory_space<vmem_shared>> -> memref<128x64xf32, #tpu.memory_space<vmem_shared>>
      tpu.enqueue_dma source(%dma_start3A_86 : memref<128x64xf32, #tpu.memory_space<vmem_shared>>) target(%dma_start3A_84 : memref<128x64xf32, #tpu.memory_space<hbm>>) target_semaphore(%run_scoped3A : memref<!tpu.dma_semaphore, #tpu.memory_space<semaphore_mem>>)
      %dma_wait3A = arith.constant 0 : i32
      %dma_wait3A_87 = tpu.memref_slice %arg7[%arg0, %add3A_73, %dma_wait3A] : memref<2x10240x64xf32, #tpu.memory_space<hbm>> -> memref<1x128x64xf32, #tpu.memory_space<hbm>>
      %dma_wait3A_88 = tpu.memref_squeeze %dma_wait3A_87 : memref<1x128x64xf32, #tpu.memory_space<hbm>> -> memref<128x64xf32, #tpu.memory_space<hbm>>
      %dma_wait3A_89 = arith.constant 0 : i32
      %dma_wait3A_90 = tpu.memref_slice %arg15[%add3A_73, %dma_wait3A_89] : memref<10240x64xf32, #tpu.memory_space<vmem_shared>> -> memref<128x64xf32, #tpu.memory_space<vmem_shared>>
      tpu.wait_dma2 semaphore(%run_scoped3A : memref<!tpu.dma_semaphore, #tpu.memory_space<semaphore_mem>>) src(%dma_wait3A_90 : memref<128x64xf32, #tpu.memory_space<vmem_shared>>) dst(%dma_wait3A_88 : memref<128x64xf32, #tpu.memory_space<hbm>>)
      tpu.yield
    }) : () -> ()
    %mul3A_74 = arith.constant 640 : i32
    %mul3A_75 = arith.muli %arg1, %mul3A_74 : i32
    %add3A_76 = arith.constant 384 : i32
    %add3A_77 = arith.addi %mul3A_75, %add3A_76 : i32
    "tpu.region"() ({
      %run_scoped3A = tpu.sem_alloc : memref<!tpu.dma_semaphore, #tpu.memory_space<semaphore_mem>>
      %dma_start3A_82 = arith.constant 0 : i32
      %dma_start3A_83 = tpu.memref_slice %arg7[%arg0, %add3A_77, %dma_start3A_82] : memref<2x10240x64xf32, #tpu.memory_space<hbm>> -> memref<1x128x64xf32, #tpu.memory_space<hbm>>
      %dma_start3A_84 = tpu.memref_squeeze %dma_start3A_83 : memref<1x128x64xf32, #tpu.memory_space<hbm>> -> memref<128x64xf32, #tpu.memory_space<hbm>>
      %dma_start3A_85 = arith.constant 0 : i32
      %dma_start3A_86 = tpu.memref_slice %arg15[%add3A_77, %dma_start3A_85] : memref<10240x64xf32, #tpu.memory_space<vmem_shared>> -> memref<128x64xf32, #tpu.memory_space<vmem_shared>>
      tpu.enqueue_dma source(%dma_start3A_86 : memref<128x64xf32, #tpu.memory_space<vmem_shared>>) target(%dma_start3A_84 : memref<128x64xf32, #tpu.memory_space<hbm>>) target_semaphore(%run_scoped3A : memref<!tpu.dma_semaphore, #tpu.memory_space<semaphore_mem>>)
      %dma_wait3A = arith.constant 0 : i32
      %dma_wait3A_87 = tpu.memref_slice %arg7[%arg0, %add3A_77, %dma_wait3A] : memref<2x10240x64xf32, #tpu.memory_space<hbm>> -> memref<1x128x64xf32, #tpu.memory_space<hbm>>
      %dma_wait3A_88 = tpu.memref_squeeze %dma_wait3A_87 : memref<1x128x64xf32, #tpu.memory_space<hbm>> -> memref<128x64xf32, #tpu.memory_space<hbm>>
      %dma_wait3A_89 = arith.constant 0 : i32
      %dma_wait3A_90 = tpu.memref_slice %arg15[%add3A_77, %dma_wait3A_89] : memref<10240x64xf32, #tpu.memory_space<vmem_shared>> -> memref<128x64xf32, #tpu.memory_space<vmem_shared>>
      tpu.wait_dma2 semaphore(%run_scoped3A : memref<!tpu.dma_semaphore, #tpu.memory_space<semaphore_mem>>) src(%dma_wait3A_90 : memref<128x64xf32, #tpu.memory_space<vmem_shared>>) dst(%dma_wait3A_88 : memref<128x64xf32, #tpu.memory_space<hbm>>)
      tpu.yield
    }) : () -> ()
    %mul3A_78 = arith.constant 640 : i32
    %mul3A_79 = arith.muli %arg1, %mul3A_78 : i32
    %add3A_80 = arith.constant 512 : i32
    %add3A_81 = arith.addi %mul3A_79, %add3A_80 : i32
    "tpu.region"() ({
      %run_scoped3A = tpu.sem_alloc : memref<!tpu.dma_semaphore, #tpu.memory_space<semaphore_mem>>
      %dma_start3A_82 = arith.constant 0 : i32
      %dma_start3A_83 = tpu.memref_slice %arg7[%arg0, %add3A_81, %dma_start3A_82] : memref<2x10240x64xf32, #tpu.memory_space<hbm>> -> memref<1x128x64xf32, #tpu.memory_space<hbm>>
      %dma_start3A_84 = tpu.memref_squeeze %dma_start3A_83 : memref<1x128x64xf32, #tpu.memory_space<hbm>> -> memref<128x64xf32, #tpu.memory_space<hbm>>
      %dma_start3A_85 = arith.constant 0 : i32
      %dma_start3A_86 = tpu.memref_slice %arg15[%add3A_81, %dma_start3A_85] : memref<10240x64xf32, #tpu.memory_space<vmem_shared>> -> memref<128x64xf32, #tpu.memory_space<vmem_shared>>
      tpu.enqueue_dma source(%dma_start3A_86 : memref<128x64xf32, #tpu.memory_space<vmem_shared>>) target(%dma_start3A_84 : memref<128x64xf32, #tpu.memory_space<hbm>>) target_semaphore(%run_scoped3A : memref<!tpu.dma_semaphore, #tpu.memory_space<semaphore_mem>>)
      %dma_wait3A = arith.constant 0 : i32
      %dma_wait3A_87 = tpu.memref_slice %arg7[%arg0, %add3A_81, %dma_wait3A] : memref<2x10240x64xf32, #tpu.memory_space<hbm>> -> memref<1x128x64xf32, #tpu.memory_space<hbm>>
      %dma_wait3A_88 = tpu.memref_squeeze %dma_wait3A_87 : memref<1x128x64xf32, #tpu.memory_space<hbm>> -> memref<128x64xf32, #tpu.memory_space<hbm>>
      %dma_wait3A_89 = arith.constant 0 : i32
      %dma_wait3A_90 = tpu.memref_slice %arg15[%add3A_81, %dma_wait3A_89] : memref<10240x64xf32, #tpu.memory_space<vmem_shared>> -> memref<128x64xf32, #tpu.memory_space<vmem_shared>>
      tpu.wait_dma2 semaphore(%run_scoped3A : memref<!tpu.dma_semaphore, #tpu.memory_space<semaphore_mem>>) src(%dma_wait3A_90 : memref<128x64xf32, #tpu.memory_space<vmem_shared>>) dst(%dma_wait3A_88 : memref<128x64xf32, #tpu.memory_space<hbm>>)
      tpu.yield
    }) : () -> ()
    return
  }
}

module attributes {stable_mosaic.version = 14 : i64} {
  func.func @_project_body(%arg0: i32, %arg1: memref<400x128xf32, #tpu.memory_space<vmem>>, %arg2: memref<2x128x128xf32, #tpu.memory_space<vmem>>, %arg3: memref<8x2xf32, #tpu.memory_space<smem>>, %arg4: memref<2x8x400x64xf32, #tpu.memory_space<vmem>>) attributes {dimension_semantics = [#tpu.dimension_semantics<arbitrary>], iteration_bounds = array<i64: 25>, scalar_prefetch = 0 : i64, scratch_operands = 0 : i64, tpu.core_type = #tpu.core_type<tc>, window_params = [{transform_indices = @transform_0, window_bounds = array<i64: 400, 128>}, {pipeline_mode = #tpu.pipeline_mode<synchronous>, transform_indices = @transform_1, window_bounds = array<i64: 2, 128, 128>}, {transform_indices = @transform_2, window_bounds = array<i64: 8, 2>}, {transform_indices = @transform_3, window_bounds = array<i64: 2, 8, 400, 64>}]} {
    %get3A = arith.constant 0 : index
    %get3A_0 = arith.constant 0 : index
    %get3A_1 = vector.load %arg1[%get3A, %get3A_0] : memref<400x128xf32, #tpu.memory_space<vmem>>, vector<400x128xf32>
    %get3A_2 = arith.constant 0 : index
    %get3A_3 = arith.constant 0 : index
    %get3A_4 = arith.constant 0 : index
    %get3A_5 = vector.load %arg2[%get3A_2, %get3A_3, %get3A_4] : memref<2x128x128xf32, #tpu.memory_space<vmem>>, vector<1x128x128xf32>
    %get3A_6 = vector.shape_cast %get3A_5 : vector<1x128x128xf32> to vector<128x128xf32>
    %dot_general3A = arith.constant dense<0.000000e+00> : vector<400x128xf32>
    %dot_general3A_7 = tpu.matmul %get3A_1, %get3A_6, %dot_general3A {dimension_numbers = #tpu.dot_dimension_numbers<[1], [0], [0], [1], [0, 0, 1, 1], [], []>, transpose_lhs_hint = false} : vector<400x128xf32>, vector<128x128xf32>, vector<400x128xf32> -> vector<400x128xf32>
    %get3A_8 = arith.constant 1 : index
    %get3A_9 = arith.constant 0 : index
    %get3A_10 = arith.constant 0 : index
    %get3A_11 = vector.load %arg2[%get3A_8, %get3A_9, %get3A_10] : memref<2x128x128xf32, #tpu.memory_space<vmem>>, vector<1x128x128xf32>
    %get3A_12 = vector.shape_cast %get3A_11 : vector<1x128x128xf32> to vector<128x128xf32>
    %dot_general3A_13 = arith.constant dense<0.000000e+00> : vector<400x128xf32>
    %dot_general3A_14 = tpu.matmul %get3A_1, %get3A_12, %dot_general3A_13 {dimension_numbers = #tpu.dot_dimension_numbers<[1], [0], [0], [1], [0, 0, 1, 1], [], []>, transpose_lhs_hint = false} : vector<400x128xf32>, vector<128x128xf32>, vector<400x128xf32> -> vector<400x128xf32>
    %get3A_15 = arith.constant 0 : index
    %get3A_16 = arith.constant 0 : index
    %get3A_17 = memref.load %arg3[%get3A_15, %get3A_16] : memref<8x2xf32, #tpu.memory_space<smem>>
    %mul3A = vector.broadcast %get3A_17 : f32 to vector<400x128xf32>
    %mul3A_18 = arith.mulf %mul3A, %dot_general3A_7 : vector<400x128xf32>
    %get3A_19 = arith.constant 0 : index
    %get3A_20 = arith.constant 1 : index
    %get3A_21 = memref.load %arg3[%get3A_19, %get3A_20] : memref<8x2xf32, #tpu.memory_space<smem>>
    %mul3A_22 = vector.broadcast %get3A_21 : f32 to vector<400x128xf32>
    %mul3A_23 = arith.mulf %mul3A_22, %dot_general3A_14 : vector<400x128xf32>
    %add3A = arith.addf %mul3A_18, %mul3A_23 : vector<400x128xf32>
    %slice3A = vector.extract_strided_slice %add3A {offsets = [0, 0], sizes = [400, 64], strides = [1, 1]} : vector<400x128xf32> to vector<400x64xf32>
    %swap3A = arith.constant 0 : index
    %swap3A_24 = arith.constant 0 : index
    %swap3A_25 = arith.constant 0 : index
    %swap3A_26 = arith.constant 0 : index
    %swap3A_27 = vector.load %arg4[%swap3A, %swap3A_24, %swap3A_25, %swap3A_26] : memref<2x8x400x64xf32, #tpu.memory_space<vmem>>, vector<1x1x400x64xf32>
    %swap3A_28 = vector.shape_cast %swap3A_27 : vector<1x1x400x64xf32> to vector<400x64xf32>
    %swap3A_29 = vector.shape_cast %slice3A : vector<400x64xf32> to vector<1x1x400x64xf32>
    tpu.vector_store %arg4[%swap3A, %swap3A_24, %swap3A_25, %swap3A_26], %swap3A_29 {strides = array<i32>} : memref<2x8x400x64xf32, #tpu.memory_space<vmem>>, vector<1x1x400x64xf32>,
    %slice3A_30 = vector.extract_strided_slice %add3A {offsets = [0, 64], sizes = [400, 64], strides = [1, 1]} : vector<400x128xf32> to vector<400x64xf32>
    %swap3A_31 = arith.constant 1 : index
    %swap3A_32 = arith.constant 0 : index
    %swap3A_33 = arith.constant 0 : index
    %swap3A_34 = arith.constant 0 : index
    %swap3A_35 = vector.load %arg4[%swap3A_31, %swap3A_32, %swap3A_33, %swap3A_34] : memref<2x8x400x64xf32, #tpu.memory_space<vmem>>, vector<1x1x400x64xf32>
    %swap3A_36 = vector.shape_cast %swap3A_35 : vector<1x1x400x64xf32> to vector<400x64xf32>
    %swap3A_37 = vector.shape_cast %slice3A_30 : vector<400x64xf32> to vector<1x1x400x64xf32>
    tpu.vector_store %arg4[%swap3A_31, %swap3A_32, %swap3A_33, %swap3A_34], %swap3A_37 {strides = array<i32>} : memref<2x8x400x64xf32, #tpu.memory_space<vmem>>, vector<1x1x400x64xf32>,
    %get3A_38 = arith.constant 1 : index
    %get3A_39 = arith.constant 0 : index
    %get3A_40 = memref.load %arg3[%get3A_38, %get3A_39] : memref<8x2xf32, #tpu.memory_space<smem>>
    %mul3A_41 = vector.broadcast %get3A_40 : f32 to vector<400x128xf32>
    %mul3A_42 = arith.mulf %mul3A_41, %dot_general3A_7 : vector<400x128xf32>
    %get3A_43 = arith.constant 1 : index
    %get3A_44 = arith.constant 1 : index
    %get3A_45 = memref.load %arg3[%get3A_43, %get3A_44] : memref<8x2xf32, #tpu.memory_space<smem>>
    %mul3A_46 = vector.broadcast %get3A_45 : f32 to vector<400x128xf32>
    %mul3A_47 = arith.mulf %mul3A_46, %dot_general3A_14 : vector<400x128xf32>
    %add3A_48 = arith.addf %mul3A_42, %mul3A_47 : vector<400x128xf32>
    %slice3A_49 = vector.extract_strided_slice %add3A_48 {offsets = [0, 0], sizes = [400, 64], strides = [1, 1]} : vector<400x128xf32> to vector<400x64xf32>
    %swap3A_50 = arith.constant 0 : index
    %swap3A_51 = arith.constant 1 : index
    %swap3A_52 = arith.constant 0 : index
    %swap3A_53 = arith.constant 0 : index
    %swap3A_54 = vector.load %arg4[%swap3A_50, %swap3A_51, %swap3A_52, %swap3A_53] : memref<2x8x400x64xf32, #tpu.memory_space<vmem>>, vector<1x1x400x64xf32>
    %swap3A_55 = vector.shape_cast %swap3A_54 : vector<1x1x400x64xf32> to vector<400x64xf32>
    %swap3A_56 = vector.shape_cast %slice3A_49 : vector<400x64xf32> to vector<1x1x400x64xf32>
    tpu.vector_store %arg4[%swap3A_50, %swap3A_51, %swap3A_52, %swap3A_53], %swap3A_56 {strides = array<i32>} : memref<2x8x400x64xf32, #tpu.memory_space<vmem>>, vector<1x1x400x64xf32>,
    %slice3A_57 = vector.extract_strided_slice %add3A_48 {offsets = [0, 64], sizes = [400, 64], strides = [1, 1]} : vector<400x128xf32> to vector<400x64xf32>
    %swap3A_58 = arith.constant 1 : index
    %swap3A_59 = arith.constant 1 : index
    %swap3A_60 = arith.constant 0 : index
    %swap3A_61 = arith.constant 0 : index
    %swap3A_62 = vector.load %arg4[%swap3A_58, %swap3A_59, %swap3A_60, %swap3A_61] : memref<2x8x400x64xf32, #tpu.memory_space<vmem>>, vector<1x1x400x64xf32>
    %swap3A_63 = vector.shape_cast %swap3A_62 : vector<1x1x400x64xf32> to vector<400x64xf32>
    %swap3A_64 = vector.shape_cast %slice3A_57 : vector<400x64xf32> to vector<1x1x400x64xf32>
    tpu.vector_store %arg4[%swap3A_58, %swap3A_59, %swap3A_60, %swap3A_61], %swap3A_64 {strides = array<i32>} : memref<2x8x400x64xf32, #tpu.memory_space<vmem>>, vector<1x1x400x64xf32>,
    %get3A_65 = arith.constant 2 : index
    %get3A_66 = arith.constant 0 : index
    %get3A_67 = memref.load %arg3[%get3A_65, %get3A_66] : memref<8x2xf32, #tpu.memory_space<smem>>
    %mul3A_68 = vector.broadcast %get3A_67 : f32 to vector<400x128xf32>
    %mul3A_69 = arith.mulf %mul3A_68, %dot_general3A_7 : vector<400x128xf32>
    %get3A_70 = arith.constant 2 : index
    %get3A_71 = arith.constant 1 : index
    %get3A_72 = memref.load %arg3[%get3A_70, %get3A_71] : memref<8x2xf32, #tpu.memory_space<smem>>
    %mul3A_73 = vector.broadcast %get3A_72 : f32 to vector<400x128xf32>
    %mul3A_74 = arith.mulf %mul3A_73, %dot_general3A_14 : vector<400x128xf32>
    %add3A_75 = arith.addf %mul3A_69, %mul3A_74 : vector<400x128xf32>
    %slice3A_76 = vector.extract_strided_slice %add3A_75 {offsets = [0, 0], sizes = [400, 64], strides = [1, 1]} : vector<400x128xf32> to vector<400x64xf32>
    %swap3A_77 = arith.constant 0 : index
    %swap3A_78 = arith.constant 2 : index
    %swap3A_79 = arith.constant 0 : index
    %swap3A_80 = arith.constant 0 : index
    %swap3A_81 = vector.load %arg4[%swap3A_77, %swap3A_78, %swap3A_79, %swap3A_80] : memref<2x8x400x64xf32, #tpu.memory_space<vmem>>, vector<1x1x400x64xf32>
    %swap3A_82 = vector.shape_cast %swap3A_81 : vector<1x1x400x64xf32> to vector<400x64xf32>
    %swap3A_83 = vector.shape_cast %slice3A_76 : vector<400x64xf32> to vector<1x1x400x64xf32>
    tpu.vector_store %arg4[%swap3A_77, %swap3A_78, %swap3A_79, %swap3A_80], %swap3A_83 {strides = array<i32>} : memref<2x8x400x64xf32, #tpu.memory_space<vmem>>, vector<1x1x400x64xf32>,
    %slice3A_84 = vector.extract_strided_slice %add3A_75 {offsets = [0, 64], sizes = [400, 64], strides = [1, 1]} : vector<400x128xf32> to vector<400x64xf32>
    %swap3A_85 = arith.constant 1 : index
    %swap3A_86 = arith.constant 2 : index
    %swap3A_87 = arith.constant 0 : index
    %swap3A_88 = arith.constant 0 : index
    %swap3A_89 = vector.load %arg4[%swap3A_85, %swap3A_86, %swap3A_87, %swap3A_88] : memref<2x8x400x64xf32, #tpu.memory_space<vmem>>, vector<1x1x400x64xf32>
    %swap3A_90 = vector.shape_cast %swap3A_89 : vector<1x1x400x64xf32> to vector<400x64xf32>
    %swap3A_91 = vector.shape_cast %slice3A_84 : vector<400x64xf32> to vector<1x1x400x64xf32>
    tpu.vector_store %arg4[%swap3A_85, %swap3A_86, %swap3A_87, %swap3A_88], %swap3A_91 {strides = array<i32>} : memref<2x8x400x64xf32, #tpu.memory_space<vmem>>, vector<1x1x400x64xf32>,
    %get3A_92 = arith.constant 3 : index
    %get3A_93 = arith.constant 0 : index
    %get3A_94 = memref.load %arg3[%get3A_92, %get3A_93] : memref<8x2xf32, #tpu.memory_space<smem>>
    %mul3A_95 = vector.broadcast %get3A_94 : f32 to vector<400x128xf32>
    %mul3A_96 = arith.mulf %mul3A_95, %dot_general3A_7 : vector<400x128xf32>
    %get3A_97 = arith.constant 3 : index
    %get3A_98 = arith.constant 1 : index
    %get3A_99 = memref.load %arg3[%get3A_97, %get3A_98] : memref<8x2xf32, #tpu.memory_space<smem>>
    %mul3A_100 = vector.broadcast %get3A_99 : f32 to vector<400x128xf32>
    %mul3A_101 = arith.mulf %mul3A_100, %dot_general3A_14 : vector<400x128xf32>
    %add3A_102 = arith.addf %mul3A_96, %mul3A_101 : vector<400x128xf32>
    %slice3A_103 = vector.extract_strided_slice %add3A_102 {offsets = [0, 0], sizes = [400, 64], strides = [1, 1]} : vector<400x128xf32> to vector<400x64xf32>
    %swap3A_104 = arith.constant 0 : index
    %swap3A_105 = arith.constant 3 : index
    %swap3A_106 = arith.constant 0 : index
    %swap3A_107 = arith.constant 0 : index
    %swap3A_108 = vector.load %arg4[%swap3A_104, %swap3A_105, %swap3A_106, %swap3A_107] : memref<2x8x400x64xf32, #tpu.memory_space<vmem>>, vector<1x1x400x64xf32>
    %swap3A_109 = vector.shape_cast %swap3A_108 : vector<1x1x400x64xf32> to vector<400x64xf32>
    %swap3A_110 = vector.shape_cast %slice3A_103 : vector<400x64xf32> to vector<1x1x400x64xf32>
    tpu.vector_store %arg4[%swap3A_104, %swap3A_105, %swap3A_106, %swap3A_107], %swap3A_110 {strides = array<i32>} : memref<2x8x400x64xf32, #tpu.memory_space<vmem>>, vector<1x1x400x64xf32>,
    %slice3A_111 = vector.extract_strided_slice %add3A_102 {offsets = [0, 64], sizes = [400, 64], strides = [1, 1]} : vector<400x128xf32> to vector<400x64xf32>
    %swap3A_112 = arith.constant 1 : index
    %swap3A_113 = arith.constant 3 : index
    %swap3A_114 = arith.constant 0 : index
    %swap3A_115 = arith.constant 0 : index
    %swap3A_116 = vector.load %arg4[%swap3A_112, %swap3A_113, %swap3A_114, %swap3A_115] : memref<2x8x400x64xf32, #tpu.memory_space<vmem>>, vector<1x1x400x64xf32>
    %swap3A_117 = vector.shape_cast %swap3A_116 : vector<1x1x400x64xf32> to vector<400x64xf32>
    %swap3A_118 = vector.shape_cast %slice3A_111 : vector<400x64xf32> to vector<1x1x400x64xf32>
    tpu.vector_store %arg4[%swap3A_112, %swap3A_113, %swap3A_114, %swap3A_115], %swap3A_118 {strides = array<i32>} : memref<2x8x400x64xf32, #tpu.memory_space<vmem>>, vector<1x1x400x64xf32>,
    %get3A_119 = arith.constant 4 : index
    %get3A_120 = arith.constant 0 : index
    %get3A_121 = memref.load %arg3[%get3A_119, %get3A_120] : memref<8x2xf32, #tpu.memory_space<smem>>
    %mul3A_122 = vector.broadcast %get3A_121 : f32 to vector<400x128xf32>
    %mul3A_123 = arith.mulf %mul3A_122, %dot_general3A_7 : vector<400x128xf32>
    %get3A_124 = arith.constant 4 : index
    %get3A_125 = arith.constant 1 : index
    %get3A_126 = memref.load %arg3[%get3A_124, %get3A_125] : memref<8x2xf32, #tpu.memory_space<smem>>
    %mul3A_127 = vector.broadcast %get3A_126 : f32 to vector<400x128xf32>
    %mul3A_128 = arith.mulf %mul3A_127, %dot_general3A_14 : vector<400x128xf32>
    %add3A_129 = arith.addf %mul3A_123, %mul3A_128 : vector<400x128xf32>
    %slice3A_130 = vector.extract_strided_slice %add3A_129 {offsets = [0, 0], sizes = [400, 64], strides = [1, 1]} : vector<400x128xf32> to vector<400x64xf32>
    %swap3A_131 = arith.constant 0 : index
    %swap3A_132 = arith.constant 4 : index
    %swap3A_133 = arith.constant 0 : index
    %swap3A_134 = arith.constant 0 : index
    %swap3A_135 = vector.load %arg4[%swap3A_131, %swap3A_132, %swap3A_133, %swap3A_134] : memref<2x8x400x64xf32, #tpu.memory_space<vmem>>, vector<1x1x400x64xf32>
    %swap3A_136 = vector.shape_cast %swap3A_135 : vector<1x1x400x64xf32> to vector<400x64xf32>
    %swap3A_137 = vector.shape_cast %slice3A_130 : vector<400x64xf32> to vector<1x1x400x64xf32>
    tpu.vector_store %arg4[%swap3A_131, %swap3A_132, %swap3A_133, %swap3A_134], %swap3A_137 {strides = array<i32>} : memref<2x8x400x64xf32, #tpu.memory_space<vmem>>, vector<1x1x400x64xf32>,
    %slice3A_138 = vector.extract_strided_slice %add3A_129 {offsets = [0, 64], sizes = [400, 64], strides = [1, 1]} : vector<400x128xf32> to vector<400x64xf32>
    %swap3A_139 = arith.constant 1 : index
    %swap3A_140 = arith.constant 4 : index
    %swap3A_141 = arith.constant 0 : index
    %swap3A_142 = arith.constant 0 : index
    %swap3A_143 = vector.load %arg4[%swap3A_139, %swap3A_140, %swap3A_141, %swap3A_142] : memref<2x8x400x64xf32, #tpu.memory_space<vmem>>, vector<1x1x400x64xf32>
    %swap3A_144 = vector.shape_cast %swap3A_143 : vector<1x1x400x64xf32> to vector<400x64xf32>
    %swap3A_145 = vector.shape_cast %slice3A_138 : vector<400x64xf32> to vector<1x1x400x64xf32>
    tpu.vector_store %arg4[%swap3A_139, %swap3A_140, %swap3A_141, %swap3A_142], %swap3A_145 {strides = array<i32>} : memref<2x8x400x64xf32, #tpu.memory_space<vmem>>, vector<1x1x400x64xf32>,
    %get3A_146 = arith.constant 5 : index
    %get3A_147 = arith.constant 0 : index
    %get3A_148 = memref.load %arg3[%get3A_146, %get3A_147] : memref<8x2xf32, #tpu.memory_space<smem>>
    %mul3A_149 = vector.broadcast %get3A_148 : f32 to vector<400x128xf32>
    %mul3A_150 = arith.mulf %mul3A_149, %dot_general3A_7 : vector<400x128xf32>
    %get3A_151 = arith.constant 5 : index
    %get3A_152 = arith.constant 1 : index
    %get3A_153 = memref.load %arg3[%get3A_151, %get3A_152] : memref<8x2xf32, #tpu.memory_space<smem>>
    %mul3A_154 = vector.broadcast %get3A_153 : f32 to vector<400x128xf32>
    %mul3A_155 = arith.mulf %mul3A_154, %dot_general3A_14 : vector<400x128xf32>
    %add3A_156 = arith.addf %mul3A_150, %mul3A_155 : vector<400x128xf32>
    %slice3A_157 = vector.extract_strided_slice %add3A_156 {offsets = [0, 0], sizes = [400, 64], strides = [1, 1]} : vector<400x128xf32> to vector<400x64xf32>
    %swap3A_158 = arith.constant 0 : index
    %swap3A_159 = arith.constant 5 : index
    %swap3A_160 = arith.constant 0 : index
    %swap3A_161 = arith.constant 0 : index
    %swap3A_162 = vector.load %arg4[%swap3A_158, %swap3A_159, %swap3A_160, %swap3A_161] : memref<2x8x400x64xf32, #tpu.memory_space<vmem>>, vector<1x1x400x64xf32>
    %swap3A_163 = vector.shape_cast %swap3A_162 : vector<1x1x400x64xf32> to vector<400x64xf32>
    %swap3A_164 = vector.shape_cast %slice3A_157 : vector<400x64xf32> to vector<1x1x400x64xf32>
    tpu.vector_store %arg4[%swap3A_158, %swap3A_159, %swap3A_160, %swap3A_161], %swap3A_164 {strides = array<i32>} : memref<2x8x400x64xf32, #tpu.memory_space<vmem>>, vector<1x1x400x64xf32>,
    %slice3A_165 = vector.extract_strided_slice %add3A_156 {offsets = [0, 64], sizes = [400, 64], strides = [1, 1]} : vector<400x128xf32> to vector<400x64xf32>
    %swap3A_166 = arith.constant 1 : index
    %swap3A_167 = arith.constant 5 : index
    %swap3A_168 = arith.constant 0 : index
    %swap3A_169 = arith.constant 0 : index
    %swap3A_170 = vector.load %arg4[%swap3A_166, %swap3A_167, %swap3A_168, %swap3A_169] : memref<2x8x400x64xf32, #tpu.memory_space<vmem>>, vector<1x1x400x64xf32>
    %swap3A_171 = vector.shape_cast %swap3A_170 : vector<1x1x400x64xf32> to vector<400x64xf32>
    %swap3A_172 = vector.shape_cast %slice3A_165 : vector<400x64xf32> to vector<1x1x400x64xf32>
    tpu.vector_store %arg4[%swap3A_166, %swap3A_167, %swap3A_168, %swap3A_169], %swap3A_172 {strides = array<i32>} : memref<2x8x400x64xf32, #tpu.memory_space<vmem>>, vector<1x1x400x64xf32>,
    %get3A_173 = arith.constant 6 : index
    %get3A_174 = arith.constant 0 : index
    %get3A_175 = memref.load %arg3[%get3A_173, %get3A_174] : memref<8x2xf32, #tpu.memory_space<smem>>
    %mul3A_176 = vector.broadcast %get3A_175 : f32 to vector<400x128xf32>
    %mul3A_177 = arith.mulf %mul3A_176, %dot_general3A_7 : vector<400x128xf32>
    %get3A_178 = arith.constant 6 : index
    %get3A_179 = arith.constant 1 : index
    %get3A_180 = memref.load %arg3[%get3A_178, %get3A_179] : memref<8x2xf32, #tpu.memory_space<smem>>
    %mul3A_181 = vector.broadcast %get3A_180 : f32 to vector<400x128xf32>
    %mul3A_182 = arith.mulf %mul3A_181, %dot_general3A_14 : vector<400x128xf32>
    %add3A_183 = arith.addf %mul3A_177, %mul3A_182 : vector<400x128xf32>
    %slice3A_184 = vector.extract_strided_slice %add3A_183 {offsets = [0, 0], sizes = [400, 64], strides = [1, 1]} : vector<400x128xf32> to vector<400x64xf32>
    %swap3A_185 = arith.constant 0 : index
    %swap3A_186 = arith.constant 6 : index
    %swap3A_187 = arith.constant 0 : index
    %swap3A_188 = arith.constant 0 : index
    %swap3A_189 = vector.load %arg4[%swap3A_185, %swap3A_186, %swap3A_187, %swap3A_188] : memref<2x8x400x64xf32, #tpu.memory_space<vmem>>, vector<1x1x400x64xf32>
    %swap3A_190 = vector.shape_cast %swap3A_189 : vector<1x1x400x64xf32> to vector<400x64xf32>
    %swap3A_191 = vector.shape_cast %slice3A_184 : vector<400x64xf32> to vector<1x1x400x64xf32>
    tpu.vector_store %arg4[%swap3A_185, %swap3A_186, %swap3A_187, %swap3A_188], %swap3A_191 {strides = array<i32>} : memref<2x8x400x64xf32, #tpu.memory_space<vmem>>, vector<1x1x400x64xf32>,
    %slice3A_192 = vector.extract_strided_slice %add3A_183 {offsets = [0, 64], sizes = [400, 64], strides = [1, 1]} : vector<400x128xf32> to vector<400x64xf32>
    %swap3A_193 = arith.constant 1 : index
    %swap3A_194 = arith.constant 6 : index
    %swap3A_195 = arith.constant 0 : index
    %swap3A_196 = arith.constant 0 : index
    %swap3A_197 = vector.load %arg4[%swap3A_193, %swap3A_194, %swap3A_195, %swap3A_196] : memref<2x8x400x64xf32, #tpu.memory_space<vmem>>, vector<1x1x400x64xf32>
    %swap3A_198 = vector.shape_cast %swap3A_197 : vector<1x1x400x64xf32> to vector<400x64xf32>
    %swap3A_199 = vector.shape_cast %slice3A_192 : vector<400x64xf32> to vector<1x1x400x64xf32>
    tpu.vector_store %arg4[%swap3A_193, %swap3A_194, %swap3A_195, %swap3A_196], %swap3A_199 {strides = array<i32>} : memref<2x8x400x64xf32, #tpu.memory_space<vmem>>, vector<1x1x400x64xf32>,
    %get3A_200 = arith.constant 7 : index
    %get3A_201 = arith.constant 0 : index
    %get3A_202 = memref.load %arg3[%get3A_200, %get3A_201] : memref<8x2xf32, #tpu.memory_space<smem>>
    %mul3A_203 = vector.broadcast %get3A_202 : f32 to vector<400x128xf32>
    %mul3A_204 = arith.mulf %mul3A_203, %dot_general3A_7 : vector<400x128xf32>
    %get3A_205 = arith.constant 7 : index
    %get3A_206 = arith.constant 1 : index
    %get3A_207 = memref.load %arg3[%get3A_205, %get3A_206] : memref<8x2xf32, #tpu.memory_space<smem>>
    %mul3A_208 = vector.broadcast %get3A_207 : f32 to vector<400x128xf32>
    %mul3A_209 = arith.mulf %mul3A_208, %dot_general3A_14 : vector<400x128xf32>
    %add3A_210 = arith.addf %mul3A_204, %mul3A_209 : vector<400x128xf32>
    %slice3A_211 = vector.extract_strided_slice %add3A_210 {offsets = [0, 0], sizes = [400, 64], strides = [1, 1]} : vector<400x128xf32> to vector<400x64xf32>
    %swap3A_212 = arith.constant 0 : index
    %swap3A_213 = arith.constant 7 : index
    %swap3A_214 = arith.constant 0 : index
    %swap3A_215 = arith.constant 0 : index
    %swap3A_216 = vector.load %arg4[%swap3A_212, %swap3A_213, %swap3A_214, %swap3A_215] : memref<2x8x400x64xf32, #tpu.memory_space<vmem>>, vector<1x1x400x64xf32>
    %swap3A_217 = vector.shape_cast %swap3A_216 : vector<1x1x400x64xf32> to vector<400x64xf32>
    %swap3A_218 = vector.shape_cast %slice3A_211 : vector<400x64xf32> to vector<1x1x400x64xf32>
    tpu.vector_store %arg4[%swap3A_212, %swap3A_213, %swap3A_214, %swap3A_215], %swap3A_218 {strides = array<i32>} : memref<2x8x400x64xf32, #tpu.memory_space<vmem>>, vector<1x1x400x64xf32>,
    %slice3A_219 = vector.extract_strided_slice %add3A_210 {offsets = [0, 64], sizes = [400, 64], strides = [1, 1]} : vector<400x128xf32> to vector<400x64xf32>
    %swap3A_220 = arith.constant 1 : index
    %swap3A_221 = arith.constant 7 : index
    %swap3A_222 = arith.constant 0 : index
    %swap3A_223 = arith.constant 0 : index
    %swap3A_224 = vector.load %arg4[%swap3A_220, %swap3A_221, %swap3A_222, %swap3A_223] : memref<2x8x400x64xf32, #tpu.memory_space<vmem>>, vector<1x1x400x64xf32>
    %swap3A_225 = vector.shape_cast %swap3A_224 : vector<1x1x400x64xf32> to vector<400x64xf32>
    %swap3A_226 = vector.shape_cast %slice3A_219 : vector<400x64xf32> to vector<1x1x400x64xf32>
    tpu.vector_store %arg4[%swap3A_220, %swap3A_221, %swap3A_222, %swap3A_223], %swap3A_226 {strides = array<i32>} : memref<2x8x400x64xf32, #tpu.memory_space<vmem>>, vector<1x1x400x64xf32>,
    return
  }
  func.func @transform_0(%arg0: i32) -> (i32, i32) {
    %c0_i32 = arith.constant 0 : i32
    %c0_i32_0 = arith.constant 0 : i32
    return %arg0, %c0_i32 : i32, i32
  }
  func.func @transform_1(%arg0: i32) -> (i32, i32, i32) {
    %c0_i32 = arith.constant 0 : i32
    %c0_i32_0 = arith.constant 0 : i32
    %c0_i32_1 = arith.constant 0 : i32
    %c0_i32_2 = arith.constant 0 : i32
    return %c0_i32, %c0_i32_0, %c0_i32_1 : i32, i32, i32
  }
  func.func @transform_2(%arg0: i32) -> (i32, i32) {
    %c0_i32 = arith.constant 0 : i32
    %c0_i32_0 = arith.constant 0 : i32
    %c0_i32_1 = arith.constant 0 : i32
    return %c0_i32, %c0_i32_0 : i32, i32
  }
  func.func @transform_3(%arg0: i32) -> (i32, i32, i32, i32) {
    %c0_i32 = arith.constant 0 : i32
    %c0_i32_0 = arith.constant 0 : i32
    %c0_i32_1 = arith.constant 0 : i32
    %c0_i32_2 = arith.constant 0 : i32
    return %c0_i32, %c0_i32_0, %arg0, %c0_i32_1 : i32, i32, i32, i32
  }
}

module attributes {stable_mosaic.version = 14 : i64} {
  func.func @_combine_project_body(%arg0: i32, %arg1: memref<2x1x400x64xf32, #tpu.memory_space<vmem>>, %arg2: memref<2x128x128xf32, #tpu.memory_space<vmem>>, %arg3: memref<8x2xf32, #tpu.memory_space<smem>>, %arg4: memref<2x8x400x64xf32, #tpu.memory_space<vmem>>) attributes {dimension_semantics = [#tpu.dimension_semantics<arbitrary>], iteration_bounds = array<i64: 25>, scalar_prefetch = 0 : i64, scratch_operands = 0 : i64, tpu.core_type = #tpu.core_type<tc>, window_params = [{transform_indices = @transform_0, window_bounds = array<i64: 2, 1, 400, 64>}, {pipeline_mode = #tpu.pipeline_mode<synchronous>, transform_indices = @transform_1, window_bounds = array<i64: 2, 128, 128>}, {transform_indices = @transform_2, window_bounds = array<i64: 8, 2>}, {transform_indices = @transform_3, window_bounds = array<i64: 2, 8, 400, 64>}]} {
    %get3A = arith.constant 0 : index
    %get3A_0 = arith.constant 0 : index
    %get3A_1 = arith.constant 0 : index
    %get3A_2 = arith.constant 0 : index
    %get3A_3 = vector.load %arg1[%get3A, %get3A_0, %get3A_1, %get3A_2] : memref<2x1x400x64xf32, #tpu.memory_space<vmem>>, vector<1x1x400x64xf32>
    %get3A_4 = vector.shape_cast %get3A_3 : vector<1x1x400x64xf32> to vector<400x64xf32>
    %get3A_5 = arith.constant 1 : index
    %get3A_6 = arith.constant 0 : index
    %get3A_7 = arith.constant 0 : index
    %get3A_8 = arith.constant 0 : index
    %get3A_9 = vector.load %arg1[%get3A_5, %get3A_6, %get3A_7, %get3A_8] : memref<2x1x400x64xf32, #tpu.memory_space<vmem>>, vector<1x1x400x64xf32>
    %get3A_10 = vector.shape_cast %get3A_9 : vector<1x1x400x64xf32> to vector<400x64xf32>
    %concatenate3A = tpu.concatenate %get3A_4, %get3A_10 in 1 : vector<400x64xf32>, vector<400x64xf32> -> vector<400x128xf32>
    %max3A = arith.constant 0.000000e+00 : f32
    %max3A_11 = vector.broadcast %max3A : f32 to vector<400x128xf32>
    %max3A_12 = arith.maximumf %concatenate3A, %max3A_11 : vector<400x128xf32>
    %get3A_13 = arith.constant 0 : index
    %get3A_14 = arith.constant 0 : index
    %get3A_15 = arith.constant 0 : index
    %get3A_16 = vector.load %arg2[%get3A_13, %get3A_14, %get3A_15] : memref<2x128x128xf32, #tpu.memory_space<vmem>>, vector<1x128x128xf32>
    %get3A_17 = vector.shape_cast %get3A_16 : vector<1x128x128xf32> to vector<128x128xf32>
    %dot_general3A = arith.constant dense<0.000000e+00> : vector<400x128xf32>
    %dot_general3A_18 = tpu.matmul %max3A_12, %get3A_17, %dot_general3A {dimension_numbers = #tpu.dot_dimension_numbers<[1], [0], [0], [1], [0, 0, 1, 1], [], []>, transpose_lhs_hint = false} : vector<400x128xf32>, vector<128x128xf32>, vector<400x128xf32> -> vector<400x128xf32>
    %get3A_19 = arith.constant 1 : index
    %get3A_20 = arith.constant 0 : index
    %get3A_21 = arith.constant 0 : index
    %get3A_22 = vector.load %arg2[%get3A_19, %get3A_20, %get3A_21] : memref<2x128x128xf32, #tpu.memory_space<vmem>>, vector<1x128x128xf32>
    %get3A_23 = vector.shape_cast %get3A_22 : vector<1x128x128xf32> to vector<128x128xf32>
    %dot_general3A_24 = arith.constant dense<0.000000e+00> : vector<400x128xf32>
    %dot_general3A_25 = tpu.matmul %max3A_12, %get3A_23, %dot_general3A_24 {dimension_numbers = #tpu.dot_dimension_numbers<[1], [0], [0], [1], [0, 0, 1, 1], [], []>, transpose_lhs_hint = false} : vector<400x128xf32>, vector<128x128xf32>, vector<400x128xf32> -> vector<400x128xf32>
    %get3A_26 = arith.constant 0 : index
    %get3A_27 = arith.constant 0 : index
    %get3A_28 = memref.load %arg3[%get3A_26, %get3A_27] : memref<8x2xf32, #tpu.memory_space<smem>>
    %mul3A = vector.broadcast %get3A_28 : f32 to vector<400x128xf32>
    %mul3A_29 = arith.mulf %mul3A, %dot_general3A_18 : vector<400x128xf32>
    %get3A_30 = arith.constant 0 : index
    %get3A_31 = arith.constant 1 : index
    %get3A_32 = memref.load %arg3[%get3A_30, %get3A_31] : memref<8x2xf32, #tpu.memory_space<smem>>
    %mul3A_33 = vector.broadcast %get3A_32 : f32 to vector<400x128xf32>
    %mul3A_34 = arith.mulf %mul3A_33, %dot_general3A_25 : vector<400x128xf32>
    %add3A = arith.addf %mul3A_29, %mul3A_34 : vector<400x128xf32>
    %slice3A = vector.extract_strided_slice %add3A {offsets = [0, 0], sizes = [400, 64], strides = [1, 1]} : vector<400x128xf32> to vector<400x64xf32>
    %swap3A = arith.constant 0 : index
    %swap3A_35 = arith.constant 0 : index
    %swap3A_36 = arith.constant 0 : index
    %swap3A_37 = arith.constant 0 : index
    %swap3A_38 = vector.load %arg4[%swap3A, %swap3A_35, %swap3A_36, %swap3A_37] : memref<2x8x400x64xf32, #tpu.memory_space<vmem>>, vector<1x1x400x64xf32>
    %swap3A_39 = vector.shape_cast %swap3A_38 : vector<1x1x400x64xf32> to vector<400x64xf32>
    %swap3A_40 = vector.shape_cast %slice3A : vector<400x64xf32> to vector<1x1x400x64xf32>
    tpu.vector_store %arg4[%swap3A, %swap3A_35, %swap3A_36, %swap3A_37], %swap3A_40 {strides = array<i32>} : memref<2x8x400x64xf32, #tpu.memory_space<vmem>>, vector<1x1x400x64xf32>,
    %slice3A_41 = vector.extract_strided_slice %add3A {offsets = [0, 64], sizes = [400, 64], strides = [1, 1]} : vector<400x128xf32> to vector<400x64xf32>
    %swap3A_42 = arith.constant 1 : index
    %swap3A_43 = arith.constant 0 : index
    %swap3A_44 = arith.constant 0 : index
    %swap3A_45 = arith.constant 0 : index
    %swap3A_46 = vector.load %arg4[%swap3A_42, %swap3A_43, %swap3A_44, %swap3A_45] : memref<2x8x400x64xf32, #tpu.memory_space<vmem>>, vector<1x1x400x64xf32>
    %swap3A_47 = vector.shape_cast %swap3A_46 : vector<1x1x400x64xf32> to vector<400x64xf32>
    %swap3A_48 = vector.shape_cast %slice3A_41 : vector<400x64xf32> to vector<1x1x400x64xf32>
    tpu.vector_store %arg4[%swap3A_42, %swap3A_43, %swap3A_44, %swap3A_45], %swap3A_48 {strides = array<i32>} : memref<2x8x400x64xf32, #tpu.memory_space<vmem>>, vector<1x1x400x64xf32>,
    %get3A_49 = arith.constant 1 : index
    %get3A_50 = arith.constant 0 : index
    %get3A_51 = memref.load %arg3[%get3A_49, %get3A_50] : memref<8x2xf32, #tpu.memory_space<smem>>
    %mul3A_52 = vector.broadcast %get3A_51 : f32 to vector<400x128xf32>
    %mul3A_53 = arith.mulf %mul3A_52, %dot_general3A_18 : vector<400x128xf32>
    %get3A_54 = arith.constant 1 : index
    %get3A_55 = arith.constant 1 : index
    %get3A_56 = memref.load %arg3[%get3A_54, %get3A_55] : memref<8x2xf32, #tpu.memory_space<smem>>
    %mul3A_57 = vector.broadcast %get3A_56 : f32 to vector<400x128xf32>
    %mul3A_58 = arith.mulf %mul3A_57, %dot_general3A_25 : vector<400x128xf32>
    %add3A_59 = arith.addf %mul3A_53, %mul3A_58 : vector<400x128xf32>
    %slice3A_60 = vector.extract_strided_slice %add3A_59 {offsets = [0, 0], sizes = [400, 64], strides = [1, 1]} : vector<400x128xf32> to vector<400x64xf32>
    %swap3A_61 = arith.constant 0 : index
    %swap3A_62 = arith.constant 1 : index
    %swap3A_63 = arith.constant 0 : index
    %swap3A_64 = arith.constant 0 : index
    %swap3A_65 = vector.load %arg4[%swap3A_61, %swap3A_62, %swap3A_63, %swap3A_64] : memref<2x8x400x64xf32, #tpu.memory_space<vmem>>, vector<1x1x400x64xf32>
    %swap3A_66 = vector.shape_cast %swap3A_65 : vector<1x1x400x64xf32> to vector<400x64xf32>
    %swap3A_67 = vector.shape_cast %slice3A_60 : vector<400x64xf32> to vector<1x1x400x64xf32>
    tpu.vector_store %arg4[%swap3A_61, %swap3A_62, %swap3A_63, %swap3A_64], %swap3A_67 {strides = array<i32>} : memref<2x8x400x64xf32, #tpu.memory_space<vmem>>, vector<1x1x400x64xf32>,
    %slice3A_68 = vector.extract_strided_slice %add3A_59 {offsets = [0, 64], sizes = [400, 64], strides = [1, 1]} : vector<400x128xf32> to vector<400x64xf32>
    %swap3A_69 = arith.constant 1 : index
    %swap3A_70 = arith.constant 1 : index
    %swap3A_71 = arith.constant 0 : index
    %swap3A_72 = arith.constant 0 : index
    %swap3A_73 = vector.load %arg4[%swap3A_69, %swap3A_70, %swap3A_71, %swap3A_72] : memref<2x8x400x64xf32, #tpu.memory_space<vmem>>, vector<1x1x400x64xf32>
    %swap3A_74 = vector.shape_cast %swap3A_73 : vector<1x1x400x64xf32> to vector<400x64xf32>
    %swap3A_75 = vector.shape_cast %slice3A_68 : vector<400x64xf32> to vector<1x1x400x64xf32>
    tpu.vector_store %arg4[%swap3A_69, %swap3A_70, %swap3A_71, %swap3A_72], %swap3A_75 {strides = array<i32>} : memref<2x8x400x64xf32, #tpu.memory_space<vmem>>, vector<1x1x400x64xf32>,
    %get3A_76 = arith.constant 2 : index
    %get3A_77 = arith.constant 0 : index
    %get3A_78 = memref.load %arg3[%get3A_76, %get3A_77] : memref<8x2xf32, #tpu.memory_space<smem>>
    %mul3A_79 = vector.broadcast %get3A_78 : f32 to vector<400x128xf32>
    %mul3A_80 = arith.mulf %mul3A_79, %dot_general3A_18 : vector<400x128xf32>
    %get3A_81 = arith.constant 2 : index
    %get3A_82 = arith.constant 1 : index
    %get3A_83 = memref.load %arg3[%get3A_81, %get3A_82] : memref<8x2xf32, #tpu.memory_space<smem>>
    %mul3A_84 = vector.broadcast %get3A_83 : f32 to vector<400x128xf32>
    %mul3A_85 = arith.mulf %mul3A_84, %dot_general3A_25 : vector<400x128xf32>
    %add3A_86 = arith.addf %mul3A_80, %mul3A_85 : vector<400x128xf32>
    %slice3A_87 = vector.extract_strided_slice %add3A_86 {offsets = [0, 0], sizes = [400, 64], strides = [1, 1]} : vector<400x128xf32> to vector<400x64xf32>
    %swap3A_88 = arith.constant 0 : index
    %swap3A_89 = arith.constant 2 : index
    %swap3A_90 = arith.constant 0 : index
    %swap3A_91 = arith.constant 0 : index
    %swap3A_92 = vector.load %arg4[%swap3A_88, %swap3A_89, %swap3A_90, %swap3A_91] : memref<2x8x400x64xf32, #tpu.memory_space<vmem>>, vector<1x1x400x64xf32>
    %swap3A_93 = vector.shape_cast %swap3A_92 : vector<1x1x400x64xf32> to vector<400x64xf32>
    %swap3A_94 = vector.shape_cast %slice3A_87 : vector<400x64xf32> to vector<1x1x400x64xf32>
    tpu.vector_store %arg4[%swap3A_88, %swap3A_89, %swap3A_90, %swap3A_91], %swap3A_94 {strides = array<i32>} : memref<2x8x400x64xf32, #tpu.memory_space<vmem>>, vector<1x1x400x64xf32>,
    %slice3A_95 = vector.extract_strided_slice %add3A_86 {offsets = [0, 64], sizes = [400, 64], strides = [1, 1]} : vector<400x128xf32> to vector<400x64xf32>
    %swap3A_96 = arith.constant 1 : index
    %swap3A_97 = arith.constant 2 : index
    %swap3A_98 = arith.constant 0 : index
    %swap3A_99 = arith.constant 0 : index
    %swap3A_100 = vector.load %arg4[%swap3A_96, %swap3A_97, %swap3A_98, %swap3A_99] : memref<2x8x400x64xf32, #tpu.memory_space<vmem>>, vector<1x1x400x64xf32>
    %swap3A_101 = vector.shape_cast %swap3A_100 : vector<1x1x400x64xf32> to vector<400x64xf32>
    %swap3A_102 = vector.shape_cast %slice3A_95 : vector<400x64xf32> to vector<1x1x400x64xf32>
    tpu.vector_store %arg4[%swap3A_96, %swap3A_97, %swap3A_98, %swap3A_99], %swap3A_102 {strides = array<i32>} : memref<2x8x400x64xf32, #tpu.memory_space<vmem>>, vector<1x1x400x64xf32>,
    %get3A_103 = arith.constant 3 : index
    %get3A_104 = arith.constant 0 : index
    %get3A_105 = memref.load %arg3[%get3A_103, %get3A_104] : memref<8x2xf32, #tpu.memory_space<smem>>
    %mul3A_106 = vector.broadcast %get3A_105 : f32 to vector<400x128xf32>
    %mul3A_107 = arith.mulf %mul3A_106, %dot_general3A_18 : vector<400x128xf32>
    %get3A_108 = arith.constant 3 : index
    %get3A_109 = arith.constant 1 : index
    %get3A_110 = memref.load %arg3[%get3A_108, %get3A_109] : memref<8x2xf32, #tpu.memory_space<smem>>
    %mul3A_111 = vector.broadcast %get3A_110 : f32 to vector<400x128xf32>
    %mul3A_112 = arith.mulf %mul3A_111, %dot_general3A_25 : vector<400x128xf32>
    %add3A_113 = arith.addf %mul3A_107, %mul3A_112 : vector<400x128xf32>
    %slice3A_114 = vector.extract_strided_slice %add3A_113 {offsets = [0, 0], sizes = [400, 64], strides = [1, 1]} : vector<400x128xf32> to vector<400x64xf32>
    %swap3A_115 = arith.constant 0 : index
    %swap3A_116 = arith.constant 3 : index
    %swap3A_117 = arith.constant 0 : index
    %swap3A_118 = arith.constant 0 : index
    %swap3A_119 = vector.load %arg4[%swap3A_115, %swap3A_116, %swap3A_117, %swap3A_118] : memref<2x8x400x64xf32, #tpu.memory_space<vmem>>, vector<1x1x400x64xf32>
    %swap3A_120 = vector.shape_cast %swap3A_119 : vector<1x1x400x64xf32> to vector<400x64xf32>
    %swap3A_121 = vector.shape_cast %slice3A_114 : vector<400x64xf32> to vector<1x1x400x64xf32>
    tpu.vector_store %arg4[%swap3A_115, %swap3A_116, %swap3A_117, %swap3A_118], %swap3A_121 {strides = array<i32>} : memref<2x8x400x64xf32, #tpu.memory_space<vmem>>, vector<1x1x400x64xf32>,
    %slice3A_122 = vector.extract_strided_slice %add3A_113 {offsets = [0, 64], sizes = [400, 64], strides = [1, 1]} : vector<400x128xf32> to vector<400x64xf32>
    %swap3A_123 = arith.constant 1 : index
    %swap3A_124 = arith.constant 3 : index
    %swap3A_125 = arith.constant 0 : index
    %swap3A_126 = arith.constant 0 : index
    %swap3A_127 = vector.load %arg4[%swap3A_123, %swap3A_124, %swap3A_125, %swap3A_126] : memref<2x8x400x64xf32, #tpu.memory_space<vmem>>, vector<1x1x400x64xf32>
    %swap3A_128 = vector.shape_cast %swap3A_127 : vector<1x1x400x64xf32> to vector<400x64xf32>
    %swap3A_129 = vector.shape_cast %slice3A_122 : vector<400x64xf32> to vector<1x1x400x64xf32>
    tpu.vector_store %arg4[%swap3A_123, %swap3A_124, %swap3A_125, %swap3A_126], %swap3A_129 {strides = array<i32>} : memref<2x8x400x64xf32, #tpu.memory_space<vmem>>, vector<1x1x400x64xf32>,
    %get3A_130 = arith.constant 4 : index
    %get3A_131 = arith.constant 0 : index
    %get3A_132 = memref.load %arg3[%get3A_130, %get3A_131] : memref<8x2xf32, #tpu.memory_space<smem>>
    %mul3A_133 = vector.broadcast %get3A_132 : f32 to vector<400x128xf32>
    %mul3A_134 = arith.mulf %mul3A_133, %dot_general3A_18 : vector<400x128xf32>
    %get3A_135 = arith.constant 4 : index
    %get3A_136 = arith.constant 1 : index
    %get3A_137 = memref.load %arg3[%get3A_135, %get3A_136] : memref<8x2xf32, #tpu.memory_space<smem>>
    %mul3A_138 = vector.broadcast %get3A_137 : f32 to vector<400x128xf32>
    %mul3A_139 = arith.mulf %mul3A_138, %dot_general3A_25 : vector<400x128xf32>
    %add3A_140 = arith.addf %mul3A_134, %mul3A_139 : vector<400x128xf32>
    %slice3A_141 = vector.extract_strided_slice %add3A_140 {offsets = [0, 0], sizes = [400, 64], strides = [1, 1]} : vector<400x128xf32> to vector<400x64xf32>
    %swap3A_142 = arith.constant 0 : index
    %swap3A_143 = arith.constant 4 : index
    %swap3A_144 = arith.constant 0 : index
    %swap3A_145 = arith.constant 0 : index
    %swap3A_146 = vector.load %arg4[%swap3A_142, %swap3A_143, %swap3A_144, %swap3A_145] : memref<2x8x400x64xf32, #tpu.memory_space<vmem>>, vector<1x1x400x64xf32>
    %swap3A_147 = vector.shape_cast %swap3A_146 : vector<1x1x400x64xf32> to vector<400x64xf32>
    %swap3A_148 = vector.shape_cast %slice3A_141 : vector<400x64xf32> to vector<1x1x400x64xf32>
    tpu.vector_store %arg4[%swap3A_142, %swap3A_143, %swap3A_144, %swap3A_145], %swap3A_148 {strides = array<i32>} : memref<2x8x400x64xf32, #tpu.memory_space<vmem>>, vector<1x1x400x64xf32>,
    %slice3A_149 = vector.extract_strided_slice %add3A_140 {offsets = [0, 64], sizes = [400, 64], strides = [1, 1]} : vector<400x128xf32> to vector<400x64xf32>
    %swap3A_150 = arith.constant 1 : index
    %swap3A_151 = arith.constant 4 : index
    %swap3A_152 = arith.constant 0 : index
    %swap3A_153 = arith.constant 0 : index
    %swap3A_154 = vector.load %arg4[%swap3A_150, %swap3A_151, %swap3A_152, %swap3A_153] : memref<2x8x400x64xf32, #tpu.memory_space<vmem>>, vector<1x1x400x64xf32>
    %swap3A_155 = vector.shape_cast %swap3A_154 : vector<1x1x400x64xf32> to vector<400x64xf32>
    %swap3A_156 = vector.shape_cast %slice3A_149 : vector<400x64xf32> to vector<1x1x400x64xf32>
    tpu.vector_store %arg4[%swap3A_150, %swap3A_151, %swap3A_152, %swap3A_153], %swap3A_156 {strides = array<i32>} : memref<2x8x400x64xf32, #tpu.memory_space<vmem>>, vector<1x1x400x64xf32>,
    %get3A_157 = arith.constant 5 : index
    %get3A_158 = arith.constant 0 : index
    %get3A_159 = memref.load %arg3[%get3A_157, %get3A_158] : memref<8x2xf32, #tpu.memory_space<smem>>
    %mul3A_160 = vector.broadcast %get3A_159 : f32 to vector<400x128xf32>
    %mul3A_161 = arith.mulf %mul3A_160, %dot_general3A_18 : vector<400x128xf32>
    %get3A_162 = arith.constant 5 : index
    %get3A_163 = arith.constant 1 : index
    %get3A_164 = memref.load %arg3[%get3A_162, %get3A_163] : memref<8x2xf32, #tpu.memory_space<smem>>
    %mul3A_165 = vector.broadcast %get3A_164 : f32 to vector<400x128xf32>
    %mul3A_166 = arith.mulf %mul3A_165, %dot_general3A_25 : vector<400x128xf32>
    %add3A_167 = arith.addf %mul3A_161, %mul3A_166 : vector<400x128xf32>
    %slice3A_168 = vector.extract_strided_slice %add3A_167 {offsets = [0, 0], sizes = [400, 64], strides = [1, 1]} : vector<400x128xf32> to vector<400x64xf32>
    %swap3A_169 = arith.constant 0 : index
    %swap3A_170 = arith.constant 5 : index
    %swap3A_171 = arith.constant 0 : index
    %swap3A_172 = arith.constant 0 : index
    %swap3A_173 = vector.load %arg4[%swap3A_169, %swap3A_170, %swap3A_171, %swap3A_172] : memref<2x8x400x64xf32, #tpu.memory_space<vmem>>, vector<1x1x400x64xf32>
    %swap3A_174 = vector.shape_cast %swap3A_173 : vector<1x1x400x64xf32> to vector<400x64xf32>
    %swap3A_175 = vector.shape_cast %slice3A_168 : vector<400x64xf32> to vector<1x1x400x64xf32>
    tpu.vector_store %arg4[%swap3A_169, %swap3A_170, %swap3A_171, %swap3A_172], %swap3A_175 {strides = array<i32>} : memref<2x8x400x64xf32, #tpu.memory_space<vmem>>, vector<1x1x400x64xf32>,
    %slice3A_176 = vector.extract_strided_slice %add3A_167 {offsets = [0, 64], sizes = [400, 64], strides = [1, 1]} : vector<400x128xf32> to vector<400x64xf32>
    %swap3A_177 = arith.constant 1 : index
    %swap3A_178 = arith.constant 5 : index
    %swap3A_179 = arith.constant 0 : index
    %swap3A_180 = arith.constant 0 : index
    %swap3A_181 = vector.load %arg4[%swap3A_177, %swap3A_178, %swap3A_179, %swap3A_180] : memref<2x8x400x64xf32, #tpu.memory_space<vmem>>, vector<1x1x400x64xf32>
    %swap3A_182 = vector.shape_cast %swap3A_181 : vector<1x1x400x64xf32> to vector<400x64xf32>
    %swap3A_183 = vector.shape_cast %slice3A_176 : vector<400x64xf32> to vector<1x1x400x64xf32>
    tpu.vector_store %arg4[%swap3A_177, %swap3A_178, %swap3A_179, %swap3A_180], %swap3A_183 {strides = array<i32>} : memref<2x8x400x64xf32, #tpu.memory_space<vmem>>, vector<1x1x400x64xf32>,
    %get3A_184 = arith.constant 6 : index
    %get3A_185 = arith.constant 0 : index
    %get3A_186 = memref.load %arg3[%get3A_184, %get3A_185] : memref<8x2xf32, #tpu.memory_space<smem>>
    %mul3A_187 = vector.broadcast %get3A_186 : f32 to vector<400x128xf32>
    %mul3A_188 = arith.mulf %mul3A_187, %dot_general3A_18 : vector<400x128xf32>
    %get3A_189 = arith.constant 6 : index
    %get3A_190 = arith.constant 1 : index
    %get3A_191 = memref.load %arg3[%get3A_189, %get3A_190] : memref<8x2xf32, #tpu.memory_space<smem>>
    %mul3A_192 = vector.broadcast %get3A_191 : f32 to vector<400x128xf32>
    %mul3A_193 = arith.mulf %mul3A_192, %dot_general3A_25 : vector<400x128xf32>
    %add3A_194 = arith.addf %mul3A_188, %mul3A_193 : vector<400x128xf32>
    %slice3A_195 = vector.extract_strided_slice %add3A_194 {offsets = [0, 0], sizes = [400, 64], strides = [1, 1]} : vector<400x128xf32> to vector<400x64xf32>
    %swap3A_196 = arith.constant 0 : index
    %swap3A_197 = arith.constant 6 : index
    %swap3A_198 = arith.constant 0 : index
    %swap3A_199 = arith.constant 0 : index
    %swap3A_200 = vector.load %arg4[%swap3A_196, %swap3A_197, %swap3A_198, %swap3A_199] : memref<2x8x400x64xf32, #tpu.memory_space<vmem>>, vector<1x1x400x64xf32>
    %swap3A_201 = vector.shape_cast %swap3A_200 : vector<1x1x400x64xf32> to vector<400x64xf32>
    %swap3A_202 = vector.shape_cast %slice3A_195 : vector<400x64xf32> to vector<1x1x400x64xf32>
    tpu.vector_store %arg4[%swap3A_196, %swap3A_197, %swap3A_198, %swap3A_199], %swap3A_202 {strides = array<i32>} : memref<2x8x400x64xf32, #tpu.memory_space<vmem>>, vector<1x1x400x64xf32>,
    %slice3A_203 = vector.extract_strided_slice %add3A_194 {offsets = [0, 64], sizes = [400, 64], strides = [1, 1]} : vector<400x128xf32> to vector<400x64xf32>
    %swap3A_204 = arith.constant 1 : index
    %swap3A_205 = arith.constant 6 : index
    %swap3A_206 = arith.constant 0 : index
    %swap3A_207 = arith.constant 0 : index
    %swap3A_208 = vector.load %arg4[%swap3A_204, %swap3A_205, %swap3A_206, %swap3A_207] : memref<2x8x400x64xf32, #tpu.memory_space<vmem>>, vector<1x1x400x64xf32>
    %swap3A_209 = vector.shape_cast %swap3A_208 : vector<1x1x400x64xf32> to vector<400x64xf32>
    %swap3A_210 = vector.shape_cast %slice3A_203 : vector<400x64xf32> to vector<1x1x400x64xf32>
    tpu.vector_store %arg4[%swap3A_204, %swap3A_205, %swap3A_206, %swap3A_207], %swap3A_210 {strides = array<i32>} : memref<2x8x400x64xf32, #tpu.memory_space<vmem>>, vector<1x1x400x64xf32>,
    %get3A_211 = arith.constant 7 : index
    %get3A_212 = arith.constant 0 : index
    %get3A_213 = memref.load %arg3[%get3A_211, %get3A_212] : memref<8x2xf32, #tpu.memory_space<smem>>
    %mul3A_214 = vector.broadcast %get3A_213 : f32 to vector<400x128xf32>
    %mul3A_215 = arith.mulf %mul3A_214, %dot_general3A_18 : vector<400x128xf32>
    %get3A_216 = arith.constant 7 : index
    %get3A_217 = arith.constant 1 : index
    %get3A_218 = memref.load %arg3[%get3A_216, %get3A_217] : memref<8x2xf32, #tpu.memory_space<smem>>
    %mul3A_219 = vector.broadcast %get3A_218 : f32 to vector<400x128xf32>
    %mul3A_220 = arith.mulf %mul3A_219, %dot_general3A_25 : vector<400x128xf32>
    %add3A_221 = arith.addf %mul3A_215, %mul3A_220 : vector<400x128xf32>
    %slice3A_222 = vector.extract_strided_slice %add3A_221 {offsets = [0, 0], sizes = [400, 64], strides = [1, 1]} : vector<400x128xf32> to vector<400x64xf32>
    %swap3A_223 = arith.constant 0 : index
    %swap3A_224 = arith.constant 7 : index
    %swap3A_225 = arith.constant 0 : index
    %swap3A_226 = arith.constant 0 : index
    %swap3A_227 = vector.load %arg4[%swap3A_223, %swap3A_224, %swap3A_225, %swap3A_226] : memref<2x8x400x64xf32, #tpu.memory_space<vmem>>, vector<1x1x400x64xf32>
    %swap3A_228 = vector.shape_cast %swap3A_227 : vector<1x1x400x64xf32> to vector<400x64xf32>
    %swap3A_229 = vector.shape_cast %slice3A_222 : vector<400x64xf32> to vector<1x1x400x64xf32>
    tpu.vector_store %arg4[%swap3A_223, %swap3A_224, %swap3A_225, %swap3A_226], %swap3A_229 {strides = array<i32>} : memref<2x8x400x64xf32, #tpu.memory_space<vmem>>, vector<1x1x400x64xf32>,
    %slice3A_230 = vector.extract_strided_slice %add3A_221 {offsets = [0, 64], sizes = [400, 64], strides = [1, 1]} : vector<400x128xf32> to vector<400x64xf32>
    %swap3A_231 = arith.constant 1 : index
    %swap3A_232 = arith.constant 7 : index
    %swap3A_233 = arith.constant 0 : index
    %swap3A_234 = arith.constant 0 : index
    %swap3A_235 = vector.load %arg4[%swap3A_231, %swap3A_232, %swap3A_233, %swap3A_234] : memref<2x8x400x64xf32, #tpu.memory_space<vmem>>, vector<1x1x400x64xf32>
    %swap3A_236 = vector.shape_cast %swap3A_235 : vector<1x1x400x64xf32> to vector<400x64xf32>
    %swap3A_237 = vector.shape_cast %slice3A_230 : vector<400x64xf32> to vector<1x1x400x64xf32>
    tpu.vector_store %arg4[%swap3A_231, %swap3A_232, %swap3A_233, %swap3A_234], %swap3A_237 {strides = array<i32>} : memref<2x8x400x64xf32, #tpu.memory_space<vmem>>, vector<1x1x400x64xf32>,
    return
  }
  func.func @transform_0(%arg0: i32) -> (i32, i32, i32, i32) {
    %c0_i32 = arith.constant 0 : i32
    %c0_i32_0 = arith.constant 0 : i32
    %c0_i32_1 = arith.constant 0 : i32
    %c0_i32_2 = arith.constant 0 : i32
    return %c0_i32, %c0_i32_0, %arg0, %c0_i32_1 : i32, i32, i32, i32
  }
  func.func @transform_1(%arg0: i32) -> (i32, i32, i32) {
    %c0_i32 = arith.constant 0 : i32
    %c0_i32_0 = arith.constant 0 : i32
    %c0_i32_1 = arith.constant 0 : i32
    %c0_i32_2 = arith.constant 0 : i32
    return %c0_i32, %c0_i32_0, %c0_i32_1 : i32, i32, i32
  }
  func.func @transform_2(%arg0: i32) -> (i32, i32) {
    %c0_i32 = arith.constant 0 : i32
    %c0_i32_0 = arith.constant 0 : i32
    %c0_i32_1 = arith.constant 0 : i32
    return %c0_i32, %c0_i32_0 : i32, i32
  }
  func.func @transform_3(%arg0: i32) -> (i32, i32, i32, i32) {
    %c0_i32 = arith.constant 0 : i32
    %c0_i32_0 = arith.constant 0 : i32
    %c0_i32_1 = arith.constant 0 : i32
    %c0_i32_2 = arith.constant 0 : i32
    return %c0_i32, %c0_i32_0, %arg0, %c0_i32_1 : i32, i32, i32, i32
  }
}

module attributes {stable_mosaic.version = 14 : i64} {
  func.func @_final_body(%arg0: i32, %arg1: memref<2x1x400x64xf32, #tpu.memory_space<vmem>>, %arg2: memref<400x128xf32, #tpu.memory_space<vmem>>) attributes {dimension_semantics = [#tpu.dimension_semantics<arbitrary>], iteration_bounds = array<i64: 25>, scalar_prefetch = 0 : i64, scratch_operands = 0 : i64, tpu.core_type = #tpu.core_type<tc>, window_params = [{transform_indices = @transform_0, window_bounds = array<i64: 2, 1, 400, 64>}, {transform_indices = @transform_1, window_bounds = array<i64: 400, 128>}]} {
    %get3A = arith.constant 0 : index
    %get3A_0 = arith.constant 0 : index
    %get3A_1 = arith.constant 0 : index
    %get3A_2 = arith.constant 0 : index
    %get3A_3 = vector.load %arg1[%get3A, %get3A_0, %get3A_1, %get3A_2] : memref<2x1x400x64xf32, #tpu.memory_space<vmem>>, vector<1x1x400x64xf32>
    %get3A_4 = vector.shape_cast %get3A_3 : vector<1x1x400x64xf32> to vector<400x64xf32>
    %get3A_5 = arith.constant 1 : index
    %get3A_6 = arith.constant 0 : index
    %get3A_7 = arith.constant 0 : index
    %get3A_8 = arith.constant 0 : index
    %get3A_9 = vector.load %arg1[%get3A_5, %get3A_6, %get3A_7, %get3A_8] : memref<2x1x400x64xf32, #tpu.memory_space<vmem>>, vector<1x1x400x64xf32>
    %get3A_10 = vector.shape_cast %get3A_9 : vector<1x1x400x64xf32> to vector<400x64xf32>
    %concatenate3A = tpu.concatenate %get3A_4, %get3A_10 in 1 : vector<400x64xf32>, vector<400x64xf32> -> vector<400x128xf32>
    %swap3A = arith.constant 0 : index
    %swap3A_11 = arith.constant 0 : index
    %swap3A_12 = vector.load %arg2[%swap3A, %swap3A_11] : memref<400x128xf32, #tpu.memory_space<vmem>>, vector<400x128xf32>
    tpu.vector_store %arg2[%swap3A, %swap3A_11], %concatenate3A {strides = array<i32>} : memref<400x128xf32, #tpu.memory_space<vmem>>, vector<400x128xf32>,
    return
  }
  func.func @transform_0(%arg0: i32) -> (i32, i32, i32, i32) {
    %c0_i32 = arith.constant 0 : i32
    %c0_i32_0 = arith.constant 0 : i32
    %c0_i32_1 = arith.constant 0 : i32
    %c0_i32_2 = arith.constant 0 : i32
    return %c0_i32, %c0_i32_0, %arg0, %c0_i32_1 : i32, i32, i32, i32
  }
  func.func @transform_1(%arg0: i32) -> (i32, i32) {
    %c0_i32 = arith.constant 0 : i32
    %c0_i32_0 = arith.constant 0 : i32
    return %arg0, %c0_i32 : i32, i32
  }
}

</mosaic_0001>

<sc_bundles>
// kernel: kernel.11.cloned.1.call-start
scs
__scs_entry_jumppad:
0x0: {  	(pc) =	sbr.rel $0x88, $3  }
0x1: {  	(tag) =	ssettag $0x0;
	lr =	simm.s32 $0x1  }
0x2: {  	[smem:$0x3F95] =	sst lr;
	_ =	strace $0xD0000000  }
0x3: {  	_ = 	snop  }
0x4: {  	_ = 	snop  }
0x5: {  	_ = 	snop  }
0x6: {  	_ = 	snop  }
0x7: {  	_ = 	snop  }
__scs_overlays_trampoline_lowered:
0x8: {  	[smem:$0x3FA4] =	sst s0  }
0x9: {  	[smem:$0x3FA5] =	sst s1  }
0xa: {  	[smem:$0x3FA6] =	sst s2  }
0xb: {  	[smem:$0x3FA7] =	sst s3  }
0xc: {  	[smem:$0x3FA8] =	sst s4  }
0xd: {  	[smem:$0x3FA9] =	sst s5  }
0xe: {  	[smem:$0x3FAA] =	sst s6  }
0xf: {  	[smem:$0x3FAB] =	sst s7  }
0x10: {  	[smem:$0x3FAC] =	sst s8  }
0x11: {  	[smem:$0x3FAD] =	sst s9;
	s0 =	simm.s32 @!p0 $0x0  }
0x12: {  	s1 =	sld [smem:$0x3F93];
	s0 =	simm.s32 @p0 $0x1  }
0x13: {  	[smem:$0x3FAE] =	sst s0;
	s0 =	simm.s32 @!p1 $0x0  }
0x14: {  	s2 =	sld [smem:$0x3F92];
	s0 =	simm.s32 @p1 $0x1  }
0x15: {  	[smem:$0x3FAF] =	sst s0;
	s0 =	simm.s32 @!p2 $0x0  }
0x16: {  	s3 =	sld [smem:$0x3FDB];
	s0 =	simm.s32 @p2 $0x1  }
0x17: {  	s4 =	simm.s32 $0x1BF5;
	[smem:$0x3FB1] =	sst s0  }
0x18: {  	s0 =	sld [smem:$0x3F94];
	_ =	swait.ge [sflag:s4], $0x0  }
0x19: {  	s7 =	sld [smem:$0x3F95]  }
0x1a: {  	s8 =	sadd.s32 $0xFFFFE003, lr  }
0x1b: {  	s9 =	sadd.s32 $0xFFFFFEF7, lr;
	s5 =	simm.s32 $0xFFFFFFFF;
	p2 =	slt.u32 s8, $0xFFFFF086  }
0x1c: {  	p1 =	slt.u32 s9, $0xF7A;
	s5 =	simm.s32 @!p2 $0x0  }
0x1d: {  	s5 =	simm.s32 @p1 $0x1;
	p0 =	seq.s32 s7, s2  }
0x1e: {  	s7 =	smul.u32 @!p0 $0xF7A, s2;
	p2 =	seq.s32 @!p0 s5, $0x0  }
0x1f: {  	s9 =	smul.u32 $0xF7A, s1;
	s8 =	simm.s32 @!p0 $0x1BF5;
	p2 =	por !p2, p0  }
0x20: {  	[sflag:s8] =	ssyncset.s32 @!p0 $0xFFFFF086;
	s6 =	sadd.s32 @!p0 s3, s7;
	s7 =	simm.s32 @!p0 $0x108  }
0x21: {  	s3 =	sadd.s32 s3, s9;
	s6 =	sadd.s32 @!p0 $0x88, s6;
	s7 =	simm.s32 @p2 $0x1082  }
0x22: {  	[simem:s7], [sflag:s8] =	dma.local @!p0 [hbm:s6], $0xF7A  }
0x23: {  	s9 =	sor.u32 $0xD0000000, s2;
	s6 =	simm.s32 $0x108;
	_ =	swait.ge @!p0 [sflag:s8], $0x0  }
0x24: {  	s3 =	sadd.s32 $0x88, s3;
	s6 =	simm.s32 @!p1 $0x1082;
	[sflag:s4] =	ssyncset.s32 $0xFFFFF086  }
0x25: {  	[simem:s6], [sflag:s4] =	dma.local [hbm:s3], $0xF7A  }
0x26: {  	[smem:$0x3F95] =	sst s1;
	(tag) =	ssettag s2;
	_ =	strace s9  }
0x27: {  	s1 =	sld [smem:$0x3FA5]  }
0x28: {  	s2 =	sld [smem:$0x3FA6]  }
0x29: {  	s4 =	sld [smem:$0x3FA8]  }
0x2a: {  	p0 =	seq.s32 s5, $0x0;
	s5 =	sld [smem:$0x3FA9]  }
0x2b: {  	s6 =	sld [smem:$0x3FAA]  }
0x2c: {  	s7 =	sld [smem:$0x3FAB]  }
0x2d: {  	s3 =	simm.s32 $0x108;
	s8 =	sld [smem:$0x3FAC]  }
0x2e: {  	s3 =	simm.s32 @!p0 $0x1082;
	s9 =	sld [smem:$0x3FAD]  }
0x2f: {  	lr =	sadd.s32 s0, s3;
	s0 =	sld [smem:$0x3FA4]  }
0x30: {  	s3 =	sld [smem:$0x3FA7]  }
0x31: {  	[smem:$0x3FB0] =	sst s10  }
0x32: {  	s10 =	sld [smem:$0x3FAE];
	_ =	sdelay $0x3  }
0x33: {  	p0 =	seq.s32 s10, $0x1;
	s10 =	sld [smem:$0x3FB0];
	_ =	sdelay $0x3  }
0x34: {  	[smem:$0x3FB0] =	sst s10  }
0x35: {  	s10 =	sld [smem:$0x3FAF];
	_ =	sdelay $0x3  }
0x36: {  	p1 =	seq.s32 s10, $0x1;
	s10 =	sld [smem:$0x3FB0];
	_ =	sdelay $0x3  }
0x37: {  	[smem:$0x3FB0] =	sst s10  }
0x38: {  	s10 =	sld [smem:$0x3FB1]  }
0x39: {  	_ = 	snop;
	(pc) =	sbr.ind lr, $3  }
0x3a: {  	_ = 	snop  }
0x3b: {  	_ = 	snop  }
0x3c: {  	p2 =	seq.s32 s10, $0x1;
	s10 =	sld [smem:$0x3FB0]  }
0x3d: {  	_ =	shalt  }
0x3e: {  	_ =	shalt  }
0x3f: {  	_ =	shalt  }
0x40: {  	_ =	shalt  }
0x41: {  	_ =	shalt  }
0x42: {  	_ =	shalt  }
0x43: {  	_ =	shalt  }
0x44: {  	_ =	shalt  }
0x45: {  	_ =	shalt  }
0x46: {  	_ =	shalt  }
0x47: {  	_ =	shalt  }
0x48: {  	_ =	shalt  }
0x49: {  	_ =	shalt  }
0x4a: {  	_ =	shalt  }
0x4b: {  	_ =	shalt  }
0x4c: {  	_ =	shalt  }
0x4d: {  	_ =	shalt  }
0x4e: {  	_ =	shalt  }
0x4f: {  	_ =	shalt  }
0x50: {  	_ =	shalt  }
0x51: {  	_ =	shalt  }
0x52: {  	_ =	shalt  }
0x53: {  	_ =	shalt  }
0x54: {  	_ =	shalt  }
0x55: {  	_ =	shalt  }
0x56: {  	_ =	shalt  }
0x57: {  	_ =	shalt  }
0x58: {  	_ =	shalt  }
0x59: {  	_ =	shalt  }
0x5a: {  	_ =	shalt  }
0x5b: {  	_ =	shalt  }
0x5c: {  	_ =	shalt  }
0x5d: {  	_ =	shalt  }
0x5e: {  	_ =	shalt  }
0x5f: {  	_ =	shalt  }
0x60: {  	_ =	shalt  }
0x61: {  	_ =	shalt  }
0x62: {  	_ =	shalt  }
0x63: {  	_ =	shalt  }
0x64: {  	_ =	shalt  }
0x65: {  	_ =	shalt  }
0x66: {  	_ =	shalt  }
0x67: {  	_ =	shalt  }
0x68: {  	_ =	shalt  }
0x69: {  	_ =	shalt  }
0x6a: {  	_ =	shalt  }
0x6b: {  	_ =	shalt  }
0x6c: {  	_ =	shalt  }
0x6d: {  	_ =	shalt  }
0x6e: {  	_ =	shalt  }
0x6f: {  	_ =	shalt  }
0x70: {  	_ =	shalt  }
0x71: {  	_ =	shalt  }
0x72: {  	_ =	shalt  }
0x73: {  	_ =	shalt  }
0x74: {  	_ =	shalt  }
0x75: {  	_ =	shalt  }
0x76: {  	_ =	shalt  }
0x77: {  	_ =	shalt  }
0x78: {  	_ =	shalt  }
0x79: {  	_ =	shalt  }
0x7a: {  	_ =	shalt  }
0x7b: {  	_ =	shalt  }
0x7c: {  	_ =	shalt  }
0x7d: {  	_ =	shalt  }
0x7e: {  	_ =	shalt  }
0x7f: {  	_ =	shalt  }
0x80: {  	_ =	shalt  }
0x81: {  	_ =	shalt  }
0x82: {  	_ =	shalt  }
0x83: {  	_ =	shalt  }
0x84: {  	_ =	shalt  }
0x85: {  	_ =	shalt  }
0x86: {  	_ =	shalt  }
0x87: {  	_ =	shalt  }
.Lfunc_end0:
.L_simem_size_0:
called_computation.1_lowered:
.L_overlay_start_0:
0x88: {  	s2 =	sld [smem:$0x3FD9]  }
0x89: {  	s3 =	sld [smem:$0x3FFE];
	_ =	sdelay $0x1  }
0x8a: {  	s1 =	srdreg.scid  }
0x8b: {  	s0 =	sand.u32 $0x1, s1  }
0x8c: {  	s17 =	sshll.u32 s0, $0xA;
	s2 =	sadd.s32 s3, s2  }
0x8d: {  	s2 =	sadd.s32 s2, s17  }
0x8e: {  	[smem:$0x3FBC] =	sst s2  }
0x8f: {  	_ = 	snop  }
0x90: {  	s2 =	sld [smem:$0x3FD0];
	(tm) =	ssettm $0x1  }
0x91: {  	s18 =	sld [smem:$0x3FFB];
	_ =	sdelay $0x3  }
0x92: {  	_ =	strace s18  }
0x93: {  	s3 =	sld [smem:$0x3FFC];
	_ =	sdelay $0x3  }
0x94: {  	_ =	strace s3  }
0x95: {  	s3 =	sld [smem:$0x3FFD];
	_ =	sdelay $0x3  }
0x96: {  	_ =	strace s3  }
0x97: {  	_ =	strace $0x8FFFFFFF  }
0x98: {  	s19 =	sld [smem:$0x3FDB];
	_ =	sdelay $0x1  }
0x99: {  	s4 =	simm.s32 $_scs_section_size  }
0x9a: {  	s5 =	simm.s32 $_size__tile_overlayer_lowered;
	s6 =	simm.s32 $_tile_overlayer_lowered  }
0x9b: {  	s22 =	simm.s32 $0x1BFF;
	s21 =	sshll.u32 s6, $0x1;
	s3 =	sadd.s32 s4, s19  }
0x9c: {  	s7 =	simm.s32 $0x0;
	s20 =	sshll.u32 s5, $0x1;
	s5 =	sadd.s32 s21, s3  }
0x9d: {  	[timem:s7], [sflag:s22] =	dma.local [hbm:s5], s20  }
0x9e: {  	_ =	swait.ge [sflag:s22], s20  }
0x9f: {  	s4 =	ssub.s32 $0x0, s20;
	[sflag:s22] =	ssyncset.done $0x0  }
0xa0: {  	[sflag:s22] =	ssyncadd.s32 s4;
	_ =	sdelay $0x1  }
0xa1: {  	s23 =	simm.s32 $0x1B8B  }
0xa2: {  	_ =	swait.ge [sflag:s23], $0x1  }
0xa3: {  	[sflag:s23] =	ssyncset.done $0x0  }
0xa4: {  	s25 =	simm.s32 $0x1B8E;
	s24 =	sld [smem:$0x3FFE];
	[sflag:s23] =	ssyncadd.s32 $0xFFFFFFFF  }
0xa5: {  	s26 =	simm.s32 $execute0_lowered;
	[smem:$0x3FD2] =	sst s25  }
0xa6: {  	s5 =	sshll.u32 s26, $0x1;
	_ =	strace $0x80000049;
	[dreg:$0x1] =	wrdreg $0xFFFFFFFF  }
0xa7: {  	s28 =	simm.s32 $_size_execute0_lowered;
	s3 =	sadd.s32 s3, s5;
	[dreg:$0x0] =	wrdreg $0x0  }
0xa8: {  	s5 =	sshll.u32 s28, $0x1;
	[dreg:$0x2] =	wrdreg s3  }
0xa9: {  	[dreg:$0x3] =	wrdreg s5  }
0xaa: {  	[dreg:$0x4] =	wrdreg $0xC0  }
0xab: {  	_ =	task [dreg:s7], $0x5FFFF  }
0xac: {  	[dreg:$0x1] =	wrdreg $0xFFFFFFFF  }
0xad: {  	[dreg:$0x0] =	wrdreg $0x60  }
0xae: {  	[dreg:$0x2] =	wrdreg s24  }
0xaf: {  	[dreg:$0x3] =	wrdreg s2  }
0xb0: {  	[dreg:$0x4] =	wrdreg $0xC0000  }
0xb1: {  	[dreg:$0x5] =	wrdreg $0x9  }
0xb2: {  	_ =	task.clear_ibuf [dreg:s7], $0x6FFFF;
	_ =	strace $0x90000049  }
0xb3: {  	s29 =	simm.s32 $0x9;
	_ =	strace $0x8000004B  }
0xb4: {  	_ =	swait.ge [sflag:s29], $0x1  }
0xb5: {  	[sflag:s29] =	ssyncadd.s32 $0xFFFFFFFF  }
0xb6: {  	_ =	strace $0x9000004B  }
0xb7: {  	_ =	sfence  }
0xb8: {  	s30 =	sld [smem:$0x0];
	_ =	sdelay $0x2  }
0xb9: {  	s31 =	sshll.u32 s1, $0xD;
	s1 =	sshrl.u32 s1, $0x2  }
0xba: {  	s3 =	sand.u32 $0x4000, s31;
	s1 =	sadd.s32 s1, s30  }
0xbb: {  	s0 =	sor.u32 s3, s0;
	s1 =	sshll.u32 s1, $0x11  }
0xbc: {  	s0 =	sor.u32 s1, s0  }
0xbd: {  	s0 =	sadd.s32 $0x8F2B, s0  }
0xbe: {  	[sflag:s0] =	ssyncadd.remote.s32 $0x1  }
0xbf: {  	_ =	sfence.sel $0xFFFF  }
0xc0: {  	[dreg:$0x0] =	wrdreg $0xFFFFFFFF;
	(pc) =	sbr.abs _section_cstart, $3  }
0xc1: {  	[dreg:$0x1] =	wrdreg $0xFFFFFFFF  }
0xc2: {  	_ =	task.clear_ibuf [dreg:s7], $0x2FFFF;
	_ =	strace $0x9FFFFFFF  }
0xc3: {  	(tm) =	ssettm $0x7FFFFFFF  }
tec
execute0_lowered:
.L_overlay_start_1:
0x0: {  	(tag) =	ssettag $0x1  }
0x1: {  	s0 =	rddreg [dreg:$0x0]  }
0x2: {  	s2 =	rddreg [dreg:$0x1]  }
0x3: {  	s1 =	rddreg [dreg:$0x2];
	s9 =	stileid.u32  }
0x4: {  	s3 =	srdreg.scid;
	s28 =	simm.s32 $0x6000;
	s12 =	smul.u32 $0x500, s9  }
0x5: {  	s30 =	simm.s32 $0x8000;
	s31 =	simm.s32 $0x5800;
	s15 =	smul.u32 $0xA000, s9  }
0x6: {  	s29 =	simm.s32 $0x4;
	s5 =	sand.u32 $0x1, s3;
	s9 =	smul.u32 $0x28000, s9  }
0x7: {  	s3 =	simm.s32 $0x0;
	s7 =	sadd.s32 $0x200, s0;
	s4 =	smul.u32 $0x9C400, s5  }
0x8: {  	[smem:$0x7FF] =	sst s3;
	s6 =	ssub.s32 $0x2, s5;
	s5 =	smul.u32 $0xA0000, s5  }
0x9: {  	_ =	strace $0x8000004A;
	s14 =	sadd.s32 s12, s0;
	[dreg:$0x4] =	wrdreg s7  }
0xa: {  	s25 =	sshrl.u32 s6, $0x1;
	s17 =	sadd.s32 $0x2000, s15;
	s18 =	sadd.s32 $0x4000, s15  }
0xb: {  	s19 =	sadd.s32 $0x6000, s15;
	s20 =	sadd.s32 $0x8000, s15;
	s2 =	sadd.s32 s2, s12  }
0xc: {  	s12 =	sshrl.u32 s9, $0x3;
	s13 =	sadd.s32 s4, s0;
	s4 =	sadd.s32 $0x2ADA00, s0  }
0xd: {  	s0 =	sadd.s32 $0x600, s0;
	s16 =	ssub.s32 s6, s25;
	s6 =	sadd.s32 s15, s1  }
0xe: {  	s7 =	sadd.s32 s17, s1;
	s8 =	sadd.s32 s18, s1;
	s10 =	sadd.s32 s19, s1  }
0xf: {  	s11 =	sadd.s32 s20, s1;
	[dreg:$0x5] =	wrdreg s2;
	s26 =	sadd.s32 $0x28A00, s14  }
0x10: {  	s22 =	sadd.s32 s5, s17;
	s24 =	sadd.s32 s5, s18;
	s25 =	sadd.s32 s5, s19  }
0x11: {  	[dreg:$0x6] =	wrdreg s26;
	s14 =	sadd.s32 $0x2FDA00, s13;
	s13 =	sadd.s32 s15, s5  }
0x12: {  	s15 =	sadd.s32 s4, s12;
	s23 =	sshrl.u32 s22, $0x3;
	s12 =	sshrl.u32 s25, $0x3  }
0x13: {  	s5 =	sadd.s32 s5, s20;
	s22 =	smax.u32 s16, $0x1;
	s25 =	simm.s32 $0x2  }
0x14: {  	s21 =	sshrl.u32 s13, $0x3;
	[dreg:$0x7] =	wrdreg s15;
	s13 =	sadd.s32 $0x100, s15  }
0x15: {  	s20 =	sadd.s32 s0, s12;
	s26 =	sshrl.u32 s5, $0x3;
	s5 =	simm.s32 $0x0  }
.Ltmp0:
0x16: {  	[dreg:$0x8] =	wrdreg s13;
	s2 =	sadd.s32 s0, s21;
	(pc) =	sbr.rel .LBB2_1-.Ltmp0, $4  }
0x17: {  	s21 =	sadd.s32 s0, s26;
	[dreg:$0x9] =	wrdreg s2;
	s2 =	sadd.s32 s0, s23  }
0x18: {  	s26 =	simm.s32 $0x80;
	[dreg:$0xa] =	wrdreg s2;
	s2 =	sshrl.u32 s24, $0x3  }
0x19: {  	s23 =	simm.s32 $0xA000;
	s24 =	simm.s32 $0x5;
	s2 =	sadd.s32 s0, s2  }
0x1a: {  	s0 =	simm.s32 $0x1;
	[dreg:$0xb] =	wrdreg s2;
	s2 =	simm.s32 $0x3  }
.LBB2_8:
0x1b: {  	s12 =	stileid.u32  }
0x1c: {  	[bflag:$0x0] =	sbarrier.arrive $0xFFFF;
	s12 =	sshll.u32 s12, $0x6  }
0x1d: {  	s13 =	sshrl.u32 s6, $0x3;
	s15 =	rddreg [dreg:$0x9];
	s12 =	sor.u32 $0x1C05, s12  }
0x1e: {  	[hbm:s15], [sflag:s12] =	dma.local [spmem:s13], $0x400  }
0x1f: {  	_ =	swait.ge [sflag:s24], $0x400  }
0x20: {  	[sflag:s24] =	ssyncset.done $0x0  }
0x21: {  	s18 =	sshrl.u32 s7, $0x3;
	s19 =	rddreg [dreg:$0xa];
	[sflag:s24] =	ssyncadd.s32 $0xFFFFFC00  }
0x22: {  	[hbm:s19], [sflag:s12] =	dma.local [spmem:s18], $0x400  }
0x23: {  	_ =	swait.ge [sflag:s24], $0x400  }
0x24: {  	[sflag:s24] =	ssyncset.done $0x0  }
0x25: {  	s16 =	sshrl.u32 s8, $0x3;
	s17 =	rddreg [dreg:$0xb];
	[sflag:s24] =	ssyncadd.s32 $0xFFFFFC00  }
0x26: {  	[hbm:s17], [sflag:s12] =	dma.local [spmem:s16], $0x400  }
0x27: {  	_ =	swait.ge [sflag:s24], $0x400  }
0x28: {  	[sflag:s24] =	ssyncset.done $0x0  }
0x29: {  	s18 =	sshrl.u32 s10, $0x3;
	[sflag:s24] =	ssyncadd.s32 $0xFFFFFC00  }
0x2a: {  	[hbm:s20], [sflag:s12] =	dma.local [spmem:s18], $0x400  }
0x2b: {  	s5 =	sadd.s32 $0x1, s5;
	_ =	swait.ge [sflag:s24], $0x400  }
0x2c: {  	p0 =	sne.s32 s5, s22;
	[sflag:s24] =	ssyncset.done $0x0  }
.Ltmp1:
0x2d: {  	s19 =	sshrl.u32 s11, $0x3;
	[sflag:s24] =	ssyncadd.s32 $0xFFFFFC00;
	(pc) =	sbr.rel @!p0 .LBB2_9-.Ltmp1, $4  }
0x2e: {  	[hbm:s21], [sflag:s12] =	dma.local [spmem:s19], $0x400  }
0x2f: {  	_ =	swait.ge [sflag:s24], $0x400  }
0x30: {  	[sflag:s24] =	ssyncset.done $0x0  }
0x31: {  	[sflag:s24] =	ssyncadd.s32 $0xFFFFFC00  }
.LBB2_1:
0x32: {  	s12 =	rddreg [dreg:$0x4]  }
0x33: {  	[tilespmem:s23], [sflag:$0x5] =	stream.linear.gather [hbm4b:s12+s3], $0x2000, $0x38;
	[tilespmem:$0x16000] =	vst v63  }
0x34: {  	_ =	swait.ge [sflag:s24], $0x2000  }
0x35: {  	[sflag:s24] =	ssyncset.done $0x0  }
0x36: {  	[sflag:s24] =	ssyncadd.s32 $0xFFFFE000  }
0x37: {  	[spmem:s6] =	stream.linear.scatter [tilespmem:s23], [sflag:$0x5], $0x2000, $0x38;
	[tilespmem:$0x16000] =	vst v63  }
0x38: {  	_ =	swait.ge [sflag:s24], $0x2000  }
0x39: {  	[sflag:s24] =	ssyncset.done $0x0  }
0x3a: {  	[sflag:s24] =	ssyncadd.s32 $0xFFFFE000  }
0x3b: {  	[spmem:s7] =	stream.linear.scatter [tilespmem:s23], [sflag:$0x5], $0x2000, $0x38;
	[tilespmem:$0x16000] =	vst v63  }
0x3c: {  	_ =	swait.ge [sflag:s24], $0x2000  }
0x3d: {  	[sflag:s24] =	ssyncset.done $0x0  }
0x3e: {  	[sflag:s24] =	ssyncadd.s32 $0xFFFFE000  }
0x3f: {  	[spmem:s8] =	stream.linear.scatter [tilespmem:s23], [sflag:$0x5], $0x2000, $0x38;
	[tilespmem:$0x16000] =	vst v63  }
0x40: {  	_ =	swait.ge [sflag:s24], $0x2000  }
0x41: {  	[sflag:s24] =	ssyncset.done $0x0  }
0x42: {  	[sflag:s24] =	ssyncadd.s32 $0xFFFFE000  }
0x43: {  	[spmem:s10] =	stream.linear.scatter [tilespmem:s23], [sflag:$0x5], $0x2000, $0x38;
	[tilespmem:$0x16000] =	vst v63  }
0x44: {  	_ =	swait.ge [sflag:s24], $0x2000  }
0x45: {  	[sflag:s24] =	ssyncset.done $0x0  }
0x46: {  	[sflag:s24] =	ssyncadd.s32 $0xFFFFE000  }
0x47: {  	[spmem:s11] =	stream.linear.scatter [tilespmem:s23], [sflag:$0x5], $0x2000, $0x38;
	[tilespmem:$0x16000] =	vst v63  }
0x48: {  	_ =	swait.ge [sflag:s24], $0x2000  }
0x49: {  	[sflag:s24] =	ssyncset.done $0x0  }
0x4a: {  	s15 =	rddreg [dreg:$0x5];
	[sflag:s24] =	ssyncadd.s32 $0xFFFFE000  }
0x4b: {  	[tilespmem:s3], [sflag:$0x5] =	stream.linear.gather [hbm4b:s15+s3], $0x2800, $0x38;
	[tilespmem:$0x16000] =	vst v63  }
0x4c: {  	_ =	swait.ge [sflag:s24], $0x2800  }
0x4d: {  	[sflag:s24] =	ssyncset.done $0x0  }
0x4e: {  	s13 =	simm.s32 $0x2800;
	s16 =	rddreg [dreg:$0x6];
	[sflag:s24] =	ssyncadd.s32 $0xFFFFD800  }
0x4f: {  	[tilespmem:s13], [sflag:$0x5] =	stream.linear.gather [hbm4b:s16+s3], $0x2800, $0x38;
	[tilespmem:$0x16000] =	vst v63  }
0x50: {  	_ =	swait.ge [sflag:s24], $0x2800  }
0x51: {  	[sflag:s24] =	ssyncset.done $0x0  }
0x52: {  	[sflag:s24] =	ssyncadd.s32 $0xFFFFD800  }
0x53: {  	[bflag:$0x0] =	sbarrier.arrive $0xFFFF  }
0x54: {  	[tilespmem:s28], [sflag:$0x1] =	stream.indirect.gather [hbm4b:s14+s26], $0x40, s3, s26, $0xb8;
	[tilespmem:$0x16000] =	vst v63  }
0x55: {  	s18 =	simm.s32 $0x5000;
	s17 =	rddreg [dreg:$0x7]  }
0x56: {  	[tilespmem:s18], [sflag:$0x3] =	stream.linear.gather [hbm4b:s17+s3], $0x800, $0x38;
	[tilespmem:$0x16000] =	vst v63  }
0x57: {  	_ = 	snop  }
0x58: {  	[tilespmem:s30], [sflag:$0x2] =	stream.indirect.gather [hbm4b:s14+s26], $0x40, s26, s26, $0xb8;
	[tilespmem:$0x16000] =	vst v63  }
0x59: {  	s12 =	simm.s32 $0x0;
	s19 =	rddreg [dreg:$0x8]  }
0x5a: {  	[tilespmem:s31], [sflag:$0x4] =	stream.linear.gather [hbm4b:s19+s3], $0x800, $0x38;
	[tilespmem:$0x16000] =	vst v63  }
.LBB2_2:
0x5b: {  	_ =	swait.ge [sflag:s0], $0x2000  }
0x5c: {  	[sflag:s0] =	ssyncset.done $0x0  }
0x5d: {  	[sflag:s0] =	ssyncadd.s32 $0xFFFFE000  }
0x5e: {  	_ =	swait.ge [sflag:s2], $0x800  }
0x5f: {  	[sflag:s2] =	ssyncset.done $0x0  }
0x60: {  	s13 =	simm.s32 $0x6020;
	[sflag:s2] =	ssyncadd.s32 $0xFFFFF800  }
0x61: {  	v0 =	vld [tilespmem:s13+$0xFFFFFFF0]  }
0x62: {  	v2 =	vld [tilespmem:s13+$0x10]  }
0x63: {  	s15 =	simm.s32 $0x0;
	v1 =	vld [tilespmem:s13+$0xFFFFFFE0]  }
0x64: {  	v4 =	vld [tilespmem:s15+$0x5000]  }
0x65: {  	v5 =	vld [tilespmem:s13+$0x0];
	_ =	sdelay $0x3  }
0x66: {  	v1 =	vmul.f32 v1, v4;
	v3 =	vmul.f32 v2, v4  }
0x67: {  	s16 =	simm.s32 $0x40;
	s17 =	simm.s32 $0x6020;
	v2 =	vmul.f32 v0, v4;
	v0 =	vmul.f32 v5, v4  }
.LBB2_3:
0x68: {  	p0 =	sne.s32 s16, $0x1FC0  }
0x69: {  	[tilespmem:s13+$0x10] =	vst v3;
	s17 =	sadd.s32 $0x40, s17;
	s15 =	smov.u32 s16;
	s16 =	sadd.s32 $0x40, s16  }
0x6a: {  	v4 =	vld [tilespmem:s17+$0xFFFFFFF0];
	[tilespmem:s13+$0xFFFFFFE0] =	vst v1  }
0x6b: {  	v3 =	vld [tilespmem:s17+$0x10];
	[tilespmem:s13+$0xFFFFFFF0] =	vst v2  }
0x6c: {  	s15 =	sshra.s32 s15, $0x2;
	v1 =	vld [tilespmem:s17+$0xFFFFFFE0];
	[tilespmem:s13+$0x0] =	vst v0;
	s13 =	smov.u32 s17  }
0x6d: {  	v0 =	vld [tilespmem:s15+$0x5000]  }
0x6e: {  	v5 =	vld [tilespmem:s17+$0x0]  }
.Ltmp2:
0x6f: {  	(pc) =	sbr.rel @p0 .LBB2_3-.Ltmp2, $3  }
0x70: {  	_ =	sdelay $0x1  }
0x71: {  	v1 =	vmul.f32 v1, v0;
	v3 =	vmul.f32 v3, v0  }
0x72: {  	v2 =	vmul.f32 v4, v0;
	v0 =	vmul.f32 v5, v0  }
0x73: {  	[tilespmem:s13+$0x10] =	vst v3  }
0x74: {  	[tilespmem:s13+$0xFFFFFFE0] =	vst v1  }
0x75: {  	s15 =	sshll.u32 s12, $0x8;
	[tilespmem:s13+$0xFFFFFFF0] =	vst v2  }
0x76: {  	p0 =	seq.s32 s12, $0x27;
	s16 =	sand.u32 $0x3FFFFF00, s15;
	[tilespmem:s13+$0x0] =	vst v0;
	s13 =	sshll.u32 s12, $0x1  }
0x77: {  	s19 =	simm.s32 @!p0 $0x6000;
	s18 =	sadd.s32 $0x2800, s16;
	s15 =	sadd.s32 @!p0 $0x2, s13  }
0x78: {  	[spmem:s1] =	stream.indirect.scatter.add.f32 [tilespmem:s28], [sflag:$0x5], $0x40, s18, s26, $0xb8;
	[tilespmem:$0x16000] =	vst v63  }
0x79: {  	s17 =	sshll.u32 @!p0 s15, $0x7;
	s15 =	sshll.u32 @!p0 s15, $0xB;
	_ =	swait.ge [sflag:s24], $0x2000  }
0x7a: {  	s18 =	simm.s32 @!p0 $0x80;
	s15 =	sadd.s32 @!p0 s9, s15;
	[sflag:s24] =	ssyncset.done $0x0  }
0x7b: {  	s17 =	sand.u32 @!p0 $0x3FFFFF80, s17;
	s15 =	sshrl.u32 @!p0 s15, $0x3;
	[sflag:s24] =	ssyncadd.s32 $0xFFFFE000  }
0x7c: {  	[tilespmem:s19], [sflag:$0x1] =	stream.indirect.gather @!p0 [hbm4b:s14+s18], $0x40, s17, s18, $0xb8;
	[tilespmem:$0x16000] =	vst v63  }
0x7d: {  	s15 =	sadd.s32 @!p0 s4, s15;
	s17 =	simm.s32 @!p0 $0x0;
	s18 =	simm.s32 @!p0 $0x5000  }
0x7e: {  	[tilespmem:s18], [sflag:$0x3] =	stream.linear.gather @!p0 [hbm4b:s15+s17], $0x800, $0x38;
	[tilespmem:$0x16000] =	vst v63  }
0x7f: {  	_ =	swait.ge [sflag:s25], $0x2000  }
0x80: {  	[sflag:s25] =	ssyncset.done $0x0  }
0x81: {  	[sflag:s25] =	ssyncadd.s32 $0xFFFFE000  }
0x82: {  	_ =	swait.ge [sflag:s29], $0x800  }
0x83: {  	[sflag:s29] =	ssyncset.done $0x0  }
0x84: {  	s17 =	simm.s32 $0x8020;
	[sflag:s29] =	ssyncadd.s32 $0xFFFFF800  }
0x85: {  	v0 =	vld [tilespmem:s17+$0xFFFFFFF0]  }
0x86: {  	v2 =	vld [tilespmem:s17+$0x10]  }
0x87: {  	s19 =	simm.s32 $0x0;
	v1 =	vld [tilespmem:s17+$0xFFFFFFE0]  }
0x88: {  	v4 =	vld [tilespmem:s19+$0x5800]  }
0x89: {  	v5 =	vld [tilespmem:s17+$0x0];
	_ =	sdelay $0x3  }
0x8a: {  	v1 =	vmul.f32 v1, v4;
	v3 =	vmul.f32 v2, v4  }
0x8b: {  	s18 =	simm.s32 $0x40;
	s15 =	simm.s32 $0x8020;
	v2 =	vmul.f32 v0, v4;
	v0 =	vmul.f32 v5, v4  }
.LBB2_5:
0x8c: {  	p1 =	sne.s32 s18, $0x1FC0  }
0x8d: {  	[tilespmem:s17+$0x10] =	vst v3;
	s15 =	sadd.s32 $0x40, s15;
	s19 =	smov.u32 s18;
	s18 =	sadd.s32 $0x40, s18  }
0x8e: {  	v4 =	vld [tilespmem:s15+$0xFFFFFFF0];
	[tilespmem:s17+$0xFFFFFFE0] =	vst v1  }
0x8f: {  	v3 =	vld [tilespmem:s15+$0x10];
	[tilespmem:s17+$0xFFFFFFF0] =	vst v2  }
0x90: {  	s19 =	sshra.s32 s19, $0x2;
	v1 =	vld [tilespmem:s15+$0xFFFFFFE0];
	[tilespmem:s17+$0x0] =	vst v0;
	s17 =	smov.u32 s15  }
0x91: {  	v0 =	vld [tilespmem:s19+$0x5800]  }
0x92: {  	v5 =	vld [tilespmem:s15+$0x0]  }
.Ltmp3:
0x93: {  	(pc) =	sbr.rel @p1 .LBB2_5-.Ltmp3, $3  }
0x94: {  	_ =	sdelay $0x1  }
0x95: {  	v1 =	vmul.f32 v1, v0;
	v3 =	vmul.f32 v3, v0  }
0x96: {  	v2 =	vmul.f32 v4, v0;
	v0 =	vmul.f32 v5, v0  }
0x97: {  	[tilespmem:s17+$0x10] =	vst v3  }
0x98: {  	[tilespmem:s17+$0xFFFFFFE0] =	vst v1  }
0x99: {  	[tilespmem:s17+$0xFFFFFFF0] =	vst v2  }
.Ltmp4:
0x9a: {  	s15 =	sadd.s32 $0x2880, s16;
	[tilespmem:s17+$0x0] =	vst v0;
	(pc) =	sbr.rel @p0 .LBB2_8-.Ltmp4, $4  }
0x9b: {  	[spmem:s1] =	stream.indirect.scatter.add.f32 [tilespmem:s30], [sflag:$0x5], $0x40, s15, s26, $0xb8;
	[tilespmem:$0x16000] =	vst v63  }
0x9c: {  	_ =	swait.ge [sflag:s24], $0x2000  }
0x9d: {  	[sflag:s24] =	ssyncset.done $0x0  }
0x9e: {  	[sflag:s24] =	ssyncadd.s32 $0xFFFFE000  }
0x9f: {  	s13 =	sadd.s32 $0x3, s13  }
0xa0: {  	s15 =	sshll.u32 s13, $0x7;
	s13 =	sshll.u32 s13, $0xB  }
.Ltmp5:
0xa1: {  	s15 =	sand.u32 $0x3FFFFF80, s15;
	s13 =	sadd.s32 s9, s13;
	(pc) =	sbr.rel .LBB2_2-.Ltmp5, $4  }
0xa2: {  	[tilespmem:s30], [sflag:$0x2] =	stream.indirect.gather [hbm4b:s14+s26], $0x40, s15, s26, $0xb8;
	[tilespmem:$0x16000] =	vst v63  }
0xa3: {  	s13 =	sshrl.u32 s13, $0x3  }
0xa4: {  	s12 =	sadd.s32 $0x1, s12;
	s13 =	sadd.s32 s4, s13  }
0xa5: {  	[tilespmem:s31], [sflag:$0x4] =	stream.linear.gather [hbm4b:s13+s3], $0x800, $0x38;
	[tilespmem:$0x16000] =	vst v63  }
.LBB2_9:
0xa6: {  	_ =	sfence.sel $0x180000  }
0xa7: {  	[bflag:$0x0] =	sbarrier.arrive $0xFFFF  }
0xa8: {  	_ =	strace $0x9000004A  }
0xa9: {  	s0 =	stileid.u32;
	[bflag:$0x2] =	sbarrier.arrive $0xFFFF  }
0xaa: {  	p0 =	sne.s32 s0, $0x0;
	s0 =	rddreg [dreg:$0x3]  }
0xab: {  	s0 =	sadd.s32 @!p0 $0x100000, s0  }
0xac: {  	[sflag:s0] =	ssyncadd.tile.s32 @!p0 $0x1;
	_ =	shalt  }
.Lfunc_end2:
_tile_overlayer_lowered:
.L_overlay_start_2:
0xad: {  	(tag) =	ssettag $0x2  }
0xae: {  	s0 =	rddreg [dreg:$0x0];
	s2 =	stileid.u32  }
0xaf: {  	s1 =	rddreg [dreg:$0x1];
	p0 =	sne.s32 s2, $0x0  }
0xb0: {  	s3 =	rddreg [dreg:$0x2];
	[bflag:$0x3] =	sbarrier.arrive $0xFFFF;
	s2 =	simm.s32 @!p0 $0x1C05  }
0xb1: {  	[timem:s3], [sflag:s2] =	dma.local @!p0 [hbm:s0], s1  }
0xb2: {  	s0 =	simm.s32 @!p0 $0x5  }
0xb3: {  	_ =	swait.ge @!p0 [sflag:s0], s1  }
0xb4: {  	s1 =	ssub.s32 @!p0 $0x0, s1;
	[sflag:s0] =	ssyncset.done @!p0 $0x0  }
0xb5: {  	[sflag:s0] =	ssyncadd.s32 @!p0 s1  }
0xb6: {  	[bflag:$0x3] =	sbarrier.arrive $0xFFFF  }
0xb7: {  	_ =	shalt  }

// kernel: kernel.14.cloned.1.call-start
scs
__scs_entry_jumppad:
0x0: {  	(pc) =	sbr.rel $0x88, $3  }
0x1: {  	(tag) =	ssettag $0x0;
	lr =	simm.s32 $0x1  }
0x2: {  	[smem:$0x3F95] =	sst lr;
	_ =	strace $0xD0000000  }
0x3: {  	_ = 	snop  }
0x4: {  	_ = 	snop  }
0x5: {  	_ = 	snop  }
0x6: {  	_ = 	snop  }
0x7: {  	_ = 	snop  }
__scs_overlays_trampoline_lowered:
0x8: {  	[smem:$0x3FA4] =	sst s0  }
0x9: {  	[smem:$0x3FA5] =	sst s1  }
0xa: {  	[smem:$0x3FA6] =	sst s2  }
0xb: {  	[smem:$0x3FA7] =	sst s3  }
0xc: {  	[smem:$0x3FA8] =	sst s4  }
0xd: {  	[smem:$0x3FA9] =	sst s5  }
0xe: {  	[smem:$0x3FAA] =	sst s6  }
0xf: {  	[smem:$0x3FAB] =	sst s7  }
0x10: {  	[smem:$0x3FAC] =	sst s8  }
0x11: {  	[smem:$0x3FAD] =	sst s9;
	s0 =	simm.s32 @!p0 $0x0  }
0x12: {  	s1 =	sld [smem:$0x3F93];
	s0 =	simm.s32 @p0 $0x1  }
0x13: {  	[smem:$0x3FAE] =	sst s0;
	s0 =	simm.s32 @!p1 $0x0  }
0x14: {  	s2 =	sld [smem:$0x3F92];
	s0 =	simm.s32 @p1 $0x1  }
0x15: {  	[smem:$0x3FAF] =	sst s0;
	s0 =	simm.s32 @!p2 $0x0  }
0x16: {  	s3 =	sld [smem:$0x3FDB];
	s0 =	simm.s32 @p2 $0x1  }
0x17: {  	s4 =	simm.s32 $0x1BF5;
	[smem:$0x3FB1] =	sst s0  }
0x18: {  	s0 =	sld [smem:$0x3F94];
	_ =	swait.ge [sflag:s4], $0x0  }
0x19: {  	s7 =	sld [smem:$0x3F95]  }
0x1a: {  	s8 =	sadd.s32 $0xFFFFE003, lr  }
0x1b: {  	s9 =	sadd.s32 $0xFFFFFEF7, lr;
	s5 =	simm.s32 $0xFFFFFFFF;
	p2 =	slt.u32 s8, $0xFFFFF086  }
0x1c: {  	p1 =	slt.u32 s9, $0xF7A;
	s5 =	simm.s32 @!p2 $0x0  }
0x1d: {  	s5 =	simm.s32 @p1 $0x1;
	p0 =	seq.s32 s7, s2  }
0x1e: {  	s7 =	smul.u32 @!p0 $0xF7A, s2;
	p2 =	seq.s32 @!p0 s5, $0x0  }
0x1f: {  	s9 =	smul.u32 $0xF7A, s1;
	s8 =	simm.s32 @!p0 $0x1BF5;
	p2 =	por !p2, p0  }
0x20: {  	[sflag:s8] =	ssyncset.s32 @!p0 $0xFFFFF086;
	s6 =	sadd.s32 @!p0 s3, s7;
	s7 =	simm.s32 @!p0 $0x108  }
0x21: {  	s3 =	sadd.s32 s3, s9;
	s6 =	sadd.s32 @!p0 $0x88, s6;
	s7 =	simm.s32 @p2 $0x1082  }
0x22: {  	[simem:s7], [sflag:s8] =	dma.local @!p0 [hbm:s6], $0xF7A  }
0x23: {  	s9 =	sor.u32 $0xD0000000, s2;
	s6 =	simm.s32 $0x108;
	_ =	swait.ge @!p0 [sflag:s8], $0x0  }
0x24: {  	s3 =	sadd.s32 $0x88, s3;
	s6 =	simm.s32 @!p1 $0x1082;
	[sflag:s4] =	ssyncset.s32 $0xFFFFF086  }
0x25: {  	[simem:s6], [sflag:s4] =	dma.local [hbm:s3], $0xF7A  }
0x26: {  	[smem:$0x3F95] =	sst s1;
	(tag) =	ssettag s2;
	_ =	strace s9  }
0x27: {  	s1 =	sld [smem:$0x3FA5]  }
0x28: {  	s2 =	sld [smem:$0x3FA6]  }
0x29: {  	s4 =	sld [smem:$0x3FA8]  }
0x2a: {  	p0 =	seq.s32 s5, $0x0;
	s5 =	sld [smem:$0x3FA9]  }
0x2b: {  	s6 =	sld [smem:$0x3FAA]  }
0x2c: {  	s7 =	sld [smem:$0x3FAB]  }
0x2d: {  	s3 =	simm.s32 $0x108;
	s8 =	sld [smem:$0x3FAC]  }
0x2e: {  	s3 =	simm.s32 @!p0 $0x1082;
	s9 =	sld [smem:$0x3FAD]  }
0x2f: {  	lr =	sadd.s32 s0, s3;
	s0 =	sld [smem:$0x3FA4]  }
0x30: {  	s3 =	sld [smem:$0x3FA7]  }
0x31: {  	[smem:$0x3FB0] =	sst s10  }
0x32: {  	s10 =	sld [smem:$0x3FAE];
	_ =	sdelay $0x3  }
0x33: {  	p0 =	seq.s32 s10, $0x1;
	s10 =	sld [smem:$0x3FB0];
	_ =	sdelay $0x3  }
0x34: {  	[smem:$0x3FB0] =	sst s10  }
0x35: {  	s10 =	sld [smem:$0x3FAF];
	_ =	sdelay $0x3  }
0x36: {  	p1 =	seq.s32 s10, $0x1;
	s10 =	sld [smem:$0x3FB0];
	_ =	sdelay $0x3  }
0x37: {  	[smem:$0x3FB0] =	sst s10  }
0x38: {  	s10 =	sld [smem:$0x3FB1]  }
0x39: {  	_ = 	snop;
	(pc) =	sbr.ind lr, $3  }
0x3a: {  	_ = 	snop  }
0x3b: {  	_ = 	snop  }
0x3c: {  	p2 =	seq.s32 s10, $0x1;
	s10 =	sld [smem:$0x3FB0]  }
0x3d: {  	_ =	shalt  }
0x3e: {  	_ =	shalt  }
0x3f: {  	_ =	shalt  }
0x40: {  	_ =	shalt  }
0x41: {  	_ =	shalt  }
0x42: {  	_ =	shalt  }
0x43: {  	_ =	shalt  }
0x44: {  	_ =	shalt  }
0x45: {  	_ =	shalt  }
0x46: {  	_ =	shalt  }
0x47: {  	_ =	shalt  }
0x48: {  	_ =	shalt  }
0x49: {  	_ =	shalt  }
0x4a: {  	_ =	shalt  }
0x4b: {  	_ =	shalt  }
0x4c: {  	_ =	shalt  }
0x4d: {  	_ =	shalt  }
0x4e: {  	_ =	shalt  }
0x4f: {  	_ =	shalt  }
0x50: {  	_ =	shalt  }
0x51: {  	_ =	shalt  }
0x52: {  	_ =	shalt  }
0x53: {  	_ =	shalt  }
0x54: {  	_ =	shalt  }
0x55: {  	_ =	shalt  }
0x56: {  	_ =	shalt  }
0x57: {  	_ =	shalt  }
0x58: {  	_ =	shalt  }
0x59: {  	_ =	shalt  }
0x5a: {  	_ =	shalt  }
0x5b: {  	_ =	shalt  }
0x5c: {  	_ =	shalt  }
0x5d: {  	_ =	shalt  }
0x5e: {  	_ =	shalt  }
0x5f: {  	_ =	shalt  }
0x60: {  	_ =	shalt  }
0x61: {  	_ =	shalt  }
0x62: {  	_ =	shalt  }
0x63: {  	_ =	shalt  }
0x64: {  	_ =	shalt  }
0x65: {  	_ =	shalt  }
0x66: {  	_ =	shalt  }
0x67: {  	_ =	shalt  }
0x68: {  	_ =	shalt  }
0x69: {  	_ =	shalt  }
0x6a: {  	_ =	shalt  }
0x6b: {  	_ =	shalt  }
0x6c: {  	_ =	shalt  }
0x6d: {  	_ =	shalt  }
0x6e: {  	_ =	shalt  }
0x6f: {  	_ =	shalt  }
0x70: {  	_ =	shalt  }
0x71: {  	_ =	shalt  }
0x72: {  	_ =	shalt  }
0x73: {  	_ =	shalt  }
0x74: {  	_ =	shalt  }
0x75: {  	_ =	shalt  }
0x76: {  	_ =	shalt  }
0x77: {  	_ =	shalt  }
0x78: {  	_ =	shalt  }
0x79: {  	_ =	shalt  }
0x7a: {  	_ =	shalt  }
0x7b: {  	_ =	shalt  }
0x7c: {  	_ =	shalt  }
0x7d: {  	_ =	shalt  }
0x7e: {  	_ =	shalt  }
0x7f: {  	_ =	shalt  }
0x80: {  	_ =	shalt  }
0x81: {  	_ =	shalt  }
0x82: {  	_ =	shalt  }
0x83: {  	_ =	shalt  }
0x84: {  	_ =	shalt  }
0x85: {  	_ =	shalt  }
0x86: {  	_ =	shalt  }
0x87: {  	_ =	shalt  }
.Lfunc_end0:
.L_simem_size_0:
called_computation.2_lowered:
.L_overlay_start_0:
0x88: {  	s2 =	sld [smem:$0x3FD9]  }
0x89: {  	s3 =	sld [smem:$0x3FFE];
	_ =	sdelay $0x1  }
0x8a: {  	s1 =	srdreg.scid  }
0x8b: {  	s0 =	sand.u32 $0x1, s1  }
0x8c: {  	s16 =	sshll.u32 s0, $0xA;
	s2 =	sadd.s32 s3, s2  }
0x8d: {  	s2 =	sadd.s32 s2, s16  }
0x8e: {  	[smem:$0x3FBC] =	sst s2  }
0x8f: {  	_ = 	snop  }
0x90: {  	(tm) =	ssettm $0x1  }
0x91: {  	s17 =	sld [smem:$0x3FFB];
	_ =	sdelay $0x3  }
0x92: {  	_ =	strace s17  }
0x93: {  	s2 =	sld [smem:$0x3FFC];
	_ =	sdelay $0x3  }
0x94: {  	_ =	strace s2  }
0x95: {  	s2 =	sld [smem:$0x3FFD];
	_ =	sdelay $0x3  }
0x96: {  	_ =	strace s2  }
0x97: {  	_ =	strace $0x8FFFFFFF  }
0x98: {  	s18 =	sld [smem:$0x3FDB];
	_ =	sdelay $0x1  }
0x99: {  	s19 =	simm.s32 $_scs_section_size  }
0x9a: {  	s4 =	simm.s32 $_size__tile_overlayer_lowered;
	s5 =	simm.s32 $_tile_overlayer_lowered  }
0x9b: {  	s22 =	simm.s32 $0x1BFF;
	s21 =	sshll.u32 s5, $0x1;
	s2 =	sadd.s32 s19, s18  }
0x9c: {  	s6 =	simm.s32 $0x0;
	s20 =	sshll.u32 s4, $0x1;
	s4 =	sadd.s32 s21, s2  }
0x9d: {  	[timem:s6], [sflag:s22] =	dma.local [hbm:s4], s20  }
0x9e: {  	_ =	swait.ge [sflag:s22], s20  }
0x9f: {  	s3 =	ssub.s32 $0x0, s20;
	[sflag:s22] =	ssyncset.done $0x0  }
0xa0: {  	[sflag:s22] =	ssyncadd.s32 s3;
	_ =	sdelay $0x1  }
0xa1: {  	s23 =	simm.s32 $0x1B8B  }
0xa2: {  	_ =	swait.ge [sflag:s23], $0x1  }
0xa3: {  	[sflag:s23] =	ssyncset.done $0x0  }
0xa4: {  	s25 =	simm.s32 $0x1B8E;
	s24 =	sld [smem:$0x3FFE];
	[sflag:s23] =	ssyncadd.s32 $0xFFFFFFFF  }
0xa5: {  	s26 =	simm.s32 $execute0_lowered;
	[smem:$0x3FD2] =	sst s25  }
0xa6: {  	s4 =	sshll.u32 s26, $0x1;
	_ =	strace $0x8000004C;
	[dreg:$0x1] =	wrdreg $0xFFFFFFFF  }
0xa7: {  	s28 =	simm.s32 $_size_execute0_lowered;
	s2 =	sadd.s32 s2, s4;
	[dreg:$0x0] =	wrdreg $0x0  }
0xa8: {  	s4 =	sshll.u32 s28, $0x1;
	[dreg:$0x2] =	wrdreg s2  }
0xa9: {  	[dreg:$0x3] =	wrdreg s4  }
0xaa: {  	[dreg:$0x4] =	wrdreg $0xC0  }
0xab: {  	_ =	task [dreg:s6], $0x5FFFF  }
0xac: {  	[dreg:$0x1] =	wrdreg $0xFFFFFFFF  }
0xad: {  	[dreg:$0x0] =	wrdreg $0x60  }
0xae: {  	[dreg:$0x2] =	wrdreg s24  }
0xaf: {  	[dreg:$0x3] =	wrdreg $0xC0000  }
0xb0: {  	[dreg:$0x4] =	wrdreg $0x9  }
0xb1: {  	_ =	task.clear_ibuf [dreg:s6], $0x5FFFF;
	_ =	strace $0x9000004C  }
0xb2: {  	s29 =	simm.s32 $0x9;
	_ =	strace $0x8000004E  }
0xb3: {  	_ =	swait.ge [sflag:s29], $0x1  }
0xb4: {  	[sflag:s29] =	ssyncadd.s32 $0xFFFFFFFF  }
0xb5: {  	_ =	strace $0x9000004E  }
0xb6: {  	_ =	sfence  }
0xb7: {  	s30 =	sld [smem:$0x0];
	_ =	sdelay $0x2  }
0xb8: {  	s31 =	sshll.u32 s1, $0xD;
	s1 =	sshrl.u32 s1, $0x2  }
0xb9: {  	s3 =	sand.u32 $0x4000, s31;
	s1 =	sadd.s32 s1, s30  }
0xba: {  	s0 =	sor.u32 s3, s0;
	s1 =	sshll.u32 s1, $0x11  }
0xbb: {  	s0 =	sor.u32 s1, s0  }
0xbc: {  	s0 =	sadd.s32 $0x8F2B, s0  }
0xbd: {  	[sflag:s0] =	ssyncadd.remote.s32 $0x1  }
0xbe: {  	_ =	sfence.sel $0xFFFF  }
0xbf: {  	[dreg:$0x0] =	wrdreg $0xFFFFFFFF;
	(pc) =	sbr.abs _section_cstart, $3  }
0xc0: {  	[dreg:$0x1] =	wrdreg $0xFFFFFFFF  }
0xc1: {  	_ =	task.clear_ibuf [dreg:s6], $0x2FFFF;
	_ =	strace $0x9FFFFFFF  }
0xc2: {  	(tm) =	ssettm $0x7FFFFFFF  }
0xc3: {  	_ =	shalt  }
tec
execute0_lowered:
.L_overlay_start_1:
0x0: {  	(tag) =	ssettag $0x1  }
0x1: {  	s0 =	rddreg [dreg:$0x0]  }
0x2: {  	s1 =	rddreg [dreg:$0x1];
	s2 =	srdreg.scid  }
0x3: {  	s3 =	simm.s32 $0x0;
	s9 =	stileid.u32;
	s28 =	simm.s32 $0x6000  }
0x4: {  	s30 =	simm.s32 $0x8000;
	s31 =	simm.s32 $0x5800;
	s5 =	smul.u32 $0x500, s9  }
0x5: {  	s29 =	simm.s32 $0x4;
	s2 =	sand.u32 $0x1, s2;
	s13 =	smul.u32 $0xA000, s9  }
0x6: {  	[smem:$0x7FF] =	sst s3;
	s7 =	sadd.s32 $0x200, s0;
	s9 =	smul.u32 $0x28000, s9  }
0x7: {  	s4 =	smul.u32 $0x9C400, s2;
	_ =	strace $0x8000004D;
	s6 =	ssub.s32 $0x2, s2  }
0x8: {  	[dreg:$0x3] =	wrdreg s7;
	s2 =	smul.u32 $0xA0000, s2;
	s5 =	sadd.s32 s5, s0  }
0x9: {  	s11 =	sshrl.u32 s6, $0x1;
	s16 =	sadd.s32 $0x2000, s13;
	s17 =	sadd.s32 $0x4000, s13  }
0xa: {  	s18 =	sadd.s32 $0x6000, s13;
	s19 =	sadd.s32 $0x8000, s13;
	s12 =	sadd.s32 s4, s0  }
0xb: {  	s4 =	sadd.s32 $0x37A00, s0;
	s0 =	sadd.s32 $0x600, s0;
	s15 =	ssub.s32 s6, s11  }
0xc: {  	s6 =	sadd.s32 s13, s1;
	s7 =	sadd.s32 s16, s1;
	s8 =	sadd.s32 s17, s1  }
0xd: {  	s10 =	sadd.s32 s18, s1;
	s11 =	sadd.s32 s19, s1;
	s14 =	sadd.s32 $0x2DA00, s5  }
0xe: {  	s5 =	sadd.s32 $0x32A00, s5;
	s20 =	sadd.s32 s13, s2;
	s23 =	sadd.s32 s2, s16  }
0xf: {  	s25 =	sadd.s32 s2, s17;
	s26 =	sadd.s32 s2, s18;
	[dreg:$0x4] =	wrdreg s14  }
0x10: {  	s2 =	sadd.s32 s2, s19;
	[dreg:$0x5] =	wrdreg s5;
	s14 =	sadd.s32 $0x2F8A00, s12  }
0x11: {  	s12 =	sshrl.u32 s9, $0x3;
	s22 =	sshrl.u32 s20, $0x3;
	s24 =	sshrl.u32 s23, $0x3  }
0x12: {  	s2 =	sshrl.u32 s2, $0x3;
	s23 =	simm.s32 $0xA000;
	s21 =	sadd.s32 s4, s12  }
0x13: {  	s5 =	sadd.s32 s0, s22;
	s12 =	sshrl.u32 s26, $0x3;
	s22 =	smax.u32 s15, $0x1  }
0x14: {  	s26 =	simm.s32 $0x80;
	[dreg:$0x6] =	wrdreg s21;
	s13 =	sadd.s32 $0x100, s21  }
.Ltmp0:
0x15: {  	[dreg:$0x8] =	wrdreg s5;
	s5 =	sadd.s32 s0, s24;
	(pc) =	sbr.rel .LBB2_1-.Ltmp0, $4  }
0x16: {  	s20 =	sadd.s32 s0, s12;
	s21 =	sadd.s32 s0, s2;
	s24 =	simm.s32 $0x5  }
0x17: {  	s2 =	simm.s32 $0x3;
	[dreg:$0x9] =	wrdreg s5;
	s5 =	sshrl.u32 s25, $0x3  }
0x18: {  	[dreg:$0x7] =	wrdreg s13;
	s25 =	simm.s32 $0x2;
	s5 =	sadd.s32 s0, s5  }
0x19: {  	s0 =	simm.s32 $0x1;
	[dreg:$0xa] =	wrdreg s5;
	s5 =	simm.s32 $0x0  }
.LBB2_8:
0x1a: {  	s12 =	stileid.u32  }
0x1b: {  	[bflag:$0x0] =	sbarrier.arrive $0xFFFF;
	s12 =	sshll.u32 s12, $0x6  }
0x1c: {  	s13 =	sshrl.u32 s6, $0x3;
	s15 =	rddreg [dreg:$0x8];
	s12 =	sor.u32 $0x1C05, s12  }
0x1d: {  	[hbm:s15], [sflag:s12] =	dma.local [spmem:s13], $0x400  }
0x1e: {  	_ =	swait.ge [sflag:s24], $0x400  }
0x1f: {  	[sflag:s24] =	ssyncset.done $0x0  }
0x20: {  	s18 =	sshrl.u32 s7, $0x3;
	s19 =	rddreg [dreg:$0x9];
	[sflag:s24] =	ssyncadd.s32 $0xFFFFFC00  }
0x21: {  	[hbm:s19], [sflag:s12] =	dma.local [spmem:s18], $0x400  }
0x22: {  	_ =	swait.ge [sflag:s24], $0x400  }
0x23: {  	[sflag:s24] =	ssyncset.done $0x0  }
0x24: {  	s16 =	sshrl.u32 s8, $0x3;
	s17 =	rddreg [dreg:$0xa];
	[sflag:s24] =	ssyncadd.s32 $0xFFFFFC00  }
0x25: {  	[hbm:s17], [sflag:s12] =	dma.local [spmem:s16], $0x400  }
0x26: {  	_ =	swait.ge [sflag:s24], $0x400  }
0x27: {  	[sflag:s24] =	ssyncset.done $0x0  }
0x28: {  	s18 =	sshrl.u32 s10, $0x3;
	[sflag:s24] =	ssyncadd.s32 $0xFFFFFC00  }
0x29: {  	[hbm:s20], [sflag:s12] =	dma.local [spmem:s18], $0x400  }
0x2a: {  	s5 =	sadd.s32 $0x1, s5;
	_ =	swait.ge [sflag:s24], $0x400  }
0x2b: {  	p0 =	sne.s32 s5, s22;
	[sflag:s24] =	ssyncset.done $0x0  }
.Ltmp1:
0x2c: {  	s19 =	sshrl.u32 s11, $0x3;
	[sflag:s24] =	ssyncadd.s32 $0xFFFFFC00;
	(pc) =	sbr.rel @!p0 .LBB2_9-.Ltmp1, $4  }
0x2d: {  	[hbm:s21], [sflag:s12] =	dma.local [spmem:s19], $0x400  }
0x2e: {  	_ =	swait.ge [sflag:s24], $0x400  }
0x2f: {  	[sflag:s24] =	ssyncset.done $0x0  }
0x30: {  	[sflag:s24] =	ssyncadd.s32 $0xFFFFFC00  }
.LBB2_1:
0x31: {  	s12 =	rddreg [dreg:$0x3]  }
0x32: {  	[tilespmem:s23], [sflag:$0x5] =	stream.linear.gather [hbm4b:s12+s3], $0x2000, $0x38;
	[tilespmem:$0x16000] =	vst v63  }
0x33: {  	_ =	swait.ge [sflag:s24], $0x2000  }
0x34: {  	[sflag:s24] =	ssyncset.done $0x0  }
0x35: {  	[sflag:s24] =	ssyncadd.s32 $0xFFFFE000  }
0x36: {  	[spmem:s6] =	stream.linear.scatter [tilespmem:s23], [sflag:$0x5], $0x2000, $0x38;
	[tilespmem:$0x16000] =	vst v63  }
0x37: {  	_ =	swait.ge [sflag:s24], $0x2000  }
0x38: {  	[sflag:s24] =	ssyncset.done $0x0  }
0x39: {  	[sflag:s24] =	ssyncadd.s32 $0xFFFFE000  }
0x3a: {  	[spmem:s7] =	stream.linear.scatter [tilespmem:s23], [sflag:$0x5], $0x2000, $0x38;
	[tilespmem:$0x16000] =	vst v63  }
0x3b: {  	_ =	swait.ge [sflag:s24], $0x2000  }
0x3c: {  	[sflag:s24] =	ssyncset.done $0x0  }
0x3d: {  	[sflag:s24] =	ssyncadd.s32 $0xFFFFE000  }
0x3e: {  	[spmem:s8] =	stream.linear.scatter [tilespmem:s23], [sflag:$0x5], $0x2000, $0x38;
	[tilespmem:$0x16000] =	vst v63  }
0x3f: {  	_ =	swait.ge [sflag:s24], $0x2000  }
0x40: {  	[sflag:s24] =	ssyncset.done $0x0  }
0x41: {  	[sflag:s24] =	ssyncadd.s32 $0xFFFFE000  }
0x42: {  	[spmem:s10] =	stream.linear.scatter [tilespmem:s23], [sflag:$0x5], $0x2000, $0x38;
	[tilespmem:$0x16000] =	vst v63  }
0x43: {  	_ =	swait.ge [sflag:s24], $0x2000  }
0x44: {  	[sflag:s24] =	ssyncset.done $0x0  }
0x45: {  	[sflag:s24] =	ssyncadd.s32 $0xFFFFE000  }
0x46: {  	[spmem:s11] =	stream.linear.scatter [tilespmem:s23], [sflag:$0x5], $0x2000, $0x38;
	[tilespmem:$0x16000] =	vst v63  }
0x47: {  	_ =	swait.ge [sflag:s24], $0x2000  }
0x48: {  	[sflag:s24] =	ssyncset.done $0x0  }
0x49: {  	s15 =	rddreg [dreg:$0x4];
	[sflag:s24] =	ssyncadd.s32 $0xFFFFE000  }
0x4a: {  	[tilespmem:s3], [sflag:$0x5] =	stream.linear.gather [hbm4b:s15+s3], $0x2800, $0x38;
	[tilespmem:$0x16000] =	vst v63  }
0x4b: {  	_ =	swait.ge [sflag:s24], $0x2800  }
0x4c: {  	[sflag:s24] =	ssyncset.done $0x0  }
0x4d: {  	s13 =	simm.s32 $0x2800;
	s16 =	rddreg [dreg:$0x5];
	[sflag:s24] =	ssyncadd.s32 $0xFFFFD800  }
0x4e: {  	[tilespmem:s13], [sflag:$0x5] =	stream.linear.gather [hbm4b:s16+s3], $0x2800, $0x38;
	[tilespmem:$0x16000] =	vst v63  }
0x4f: {  	_ =	swait.ge [sflag:s24], $0x2800  }
0x50: {  	[sflag:s24] =	ssyncset.done $0x0  }
0x51: {  	[sflag:s24] =	ssyncadd.s32 $0xFFFFD800  }
0x52: {  	[bflag:$0x0] =	sbarrier.arrive $0xFFFF  }
0x53: {  	[tilespmem:s28], [sflag:$0x1] =	stream.indirect.gather [hbm4b:s14+s26], $0x40, s3, s26, $0xb8;
	[tilespmem:$0x16000] =	vst v63  }
0x54: {  	s18 =	simm.s32 $0x5000;
	s17 =	rddreg [dreg:$0x6]  }
0x55: {  	[tilespmem:s18], [sflag:$0x3] =	stream.linear.gather [hbm4b:s17+s3], $0x800, $0x38;
	[tilespmem:$0x16000] =	vst v63  }
0x56: {  	_ = 	snop  }
0x57: {  	[tilespmem:s30], [sflag:$0x2] =	stream.indirect.gather [hbm4b:s14+s26], $0x40, s26, s26, $0xb8;
	[tilespmem:$0x16000] =	vst v63  }
0x58: {  	s12 =	simm.s32 $0x0;
	s19 =	rddreg [dreg:$0x7]  }
0x59: {  	[tilespmem:s31], [sflag:$0x4] =	stream.linear.gather [hbm4b:s19+s3], $0x800, $0x38;
	[tilespmem:$0x16000] =	vst v63  }
.LBB2_2:
0x5a: {  	_ =	swait.ge [sflag:s0], $0x2000  }
0x5b: {  	[sflag:s0] =	ssyncset.done $0x0  }
0x5c: {  	[sflag:s0] =	ssyncadd.s32 $0xFFFFE000  }
0x5d: {  	_ =	swait.ge [sflag:s2], $0x800  }
0x5e: {  	[sflag:s2] =	ssyncset.done $0x0  }
0x5f: {  	s13 =	simm.s32 $0x6020;
	[sflag:s2] =	ssyncadd.s32 $0xFFFFF800  }
0x60: {  	v0 =	vld [tilespmem:s13+$0xFFFFFFF0]  }
0x61: {  	v2 =	vld [tilespmem:s13+$0x10]  }
0x62: {  	s15 =	simm.s32 $0x0;
	v1 =	vld [tilespmem:s13+$0xFFFFFFE0]  }
0x63: {  	v4 =	vld [tilespmem:s15+$0x5000]  }
0x64: {  	v5 =	vld [tilespmem:s13+$0x0];
	_ =	sdelay $0x3  }
0x65: {  	v1 =	vmul.f32 v1, v4;
	v3 =	vmul.f32 v2, v4  }
0x66: {  	s16 =	simm.s32 $0x40;
	s17 =	simm.s32 $0x6020;
	v2 =	vmul.f32 v0, v4;
	v0 =	vmul.f32 v5, v4  }
.LBB2_3:
0x67: {  	p0 =	sne.s32 s16, $0x1FC0  }
0x68: {  	[tilespmem:s13+$0x10] =	vst v3;
	s17 =	sadd.s32 $0x40, s17;
	s15 =	smov.u32 s16;
	s16 =	sadd.s32 $0x40, s16  }
0x69: {  	v4 =	vld [tilespmem:s17+$0xFFFFFFF0];
	[tilespmem:s13+$0xFFFFFFE0] =	vst v1  }
0x6a: {  	v3 =	vld [tilespmem:s17+$0x10];
	[tilespmem:s13+$0xFFFFFFF0] =	vst v2  }
0x6b: {  	s15 =	sshra.s32 s15, $0x2;
	v1 =	vld [tilespmem:s17+$0xFFFFFFE0];
	[tilespmem:s13+$0x0] =	vst v0;
	s13 =	smov.u32 s17  }
0x6c: {  	v0 =	vld [tilespmem:s15+$0x5000]  }
0x6d: {  	v5 =	vld [tilespmem:s17+$0x0]  }
.Ltmp2:
0x6e: {  	(pc) =	sbr.rel @p0 .LBB2_3-.Ltmp2, $3  }
0x6f: {  	_ =	sdelay $0x1  }
0x70: {  	v1 =	vmul.f32 v1, v0;
	v3 =	vmul.f32 v3, v0  }
0x71: {  	v2 =	vmul.f32 v4, v0;
	v0 =	vmul.f32 v5, v0  }
0x72: {  	[tilespmem:s13+$0x10] =	vst v3  }
0x73: {  	[tilespmem:s13+$0xFFFFFFE0] =	vst v1  }
0x74: {  	s15 =	sshll.u32 s12, $0x8;
	[tilespmem:s13+$0xFFFFFFF0] =	vst v2  }
0x75: {  	p0 =	seq.s32 s12, $0x27;
	s16 =	sand.u32 $0x3FFFFF00, s15;
	[tilespmem:s13+$0x0] =	vst v0;
	s13 =	sshll.u32 s12, $0x1  }
0x76: {  	s19 =	simm.s32 @!p0 $0x6000;
	s18 =	sadd.s32 $0x2800, s16;
	s15 =	sadd.s32 @!p0 $0x2, s13  }
0x77: {  	[spmem:s1] =	stream.indirect.scatter.add.f32 [tilespmem:s28], [sflag:$0x5], $0x40, s18, s26, $0xb8;
	[tilespmem:$0x16000] =	vst v63  }
0x78: {  	s17 =	sshll.u32 @!p0 s15, $0x7;
	s15 =	sshll.u32 @!p0 s15, $0xB;
	_ =	swait.ge [sflag:s24], $0x2000  }
0x79: {  	s18 =	simm.s32 @!p0 $0x80;
	s15 =	sadd.s32 @!p0 s9, s15;
	[sflag:s24] =	ssyncset.done $0x0  }
0x7a: {  	s17 =	sand.u32 @!p0 $0x3FFFFF80, s17;
	s15 =	sshrl.u32 @!p0 s15, $0x3;
	[sflag:s24] =	ssyncadd.s32 $0xFFFFE000  }
0x7b: {  	[tilespmem:s19], [sflag:$0x1] =	stream.indirect.gather @!p0 [hbm4b:s14+s18], $0x40, s17, s18, $0xb8;
	[tilespmem:$0x16000] =	vst v63  }
0x7c: {  	s15 =	sadd.s32 @!p0 s4, s15;
	s17 =	simm.s32 @!p0 $0x0;
	s18 =	simm.s32 @!p0 $0x5000  }
0x7d: {  	[tilespmem:s18], [sflag:$0x3] =	stream.linear.gather @!p0 [hbm4b:s15+s17], $0x800, $0x38;
	[tilespmem:$0x16000] =	vst v63  }
0x7e: {  	_ =	swait.ge [sflag:s25], $0x2000  }
0x7f: {  	[sflag:s25] =	ssyncset.done $0x0  }
0x80: {  	[sflag:s25] =	ssyncadd.s32 $0xFFFFE000  }
0x81: {  	_ =	swait.ge [sflag:s29], $0x800  }
0x82: {  	[sflag:s29] =	ssyncset.done $0x0  }
0x83: {  	s17 =	simm.s32 $0x8020;
	[sflag:s29] =	ssyncadd.s32 $0xFFFFF800  }
0x84: {  	v0 =	vld [tilespmem:s17+$0xFFFFFFF0]  }
0x85: {  	v2 =	vld [tilespmem:s17+$0x10]  }
0x86: {  	s19 =	simm.s32 $0x0;
	v1 =	vld [tilespmem:s17+$0xFFFFFFE0]  }
0x87: {  	v4 =	vld [tilespmem:s19+$0x5800]  }
0x88: {  	v5 =	vld [tilespmem:s17+$0x0];
	_ =	sdelay $0x3  }
0x89: {  	v1 =	vmul.f32 v1, v4;
	v3 =	vmul.f32 v2, v4  }
0x8a: {  	s18 =	simm.s32 $0x40;
	s15 =	simm.s32 $0x8020;
	v2 =	vmul.f32 v0, v4;
	v0 =	vmul.f32 v5, v4  }
.LBB2_5:
0x8b: {  	p1 =	sne.s32 s18, $0x1FC0  }
0x8c: {  	[tilespmem:s17+$0x10] =	vst v3;
	s15 =	sadd.s32 $0x40, s15;
	s19 =	smov.u32 s18;
	s18 =	sadd.s32 $0x40, s18  }
0x8d: {  	v4 =	vld [tilespmem:s15+$0xFFFFFFF0];
	[tilespmem:s17+$0xFFFFFFE0] =	vst v1  }
0x8e: {  	v3 =	vld [tilespmem:s15+$0x10];
	[tilespmem:s17+$0xFFFFFFF0] =	vst v2  }
0x8f: {  	s19 =	sshra.s32 s19, $0x2;
	v1 =	vld [tilespmem:s15+$0xFFFFFFE0];
	[tilespmem:s17+$0x0] =	vst v0;
	s17 =	smov.u32 s15  }
0x90: {  	v0 =	vld [tilespmem:s19+$0x5800]  }
0x91: {  	v5 =	vld [tilespmem:s15+$0x0]  }
.Ltmp3:
0x92: {  	(pc) =	sbr.rel @p1 .LBB2_5-.Ltmp3, $3  }
0x93: {  	_ =	sdelay $0x1  }
0x94: {  	v1 =	vmul.f32 v1, v0;
	v3 =	vmul.f32 v3, v0  }
0x95: {  	v2 =	vmul.f32 v4, v0;
	v0 =	vmul.f32 v5, v0  }
0x96: {  	[tilespmem:s17+$0x10] =	vst v3  }
0x97: {  	[tilespmem:s17+$0xFFFFFFE0] =	vst v1  }
0x98: {  	[tilespmem:s17+$0xFFFFFFF0] =	vst v2  }
.Ltmp4:
0x99: {  	s15 =	sadd.s32 $0x2880, s16;
	[tilespmem:s17+$0x0] =	vst v0;
	(pc) =	sbr.rel @p0 .LBB2_8-.Ltmp4, $4  }
0x9a: {  	[spmem:s1] =	stream.indirect.scatter.add.f32 [tilespmem:s30], [sflag:$0x5], $0x40, s15, s26, $0xb8;
	[tilespmem:$0x16000] =	vst v63  }
0x9b: {  	_ =	swait.ge [sflag:s24], $0x2000  }
0x9c: {  	[sflag:s24] =	ssyncset.done $0x0  }
0x9d: {  	[sflag:s24] =	ssyncadd.s32 $0xFFFFE000  }
0x9e: {  	s13 =	sadd.s32 $0x3, s13  }
0x9f: {  	s15 =	sshll.u32 s13, $0x7;
	s13 =	sshll.u32 s13, $0xB  }
.Ltmp5:
0xa0: {  	s15 =	sand.u32 $0x3FFFFF80, s15;
	s13 =	sadd.s32 s9, s13;
	(pc) =	sbr.rel .LBB2_2-.Ltmp5, $4  }
0xa1: {  	[tilespmem:s30], [sflag:$0x2] =	stream.indirect.gather [hbm4b:s14+s26], $0x40, s15, s26, $0xb8;
	[tilespmem:$0x16000] =	vst v63  }
0xa2: {  	s13 =	sshrl.u32 s13, $0x3  }
0xa3: {  	s12 =	sadd.s32 $0x1, s12;
	s13 =	sadd.s32 s4, s13  }
0xa4: {  	[tilespmem:s31], [sflag:$0x4] =	stream.linear.gather [hbm4b:s13+s3], $0x800, $0x38;
	[tilespmem:$0x16000] =	vst v63  }
.LBB2_9:
0xa5: {  	_ =	sfence.sel $0x180000  }
0xa6: {  	[bflag:$0x0] =	sbarrier.arrive $0xFFFF  }
0xa7: {  	_ =	strace $0x9000004D  }
0xa8: {  	s0 =	stileid.u32;
	[bflag:$0x2] =	sbarrier.arrive $0xFFFF  }
0xa9: {  	p0 =	sne.s32 s0, $0x0;
	s0 =	rddreg [dreg:$0x2]  }
0xaa: {  	s0 =	sadd.s32 @!p0 $0x100000, s0  }
0xab: {  	[sflag:s0] =	ssyncadd.tile.s32 @!p0 $0x1;
	_ =	shalt  }
.Lfunc_end2:
_tile_overlayer_lowered:
.L_overlay_start_2:
0xac: {  	(tag) =	ssettag $0x2  }
0xad: {  	s0 =	rddreg [dreg:$0x0];
	s2 =	stileid.u32  }
0xae: {  	s1 =	rddreg [dreg:$0x1];
	p0 =	sne.s32 s2, $0x0  }
0xaf: {  	s3 =	rddreg [dreg:$0x2];
	[bflag:$0x3] =	sbarrier.arrive $0xFFFF;
	s2 =	simm.s32 @!p0 $0x1C05  }
0xb0: {  	[timem:s3], [sflag:s2] =	dma.local @!p0 [hbm:s0], s1  }
0xb1: {  	s0 =	simm.s32 @!p0 $0x5  }
0xb2: {  	_ =	swait.ge @!p0 [sflag:s0], s1  }
0xb3: {  	s1 =	ssub.s32 @!p0 $0x0, s1;
	[sflag:s0] =	ssyncset.done @!p0 $0x0  }
0xb4: {  	[sflag:s0] =	ssyncadd.s32 @!p0 s1  }
0xb5: {  	[bflag:$0x3] =	sbarrier.arrive $0xFFFF  }
0xb6: {  	_ =	shalt  }

// kernel: kernel.8.cloned.1.call-start
scs
__scs_entry_jumppad:
0x0: {  	(pc) =	sbr.rel $0x88, $3  }
0x1: {  	(tag) =	ssettag $0x0;
	lr =	simm.s32 $0x1  }
0x2: {  	[smem:$0x3F95] =	sst lr;
	_ =	strace $0xD0000000  }
0x3: {  	_ = 	snop  }
0x4: {  	_ = 	snop  }
0x5: {  	_ = 	snop  }
0x6: {  	_ = 	snop  }
0x7: {  	_ = 	snop  }
__scs_overlays_trampoline_lowered:
0x8: {  	[smem:$0x3FA4] =	sst s0  }
0x9: {  	[smem:$0x3FA5] =	sst s1  }
0xa: {  	[smem:$0x3FA6] =	sst s2  }
0xb: {  	[smem:$0x3FA7] =	sst s3  }
0xc: {  	[smem:$0x3FA8] =	sst s4  }
0xd: {  	[smem:$0x3FA9] =	sst s5  }
0xe: {  	[smem:$0x3FAA] =	sst s6  }
0xf: {  	[smem:$0x3FAB] =	sst s7  }
0x10: {  	[smem:$0x3FAC] =	sst s8  }
0x11: {  	[smem:$0x3FAD] =	sst s9;
	s0 =	simm.s32 @!p0 $0x0  }
0x12: {  	s1 =	sld [smem:$0x3F93];
	s0 =	simm.s32 @p0 $0x1  }
0x13: {  	[smem:$0x3FAE] =	sst s0;
	s0 =	simm.s32 @!p1 $0x0  }
0x14: {  	s2 =	sld [smem:$0x3F92];
	s0 =	simm.s32 @p1 $0x1  }
0x15: {  	[smem:$0x3FAF] =	sst s0;
	s0 =	simm.s32 @!p2 $0x0  }
0x16: {  	s3 =	sld [smem:$0x3FDB];
	s0 =	simm.s32 @p2 $0x1  }
0x17: {  	s4 =	simm.s32 $0x1BF5;
	[smem:$0x3FB1] =	sst s0  }
0x18: {  	s0 =	sld [smem:$0x3F94];
	_ =	swait.ge [sflag:s4], $0x0  }
0x19: {  	s7 =	sld [smem:$0x3F95]  }
0x1a: {  	s8 =	sadd.s32 $0xFFFFE003, lr  }
0x1b: {  	s9 =	sadd.s32 $0xFFFFFEF7, lr;
	s5 =	simm.s32 $0xFFFFFFFF;
	p2 =	slt.u32 s8, $0xFFFFF086  }
0x1c: {  	p1 =	slt.u32 s9, $0xF7A;
	s5 =	simm.s32 @!p2 $0x0  }
0x1d: {  	s5 =	simm.s32 @p1 $0x1;
	p0 =	seq.s32 s7, s2  }
0x1e: {  	s7 =	smul.u32 @!p0 $0xF7A, s2;
	p2 =	seq.s32 @!p0 s5, $0x0  }
0x1f: {  	s9 =	smul.u32 $0xF7A, s1;
	s8 =	simm.s32 @!p0 $0x1BF5;
	p2 =	por !p2, p0  }
0x20: {  	[sflag:s8] =	ssyncset.s32 @!p0 $0xFFFFF086;
	s6 =	sadd.s32 @!p0 s3, s7;
	s7 =	simm.s32 @!p0 $0x108  }
0x21: {  	s3 =	sadd.s32 s3, s9;
	s6 =	sadd.s32 @!p0 $0x88, s6;
	s7 =	simm.s32 @p2 $0x1082  }
0x22: {  	[simem:s7], [sflag:s8] =	dma.local @!p0 [hbm:s6], $0xF7A  }
0x23: {  	s9 =	sor.u32 $0xD0000000, s2;
	s6 =	simm.s32 $0x108;
	_ =	swait.ge @!p0 [sflag:s8], $0x0  }
0x24: {  	s3 =	sadd.s32 $0x88, s3;
	s6 =	simm.s32 @!p1 $0x1082;
	[sflag:s4] =	ssyncset.s32 $0xFFFFF086  }
0x25: {  	[simem:s6], [sflag:s4] =	dma.local [hbm:s3], $0xF7A  }
0x26: {  	[smem:$0x3F95] =	sst s1;
	(tag) =	ssettag s2;
	_ =	strace s9  }
0x27: {  	s1 =	sld [smem:$0x3FA5]  }
0x28: {  	s2 =	sld [smem:$0x3FA6]  }
0x29: {  	s4 =	sld [smem:$0x3FA8]  }
0x2a: {  	p0 =	seq.s32 s5, $0x0;
	s5 =	sld [smem:$0x3FA9]  }
0x2b: {  	s6 =	sld [smem:$0x3FAA]  }
0x2c: {  	s7 =	sld [smem:$0x3FAB]  }
0x2d: {  	s3 =	simm.s32 $0x108;
	s8 =	sld [smem:$0x3FAC]  }
0x2e: {  	s3 =	simm.s32 @!p0 $0x1082;
	s9 =	sld [smem:$0x3FAD]  }
0x2f: {  	lr =	sadd.s32 s0, s3;
	s0 =	sld [smem:$0x3FA4]  }
0x30: {  	s3 =	sld [smem:$0x3FA7]  }
0x31: {  	[smem:$0x3FB0] =	sst s10  }
0x32: {  	s10 =	sld [smem:$0x3FAE];
	_ =	sdelay $0x3  }
0x33: {  	p0 =	seq.s32 s10, $0x1;
	s10 =	sld [smem:$0x3FB0];
	_ =	sdelay $0x3  }
0x34: {  	[smem:$0x3FB0] =	sst s10  }
0x35: {  	s10 =	sld [smem:$0x3FAF];
	_ =	sdelay $0x3  }
0x36: {  	p1 =	seq.s32 s10, $0x1;
	s10 =	sld [smem:$0x3FB0];
	_ =	sdelay $0x3  }
0x37: {  	[smem:$0x3FB0] =	sst s10  }
0x38: {  	s10 =	sld [smem:$0x3FB1]  }
0x39: {  	_ = 	snop;
	(pc) =	sbr.ind lr, $3  }
0x3a: {  	_ = 	snop  }
0x3b: {  	_ = 	snop  }
0x3c: {  	p2 =	seq.s32 s10, $0x1;
	s10 =	sld [smem:$0x3FB0]  }
0x3d: {  	_ =	shalt  }
0x3e: {  	_ =	shalt  }
0x3f: {  	_ =	shalt  }
0x40: {  	_ =	shalt  }
0x41: {  	_ =	shalt  }
0x42: {  	_ =	shalt  }
0x43: {  	_ =	shalt  }
0x44: {  	_ =	shalt  }
0x45: {  	_ =	shalt  }
0x46: {  	_ =	shalt  }
0x47: {  	_ =	shalt  }
0x48: {  	_ =	shalt  }
0x49: {  	_ =	shalt  }
0x4a: {  	_ =	shalt  }
0x4b: {  	_ =	shalt  }
0x4c: {  	_ =	shalt  }
0x4d: {  	_ =	shalt  }
0x4e: {  	_ =	shalt  }
0x4f: {  	_ =	shalt  }
0x50: {  	_ =	shalt  }
0x51: {  	_ =	shalt  }
0x52: {  	_ =	shalt  }
0x53: {  	_ =	shalt  }
0x54: {  	_ =	shalt  }
0x55: {  	_ =	shalt  }
0x56: {  	_ =	shalt  }
0x57: {  	_ =	shalt  }
0x58: {  	_ =	shalt  }
0x59: {  	_ =	shalt  }
0x5a: {  	_ =	shalt  }
0x5b: {  	_ =	shalt  }
0x5c: {  	_ =	shalt  }
0x5d: {  	_ =	shalt  }
0x5e: {  	_ =	shalt  }
0x5f: {  	_ =	shalt  }
0x60: {  	_ =	shalt  }
0x61: {  	_ =	shalt  }
0x62: {  	_ =	shalt  }
0x63: {  	_ =	shalt  }
0x64: {  	_ =	shalt  }
0x65: {  	_ =	shalt  }
0x66: {  	_ =	shalt  }
0x67: {  	_ =	shalt  }
0x68: {  	_ =	shalt  }
0x69: {  	_ =	shalt  }
0x6a: {  	_ =	shalt  }
0x6b: {  	_ =	shalt  }
0x6c: {  	_ =	shalt  }
0x6d: {  	_ =	shalt  }
0x6e: {  	_ =	shalt  }
0x6f: {  	_ =	shalt  }
0x70: {  	_ =	shalt  }
0x71: {  	_ =	shalt  }
0x72: {  	_ =	shalt  }
0x73: {  	_ =	shalt  }
0x74: {  	_ =	shalt  }
0x75: {  	_ =	shalt  }
0x76: {  	_ =	shalt  }
0x77: {  	_ =	shalt  }
0x78: {  	_ =	shalt  }
0x79: {  	_ =	shalt  }
0x7a: {  	_ =	shalt  }
0x7b: {  	_ =	shalt  }
0x7c: {  	_ =	shalt  }
0x7d: {  	_ =	shalt  }
0x7e: {  	_ =	shalt  }
0x7f: {  	_ =	shalt  }
0x80: {  	_ =	shalt  }
0x81: {  	_ =	shalt  }
0x82: {  	_ =	shalt  }
0x83: {  	_ =	shalt  }
0x84: {  	_ =	shalt  }
0x85: {  	_ =	shalt  }
0x86: {  	_ =	shalt  }
0x87: {  	_ =	shalt  }
.Lfunc_end0:
.L_simem_size_0:
called_computation_lowered:
.L_overlay_start_0:
0x88: {  	s2 =	sld [smem:$0x3FD9]  }
0x89: {  	s3 =	sld [smem:$0x3FFE];
	_ =	sdelay $0x1  }
0x8a: {  	s1 =	srdreg.scid  }
0x8b: {  	s0 =	sand.u32 $0x1, s1  }
0x8c: {  	s17 =	sshll.u32 s0, $0xA;
	s2 =	sadd.s32 s3, s2  }
0x8d: {  	s2 =	sadd.s32 s2, s17  }
0x8e: {  	[smem:$0x3FBC] =	sst s2  }
0x8f: {  	_ = 	snop  }
0x90: {  	s2 =	sld [smem:$0x3FC2];
	(tm) =	ssettm $0x1  }
0x91: {  	s18 =	sld [smem:$0x3FFB];
	_ =	sdelay $0x3  }
0x92: {  	_ =	strace s18  }
0x93: {  	s3 =	sld [smem:$0x3FFC];
	_ =	sdelay $0x3  }
0x94: {  	_ =	strace s3  }
0x95: {  	s3 =	sld [smem:$0x3FFD];
	_ =	sdelay $0x3  }
0x96: {  	_ =	strace s3  }
0x97: {  	_ =	strace $0x8FFFFFFF  }
0x98: {  	s19 =	sld [smem:$0x3FDB];
	_ =	sdelay $0x1  }
0x99: {  	s4 =	simm.s32 $_scs_section_size  }
0x9a: {  	s5 =	simm.s32 $_size__tile_overlayer_lowered;
	s6 =	simm.s32 $_tile_overlayer_lowered  }
0x9b: {  	s22 =	simm.s32 $0x1BFF;
	s21 =	sshll.u32 s6, $0x1;
	s3 =	sadd.s32 s4, s19  }
0x9c: {  	s7 =	simm.s32 $0x0;
	s20 =	sshll.u32 s5, $0x1;
	s5 =	sadd.s32 s21, s3  }
0x9d: {  	[timem:s7], [sflag:s22] =	dma.local [hbm:s5], s20  }
0x9e: {  	_ =	swait.ge [sflag:s22], s20  }
0x9f: {  	s4 =	ssub.s32 $0x0, s20;
	[sflag:s22] =	ssyncset.done $0x0  }
0xa0: {  	[sflag:s22] =	ssyncadd.s32 s4;
	_ =	sdelay $0x1  }
0xa1: {  	s23 =	simm.s32 $0x1B8B  }
0xa2: {  	_ =	swait.ge [sflag:s23], $0x1  }
0xa3: {  	[sflag:s23] =	ssyncset.done $0x0  }
0xa4: {  	s25 =	simm.s32 $0x1B8E;
	s24 =	sld [smem:$0x3FFE];
	[sflag:s23] =	ssyncadd.s32 $0xFFFFFFFF  }
0xa5: {  	s26 =	simm.s32 $execute0_lowered;
	[smem:$0x3FD2] =	sst s25  }
0xa6: {  	s5 =	sshll.u32 s26, $0x1;
	_ =	strace $0x80000046;
	[dreg:$0x1] =	wrdreg $0xFFFFFFFF  }
0xa7: {  	s28 =	simm.s32 $_size_execute0_lowered;
	s3 =	sadd.s32 s3, s5;
	[dreg:$0x0] =	wrdreg $0x0  }
0xa8: {  	s5 =	sshll.u32 s28, $0x1;
	[dreg:$0x2] =	wrdreg s3  }
0xa9: {  	[dreg:$0x3] =	wrdreg s5  }
0xaa: {  	[dreg:$0x4] =	wrdreg $0xC0  }
0xab: {  	_ =	task [dreg:s7], $0x5FFFF  }
0xac: {  	[dreg:$0x1] =	wrdreg $0xFFFFFFFF  }
0xad: {  	[dreg:$0x0] =	wrdreg $0x60  }
0xae: {  	[dreg:$0x2] =	wrdreg s24  }
0xaf: {  	[dreg:$0x3] =	wrdreg s2  }
0xb0: {  	[dreg:$0x4] =	wrdreg $0x9  }
0xb1: {  	_ =	task.clear_ibuf [dreg:s7], $0x5FFFF;
	_ =	strace $0x90000046  }
0xb2: {  	s29 =	simm.s32 $0x9;
	_ =	strace $0x80000048  }
0xb3: {  	_ =	swait.ge [sflag:s29], $0x1  }
0xb4: {  	[sflag:s29] =	ssyncadd.s32 $0xFFFFFFFF  }
0xb5: {  	_ =	strace $0x90000048  }
0xb6: {  	_ =	sfence  }
0xb7: {  	s30 =	sld [smem:$0x0];
	_ =	sdelay $0x2  }
0xb8: {  	s31 =	sshll.u32 s1, $0xD;
	s1 =	sshrl.u32 s1, $0x2  }
0xb9: {  	s3 =	sand.u32 $0x4000, s31;
	s1 =	sadd.s32 s1, s30  }
0xba: {  	s0 =	sor.u32 s3, s0;
	s1 =	sshll.u32 s1, $0x11  }
0xbb: {  	s0 =	sor.u32 s1, s0  }
0xbc: {  	s0 =	sadd.s32 $0x8F2B, s0  }
0xbd: {  	[sflag:s0] =	ssyncadd.remote.s32 $0x1  }
0xbe: {  	_ =	sfence.sel $0xFFFF  }
0xbf: {  	[dreg:$0x0] =	wrdreg $0xFFFFFFFF;
	(pc) =	sbr.abs _section_cstart, $3  }
0xc0: {  	[dreg:$0x1] =	wrdreg $0xFFFFFFFF  }
0xc1: {  	_ =	task.clear_ibuf [dreg:s7], $0x2FFFF;
	_ =	strace $0x9FFFFFFF  }
0xc2: {  	(tm) =	ssettm $0x7FFFFFFF  }
0xc3: {  	_ =	shalt  }
tec
execute0_lowered:
.L_overlay_start_1:
0x0: {  	(tag) =	ssettag $0x1  }
0x1: {  	s0 =	srdreg.scid  }
0x2: {  	s15 =	sand.u32 $0x1, s0  }
0x3: {  	s16 =	rddreg [dreg:$0x0];
	s0 =	stileid.u32;
	s1 =	sshll.u32 s15, $0x4  }
0x4: {  	s2 =	rddreg [dreg:$0x1];
	s3 =	simm.s32 $0x0;
	s17 =	sor.u32 s0, s1  }
0x5: {  	[smem:$0x7FF] =	sst s3;
	s4 =	sshll.u32 s17, $0x6  }
0x6: {  	s1 =	rddreg [dreg:$0x2];
	s4 =	sadd.s32 s4, s16  }
0x7: {  	_ =	strace $0x80000047;
	s5 =	sadd.s32 $0x200, s4;
	s4 =	simm.s32 $0x2  }
0x8: {  	[tilespmem:s3], [sflag:$0x2] =	stream.linear.gather [hbm4b:s5+s3], $0x200, $0x38;
	[tilespmem:$0xA200] =	vst v63  }
0x9: {  	_ =	swait.ge [sflag:s4], $0x200  }
0xa: {  	[sflag:s4] =	ssyncset.done $0x0  }
0xb: {  	s6 =	simm.s32 $0x50;
	s7 =	simm.s32 $0x200;
	[sflag:s4] =	ssyncadd.s32 $0xFFFFFE00  }
0xc: {  	[tilespmem:s7], [sflag:$0x1] =	stream.indirect.gather [hbm4b:s2+s6], $0x80, s3, s6, $0xb8;
	[tilespmem:$0xA200] =	vst v63  }
0xd: {  	s8 =	simm.s32 $0x80;
	s9 =	simm.s32 $0x2A00  }
0xe: {  	[tilespmem:s9], [sflag:$0x1] =	stream.indirect.gather [hbm4b:s2+s6], $0x80, s8, s6, $0xb8;
	[tilespmem:$0xA200] =	vst v63  }
0xf: {  	s10 =	simm.s32 $0x100;
	s11 =	simm.s32 $0x5200  }
0x10: {  	[tilespmem:s11], [sflag:$0x1] =	stream.indirect.gather [hbm4b:s2+s6], $0x80, s10, s6, $0xb8;
	[tilespmem:$0xA200] =	vst v63  }
0x11: {  	s12 =	simm.s32 $0x180;
	s13 =	simm.s32 $0x7A00;
	s14 =	simm.s32 $0x1  }
0x12: {  	[tilespmem:s13], [sflag:$0x1] =	stream.indirect.gather [hbm4b:s2+s6], $0x80, s12, s6, $0xb8;
	[tilespmem:$0xA200] =	vst v63  }
0x13: {  	_ =	swait.ge [sflag:s14], $0x2800  }
0x14: {  	[sflag:s14] =	ssyncset.done $0x0  }
0x15: {  	[sflag:s14] =	ssyncadd.s32 $0xFFFFD800  }
0x16: {  	_ =	swait.ge [sflag:s14], $0x2800  }
0x17: {  	[sflag:s14] =	ssyncset.done $0x0  }
0x18: {  	s15 =	ssub.s32 $0x2, s15;
	[sflag:s14] =	ssyncadd.s32 $0xFFFFD800  }
0x19: {  	s18 =	sshrl.u32 s15, $0x1;
	_ =	swait.ge [sflag:s14], $0x2800  }
0x1a: {  	s30 =	ssub.s32 s15, s18;
	[sflag:s14] =	ssyncset.done $0x0  }
0x1b: {  	s17 =	smul.u32 $0x1400, s17;
	s31 =	smax.u32 s30, $0x1;
	[sflag:s14] =	ssyncadd.s32 $0xFFFFD800  }
0x1c: {  	p0 =	sne.s32 s31, $0x1;
	_ =	swait.ge [sflag:s14], $0x2800  }
.Ltmp0:
0x1d: {  	s16 =	sadd.s32 s17, s16;
	[sflag:s14] =	ssyncset.done $0x0;
	(pc) =	sbr.rel @!p0 .LBB2_2-.Ltmp0, $4  }
0x1e: {  	s15 =	sadd.s32 $0xA00, s16;
	[sflag:s14] =	ssyncadd.s32 $0xFFFFD800  }
0x1f: {  	[hbm4b:s15+s3] =	stream.linear.scatter [tilespmem:s7], [sflag:$0x2], $0xA000, $0x38;
	[tilespmem:$0xA200] =	vst v63  }
0x20: {  	_ =	swait.ge [sflag:s4], $0xA000  }
0x21: {  	s16 =	sadd.s32 $0xFFFFFFFF, s31;
	[sflag:s4] =	ssyncset.done $0x0  }
.LBB2_1:
0x22: {  	p0 =	sne.s32 s16, $0x1;
	s16 =	sadd.s32 $0xFFFFFFFF, s16;
	[sflag:s4] =	ssyncadd.s32 $0xFFFF6000  }
0x23: {  	[tilespmem:s3], [sflag:$0x2] =	stream.linear.gather [hbm4b:s5+s3], $0x200, $0x38;
	[tilespmem:$0xA200] =	vst v63  }
0x24: {  	_ =	swait.ge [sflag:s4], $0x200  }
0x25: {  	[sflag:s4] =	ssyncset.done $0x0  }
0x26: {  	[sflag:s4] =	ssyncadd.s32 $0xFFFFFE00  }
0x27: {  	[tilespmem:s7], [sflag:$0x1] =	stream.indirect.gather [hbm4b:s2+s6], $0x80, s3, s6, $0xb8;
	[tilespmem:$0xA200] =	vst v63  }
0x28: {  	_ = 	snop  }
0x29: {  	[tilespmem:s9], [sflag:$0x1] =	stream.indirect.gather [hbm4b:s2+s6], $0x80, s8, s6, $0xb8;
	[tilespmem:$0xA200] =	vst v63  }
0x2a: {  	_ = 	snop  }
0x2b: {  	[tilespmem:s11], [sflag:$0x1] =	stream.indirect.gather [hbm4b:s2+s6], $0x80, s10, s6, $0xb8;
	[tilespmem:$0xA200] =	vst v63  }
0x2c: {  	_ = 	snop  }
0x2d: {  	[tilespmem:s13], [sflag:$0x1] =	stream.indirect.gather [hbm4b:s2+s6], $0x80, s12, s6, $0xb8;
	[tilespmem:$0xA200] =	vst v63  }
0x2e: {  	_ =	swait.ge [sflag:s14], $0x2800  }
0x2f: {  	[sflag:s14] =	ssyncset.done $0x0  }
0x30: {  	[sflag:s14] =	ssyncadd.s32 $0xFFFFD800  }
0x31: {  	_ =	swait.ge [sflag:s14], $0x2800  }
0x32: {  	[sflag:s14] =	ssyncset.done $0x0  }
0x33: {  	[sflag:s14] =	ssyncadd.s32 $0xFFFFD800  }
0x34: {  	_ =	swait.ge [sflag:s14], $0x2800  }
0x35: {  	[sflag:s14] =	ssyncset.done $0x0  }
0x36: {  	[sflag:s14] =	ssyncadd.s32 $0xFFFFD800  }
0x37: {  	_ =	swait.ge [sflag:s14], $0x2800  }
.Ltmp1:
0x38: {  	[sflag:s14] =	ssyncset.done $0x0;
	(pc) =	sbr.rel @p0 .LBB2_1-.Ltmp1, $4  }
0x39: {  	[sflag:s14] =	ssyncadd.s32 $0xFFFFD800  }
0x3a: {  	[hbm4b:s15+s3] =	stream.linear.scatter [tilespmem:s7], [sflag:$0x2], $0xA000, $0x38;
	[tilespmem:$0xA200] =	vst v63  }
0x3b: {  	_ =	swait.ge [sflag:s4], $0xA000  }
0x3c: {  	[sflag:s4] =	ssyncset.done $0x0  }
.LBB2_2:
0x3d: {  	[sflag:s4] =	ssyncadd.s32 $0xFFFF6000  }
0x3e: {  	_ =	sfence.sel $0x180000  }
0x3f: {  	[bflag:$0x0] =	sbarrier.arrive $0xFFFF  }
0x40: {  	p0 =	sne.s32 s0, $0x0;
	_ =	strace $0x90000047  }
0x41: {  	s0 =	sadd.s32 @!p0 $0x100000, s1;
	[bflag:$0x2] =	sbarrier.arrive $0xFFFF  }
0x42: {  	[sflag:s0] =	ssyncadd.tile.s32 @!p0 $0x1;
	_ =	shalt  }
.Lfunc_end2:
_tile_overlayer_lowered:
.L_overlay_start_2:
0x43: {  	(tag) =	ssettag $0x2  }
0x44: {  	s0 =	rddreg [dreg:$0x0];
	s2 =	stileid.u32  }
0x45: {  	s1 =	rddreg [dreg:$0x1];
	p0 =	sne.s32 s2, $0x0  }
0x46: {  	s3 =	rddreg [dreg:$0x2];
	[bflag:$0x3] =	sbarrier.arrive $0xFFFF;
	s2 =	simm.s32 @!p0 $0x1C02  }
0x47: {  	[timem:s3], [sflag:s2] =	dma.local @!p0 [hbm:s0], s1  }
0x48: {  	s0 =	simm.s32 @!p0 $0x2  }
0x49: {  	_ =	swait.ge @!p0 [sflag:s0], s1  }
0x4a: {  	s1 =	ssub.s32 @!p0 $0x0, s1;
	[sflag:s0] =	ssyncset.done @!p0 $0x0  }
0x4b: {  	[sflag:s0] =	ssyncadd.s32 @!p0 s1  }
0x4c: {  	[bflag:$0x3] =	sbarrier.arrive $0xFFFF  }
0x4d: {  	_ =	shalt  }

</sc_bundles>
